<compile_context>
chip_gen: v7x
topology: tpu7x:2x2x1
jax: 0.10.2.dev20260603
libtpu: 0.0.44.dev20260713+nightly
codegen_flags: <defaults>
</compile_context>

<pallas_src>
import functools

import jax
import jax.numpy as jnp
from jax import lax
from jax.experimental import pallas as pl
from jax.experimental.pallas import tpu as pltpu
from jax.experimental.pallas import tpu_sc as plsc

N = 10000
D = 128
NC, NS = 2, 16
NW = NC * NS
CHUNK = 128
CPG = 8
GA = 13
GB = 7
N_SP = 10112
RPT = N_SP // NS

_mesh = plsc.VectorSubcoreMesh(core_axis_name="c", subcore_axis_name="s")


N_DEG = 10240
DEG_PT = N_DEG // NS


def _sc_deg(chunks):
    @functools.partial(
        pl.kernel,
        out_type=jax.ShapeDtypeStruct((NC, N_DEG), jnp.float32),
        mesh=_mesh,
        compiler_params=pltpu.CompilerParams(needs_layout_passes=False),
        scratch_types=[
            pltpu.VMEM((chunks * CHUNK,), jnp.int32),
            pltpu.VMEM((NS * DEG_PT,), jnp.float32),
            pltpu.VMEM_SHARED((NS, N_DEG), jnp.float32),
        ],
    )
    def deg_kernel(col_hbm, out_hbm, col_v, deg_loc, stage_sh):
        c = lax.axis_index("c")
        s = lax.axis_index("s")
        wid = c * NS + s
        pltpu.sync_copy(col_hbm.at[wid], col_v)

        def zbody(i, carry):
            deg_loc[pl.ds(i * 16, 16)] = jnp.zeros((16,), jnp.float32)
            return carry

        lax.fori_loop(0, N_DEG // 16, zbody, 0)
        lanes = lax.iota(jnp.int32, 16)

        def body(j, carry):
            cols = col_v[pl.ds(j * 16, 16)]
            for k in range(16):
                mk = lanes == k
                v = plsc.load_gather(deg_loc, [cols], mask=mk)
                plsc.store_scatter(deg_loc, [cols], v + 1.0, mask=mk)
            return carry

        lax.fori_loop(0, chunks * CHUNK // 16, body, 0)
        pltpu.sync_copy(deg_loc.at[pl.ds(0, N_DEG)], stage_sh.at[s])
        plsc.subcore_barrier()
        span = s * DEG_PT
        for p in range(NS):
            pltpu.sync_copy(stage_sh.at[p, pl.ds(span, DEG_PT)],
                            deg_loc.at[pl.ds(p * DEG_PT, DEG_PT)])

        def rbody(i, carry):
            acc = deg_loc[pl.ds(i * 16, 16)]
            for p in range(1, NS):
                acc = acc + deg_loc[pl.ds(p * DEG_PT + i * 16, 16)]
            deg_loc[pl.ds(i * 16, 16)] = acc
            return carry

        lax.fori_loop(0, DEG_PT // 16, rbody, 0)
        pltpu.sync_copy(deg_loc.at[pl.ds(0, DEG_PT)],
                        out_hbm.at[c, pl.ds(span, DEG_PT)])

    return deg_kernel


def _sc_agg(totalg):

    @functools.partial(
        pl.kernel,
        out_type=jax.ShapeDtypeStruct((NC, N_SP, D), jnp.float32),
        mesh=_mesh,
        scratch_types=[
            pltpu.VMEM((CPG, CHUNK), jnp.int32),
            pltpu.VMEM((CPG, CHUNK), jnp.int32),
            pltpu.VMEM((CHUNK, D), jnp.float32),
            pltpu.VMEM_SHARED((N_SP, D), jnp.float32),
            pltpu.SemaphoreType.DMA,
        ],
    )
    def agg_kernel(row_hbm, col_hbm, h_hbm, zeros_hbm, out_hbm,
                   row_v, col_v, buf0, agg_sh, sem0):
        c = lax.axis_index("c")
        s = lax.axis_index("s")
        base = s * RPT
        base_g = jnp.where(c == 0, s * GA, NS * GA + s * GB)
        ng = jnp.where(c == 0, GA, GB)
        pltpu.sync_copy(zeros_hbm.at[pl.ds(base, RPT)], agg_sh.at[pl.ds(base, RPT)])
        plsc.subcore_barrier()

        def gbody(g, carry):
            pltpu.sync_copy(row_hbm.at[base_g + g], row_v)
            pltpu.sync_copy(col_hbm.at[base_g + g], col_v)

            def cbody(k, carry2):
                pltpu.async_copy(h_hbm.at[row_v.at[k]], buf0, sem0).wait()
                pltpu.sync_copy(buf0, agg_sh.at[col_v.at[k]], add=True)
                return carry2

            lax.fori_loop(0, CPG, cbody, 0)
            return carry

        lax.fori_loop(0, ng, gbody, 0)
        plsc.subcore_barrier()
        pltpu.sync_copy(agg_sh.at[pl.ds(base, RPT)], out_hbm.at[c, pl.ds(base, RPT)])

    return agg_kernel


def _tc_first(degp, x, W1, V1):
    bk = 2000
    grid = N // bk

    def body(degp_ref, x_ref, w_ref, v_ref, dinv_ref, h1p_ref, xv1_ref):
        deg = degp_ref[0, :, :] + degp_ref[1, :, :]
        dinv = jnp.where(deg > 0, lax.rsqrt(deg), 0.0)
        xb = x_ref[...]
        h = jnp.dot(xb, w_ref[...], preferred_element_type=jnp.float32)
        h1p_ref[...] = dinv * h
        xv1_ref[...] = jnp.dot(xb, v_ref[...], preferred_element_type=jnp.float32)
        dinv_ref[...] = jnp.broadcast_to(dinv, (bk, 8))

    return pl.pallas_call(
        body,
        grid=(grid,),
        in_specs=[
            pl.BlockSpec((2, bk, 1), lambda i: (0, i, 0)),
            pl.BlockSpec((bk, D), lambda i: (i, 0)),
            pl.BlockSpec((D, D), lambda i: (0, 0)),
            pl.BlockSpec((D, D), lambda i: (0, 0)),
        ],
        out_specs=[
            pl.BlockSpec((bk, 8), lambda i: (i, 0)),
            pl.BlockSpec((bk, D), lambda i: (i, 0)),
            pl.BlockSpec((bk, D), lambda i: (i, 0)),
        ],
        out_shape=[
            jax.ShapeDtypeStruct((N, 8), jnp.float32),
            jax.ShapeDtypeStruct((N, D), jnp.float32),
            jax.ShapeDtypeStruct((N, D), jnp.float32),
        ],
    )(degp, x, W1, V1)


def _tc_mid(aggp, dinv8, xv1, b1, W2, V2):
    bk = 2000
    grid = N // bk

    def body(aggp_ref, dinv_ref, xv_ref, b_ref, w_ref, v_ref, h2p_ref, xv2_ref):
        dinv = dinv_ref[:, 0:1]
        agg = aggp_ref[0, :, :] + aggp_ref[1, :, :]
        h = jnp.maximum(dinv * agg + xv_ref[...] + b_ref[...], 0.0)
        hw = jnp.dot(h, w_ref[...], preferred_element_type=jnp.float32)
        h2p_ref[...] = dinv * hw
        xv2_ref[...] = jnp.dot(h, v_ref[...], preferred_element_type=jnp.float32)

    return pl.pallas_call(
        body,
        grid=(grid,),
        in_specs=[
            pl.BlockSpec((2, bk, D), lambda i: (0, i, 0)),
            pl.BlockSpec((bk, 8), lambda i: (i, 0)),
            pl.BlockSpec((bk, D), lambda i: (i, 0)),
            pl.BlockSpec((1, D), lambda i: (0, 0)),
            pl.BlockSpec((D, D), lambda i: (0, 0)),
            pl.BlockSpec((D, D), lambda i: (0, 0)),
        ],
        out_specs=[
            pl.BlockSpec((bk, D), lambda i: (i, 0)),
            pl.BlockSpec((bk, D), lambda i: (i, 0)),
        ],
        out_shape=[
            jax.ShapeDtypeStruct((N, D), jnp.float32),
            jax.ShapeDtypeStruct((N, D), jnp.float32),
        ],
    )(aggp, dinv8, xv1, b1, W2, V2)


def _tc_last(aggp, dinv8, xv2, b2):
    bk = 2000
    grid = N // bk

    def body(aggp_ref, dinv_ref, xv_ref, b_ref, out_ref):
        dinv = dinv_ref[:, 0:1]
        agg = aggp_ref[0, :, :] + aggp_ref[1, :, :]
        out_ref[...] = jnp.maximum(dinv * agg + xv_ref[...] + b_ref[...], 0.0)

    return pl.pallas_call(
        body,
        grid=(grid,),
        in_specs=[
            pl.BlockSpec((2, bk, D), lambda i: (0, i, 0)),
            pl.BlockSpec((bk, 8), lambda i: (i, 0)),
            pl.BlockSpec((bk, D), lambda i: (i, 0)),
            pl.BlockSpec((1, D), lambda i: (0, 0)),
        ],
        out_specs=pl.BlockSpec((bk, D), lambda i: (i, 0)),
        out_shape=jax.ShapeDtypeStruct((N, D), jnp.float32),
    )(aggp, dinv8, xv2, b2)


def kernel(x, edge_index, W1, V1, b1, W2, V2, b2):
    e = edge_index.shape[1]
    totalg = NS * (GA + GB)
    epg = CPG * CHUNK
    assert totalg * epg >= e
    e_pad = totalg * epg
    ei = edge_index.astype(jnp.int32)
    row = jnp.concatenate([ei[0], jnp.zeros((e_pad - e,), jnp.int32)])
    col = jnp.concatenate([ei[1], jnp.full((e_pad - e,), N, jnp.int32)])
    row_r = row.reshape(totalg, CPG, CHUNK)
    col_r = col.reshape(totalg, CPG, CHUNK)

    zerosd = jnp.zeros((N_SP, D), jnp.float32)
    b1r = b1.reshape(1, D)
    b2r = b2.reshape(1, D)

    chunks = e_pad // (NW * CHUNK)
    col_f = col.reshape(NW, chunks * CHUNK)
    degp = _sc_deg(chunks)(col_f).reshape(NC, N_DEG, 1)
    dinv8, h1p, xv1 = _tc_first(degp, x, W1, V1)
    agg1 = _sc_agg(totalg)(row_r, col_r, h1p, zerosd)
    h2p, xv2 = _tc_mid(agg1, dinv8, xv1, b1r, W2, V2)
    agg2 = _sc_agg(totalg)(row_r, col_r, h2p, zerosd)
    return _tc_last(agg2, dinv8, xv2, b2r)

# --- scband reference (transcript-rebuilt; emitter-appended) ---
"""Pipeline reference for scband-armanet-39702677684840 (READ-ONLY COPY).

The authoritative reference and input builder live on the scoring server;
editing this copy changes nothing except your own understanding.
"""

import jax, jax.numpy as jnp
import numpy as np

N_NODES = 10000
N_EDGES = 320000
D_FEAT = 128
HIDDEN = 128


def arma_conv(x, edge_index, W, V, b):
    # ARMAConv with num_stacks=1, num_layers=1, act=relu, dropout=0:
    #   out = relu( A_hat @ (x @ W) + x @ V + b ), A_hat = D^-1/2 A D^-1/2 (no self-loops)
    row = edge_index[0]
    col = edge_index[1]
    n = x.shape[0]
    ones = jnp.ones((edge_index.shape[1],), dtype=x.dtype)
    deg = jnp.zeros((n,), dtype=x.dtype).at[col].add(ones)
    deg_inv_sqrt = jnp.where(deg > 0, deg ** -0.5, 0.0)
    norm = deg_inv_sqrt[row] * deg_inv_sqrt[col]
    h = x @ W
    msg = norm[:, None] * jnp.take(h, row, axis=0)
    agg = jnp.zeros((n, W.shape[1]), dtype=x.dtype).at[col].add(msg)
    out = jax.nn.relu(agg + x @ V + b)
    return out


def setup_inputs(seed: int = 0) -> dict:
    key = jax.random.key(seed)
    k_x, k_e, k1, k2, k3, k4 = jax.random.split(key, 6)
    x = jax.random.normal(k_x, (N_NODES, D_FEAT), dtype=jnp.float32)
    edge_index = jax.random.randint(k_e, (2, N_EDGES), 0, N_NODES, dtype=jnp.int64)
    W1 = 0.05 * jax.random.normal(k1, (D_FEAT, HIDDEN), dtype=jnp.float32)
    V1 = 0.05 * jax.random.normal(k2, (D_FEAT, HIDDEN), dtype=jnp.float32)
    b1 = jnp.zeros((HIDDEN,), dtype=jnp.float32)
    W2 = 0.05 * jax.random.normal(k3, (HIDDEN, HIDDEN), dtype=jnp.float32)
    V2 = 0.05 * jax.random.normal(k4, (HIDDEN, HIDDEN), dtype=jnp.float32)
    b2 = jnp.zeros((HIDDEN,), dtype=jnp.float32)
    return {"x": x, "edge_index": edge_index, "W1": W1, "V1": V1, "b1": b1, "W2": W2, "V2": V2, "b2": b2}


def reference(x, edge_index, W1, V1, b1, W2, V2, b2):
    h = arma_conv(x, edge_index, W1, V1, b1)
    h = jax.nn.relu(h)
    out = arma_conv(h, edge_index, W2, V2, b2)
    return out

if __name__ == "__main__":
    import jax
    _d = setup_inputs()
    print(jax.jit(kernel)(*tuple(_d.values())))

</pallas_src>

<mosaic_0001>
#map = affine_map<(d0, d1) -> (0, 0, 0)>
#map1 = affine_map<(d0, d1) -> (0, 0)>
module attributes {stable_mosaic.version = 14 : i64} {
  func.func @agg_kernel(%arg0: i32, %arg1: i32, %arg2: memref<320x8x128xi32, #tpu.memory_space<hbm>>, %arg3: memref<320x8x128xi32, #tpu.memory_space<hbm>>, %arg4: memref<10000x128xf32, #tpu.memory_space<hbm>>, %arg5: memref<10112x128xf32, #tpu.memory_space<hbm>>, %arg6: memref<2x10112x128xf32, #tpu.memory_space<hbm>>, %arg7: memref<8x128xi32, #tpu.memory_space<vmem>>, %arg8: memref<8x128xi32, #tpu.memory_space<vmem>>, %arg9: memref<128x128xf32, #tpu.memory_space<vmem>>, %arg10: memref<10112x128xf32, #tpu.memory_space<vmem_shared>>, %arg11: memref<!tpu.dma_semaphore, #tpu.memory_space<semaphore_mem>>) attributes {dimension_semantics = [#tpu.dimension_semantics<core_parallel>, #tpu.dimension_semantics<subcore_parallel>], iteration_bounds = array<i64: 2, 16>, scalar_prefetch = 0 : i64, scratch_operands = 5 : i64, tpu.core_type = #tpu.core_type<sc_vector_subcore>, window_params = [{transform_indices = #map}, {transform_indices = #map}, {transform_indices = #map1}, {transform_indices = #map1}, {transform_indices = #map}]} {
    %mul3A = arith.constant 632 : i32
    %mul3A_0 = arith.muli %arg1, %mul3A : i32
    %eq3A = arith.constant 0 : i32
    %eq3A_1 = arith.cmpi eq, %arg0, %eq3A : i32
    %mul3A_2 = arith.constant 13 : i32
    %mul3A_3 = arith.muli %arg1, %mul3A_2 : i32
    %mul3A_4 = arith.constant 7 : i32
    %mul3A_5 = arith.muli %arg1, %mul3A_4 : i32
    %add3A = arith.constant 208 : i32
    %add3A_6 = arith.addi %add3A, %mul3A_5 : i32
    %select_n3A = arith.select %eq3A_1, %mul3A_3, %add3A_6 : i32
    %eq3A_7 = arith.constant 0 : i32
    %eq3A_8 = arith.cmpi eq, %arg0, %eq3A_7 : i32
    %jit3A = arith.constant 13 : i32
    %jit3A_9 = arith.constant 7 : i32
    %select_n3A_10 = arith.select %eq3A_8, %jit3A, %jit3A_9 : i32
    "tpu.region"() ({
      %run_scoped3A = tpu.sem_alloc : memref<!tpu.dma_semaphore, #tpu.memory_space<semaphore_mem>>
      %dma_start3A = arith.constant 0 : i32
      %dma_start3A_21 = tpu.memref_slice %arg10[%mul3A_0, %dma_start3A] : memref<10112x128xf32, #tpu.memory_space<vmem_shared>> -> memref<632x128xf32, #tpu.memory_space<vmem_shared>>
      %dma_start3A_22 = arith.constant 0 : i32
      %dma_start3A_23 = tpu.memref_slice %arg5[%mul3A_0, %dma_start3A_22] : memref<10112x128xf32, #tpu.memory_space<hbm>> -> memref<632x128xf32, #tpu.memory_space<hbm>>
      tpu.enqueue_dma source(%dma_start3A_23 : memref<632x128xf32, #tpu.memory_space<hbm>>) target(%dma_start3A_21 : memref<632x128xf32, #tpu.memory_space<vmem_shared>>) target_semaphore(%run_scoped3A : memref<!tpu.dma_semaphore, #tpu.memory_space<semaphore_mem>>)
      %dma_wait3A = arith.constant 0 : i32
      %dma_wait3A_24 = tpu.memref_slice %arg10[%mul3A_0, %dma_wait3A] : memref<10112x128xf32, #tpu.memory_space<vmem_shared>> -> memref<632x128xf32, #tpu.memory_space<vmem_shared>>
      %dma_wait3A_25 = arith.constant 0 : i32
      %dma_wait3A_26 = tpu.memref_slice %arg5[%mul3A_0, %dma_wait3A_25] : memref<10112x128xf32, #tpu.memory_space<hbm>> -> memref<632x128xf32, #tpu.memory_space<hbm>>
      tpu.wait_dma2 semaphore(%run_scoped3A : memref<!tpu.dma_semaphore, #tpu.memory_space<semaphore_mem>>) src(%dma_wait3A_26 : memref<632x128xf32, #tpu.memory_space<hbm>>) dst(%dma_wait3A_24 : memref<632x128xf32, #tpu.memory_space<vmem_shared>>)
      tpu.yield
    }) : () -> ()
    %barrier3A = arith.constant 0 : index
    tpu.barrier barrier_id(%barrier3A)
    %while3A = arith.constant 0 : i32
    %while3A_11 = arith.constant 0 : i32
    %while3A_12 = arith.subi %select_n3A_10, %while3A_11 : i32
    %while3A_13 = arith.addi %while3A_11, %while3A_12 : i32
    %while3A_14 = arith.constant 1 : i32
    %while3A_15 = arith.divsi %while3A_12, %while3A_14 : i32
    %while3A_16 = arith.muli %while3A_15, %while3A_14 : i32
    %while3A_17 = arith.addi %while3A_11, %while3A_16 : i32
    %while3A_18 = arith.constant 1 : i32
    scf.for %while3A_21 = %while3A_11 to %while3A_17 step %while3A_18  : i32 {
      %add3A_22 = arith.addi %select_n3A, %while3A_21 : i32
      "tpu.region"() ({
        %run_scoped3A = tpu.sem_alloc : memref<!tpu.dma_semaphore, #tpu.memory_space<semaphore_mem>>
        %dma_start3A = arith.constant 0 : i32
        %dma_start3A_29 = arith.constant 0 : i32
        %dma_start3A_30 = tpu.memref_slice %arg2[%add3A_22, %dma_start3A, %dma_start3A_29] : memref<320x8x128xi32, #tpu.memory_space<hbm>> -> memref<1x8x128xi32, #tpu.memory_space<hbm>>
        %dma_start3A_31 = tpu.memref_squeeze %dma_start3A_30 : memref<1x8x128xi32, #tpu.memory_space<hbm>> -> memref<8x128xi32, #tpu.memory_space<hbm>>
        %dma_start3A_32 = arith.constant 0 : i32
        %dma_start3A_33 = arith.constant 0 : i32
        %dma_start3A_34 = tpu.memref_slice %arg2[%add3A_22, %dma_start3A_32, %dma_start3A_33] : memref<320x8x128xi32, #tpu.memory_space<hbm>> -> memref<1x8x128xi32, #tpu.memory_space<hbm>>
        %dma_start3A_35 = tpu.memref_squeeze %dma_start3A_34 : memref<1x8x128xi32, #tpu.memory_space<hbm>> -> memref<8x128xi32, #tpu.memory_space<hbm>>
        tpu.enqueue_dma source(%dma_start3A_35 : memref<8x128xi32, #tpu.memory_space<hbm>>) target(%arg7 : memref<8x128xi32, #tpu.memory_space<vmem>>) target_semaphore(%run_scoped3A : memref<!tpu.dma_semaphore, #tpu.memory_space<semaphore_mem>>)
        %dma_wait3A = arith.constant 0 : i32
        %dma_wait3A_36 = arith.constant 0 : i32
        %dma_wait3A_37 = tpu.memref_slice %arg2[%add3A_22, %dma_wait3A, %dma_wait3A_36] : memref<320x8x128xi32, #tpu.memory_space<hbm>> -> memref<1x8x128xi32, #tpu.memory_space<hbm>>
        %dma_wait3A_38 = tpu.memref_squeeze %dma_wait3A_37 : memref<1x8x128xi32, #tpu.memory_space<hbm>> -> memref<8x128xi32, #tpu.memory_space<hbm>>
        %dma_wait3A_39 = arith.constant 0 : i32
        %dma_wait3A_40 = arith.constant 0 : i32
        %dma_wait3A_41 = tpu.memref_slice %arg2[%add3A_22, %dma_wait3A_39, %dma_wait3A_40] : memref<320x8x128xi32, #tpu.memory_space<hbm>> -> memref<1x8x128xi32, #tpu.memory_space<hbm>>
        %dma_wait3A_42 = tpu.memref_squeeze %dma_wait3A_41 : memref<1x8x128xi32, #tpu.memory_space<hbm>> -> memref<8x128xi32, #tpu.memory_space<hbm>>
        tpu.wait_dma2 semaphore(%run_scoped3A : memref<!tpu.dma_semaphore, #tpu.memory_space<semaphore_mem>>) src(%dma_wait3A_42 : memref<8x128xi32, #tpu.memory_space<hbm>>) dst(%arg7 : memref<8x128xi32, #tpu.memory_space<vmem>>)
        tpu.yield
      }) : () -> ()
      %add3A_23 = arith.addi %select_n3A, %while3A_21 : i32
      "tpu.region"() ({
        %run_scoped3A = tpu.sem_alloc : memref<!tpu.dma_semaphore, #tpu.memory_space<semaphore_mem>>
        %dma_start3A = arith.constant 0 : i32
        %dma_start3A_29 = arith.constant 0 : i32
        %dma_start3A_30 = tpu.memref_slice %arg3[%add3A_23, %dma_start3A, %dma_start3A_29] : memref<320x8x128xi32, #tpu.memory_space<hbm>> -> memref<1x8x128xi32, #tpu.memory_space<hbm>>
        %dma_start3A_31 = tpu.memref_squeeze %dma_start3A_30 : memref<1x8x128xi32, #tpu.memory_space<hbm>> -> memref<8x128xi32, #tpu.memory_space<hbm>>
        %dma_start3A_32 = arith.constant 0 : i32
        %dma_start3A_33 = arith.constant 0 : i32
        %dma_start3A_34 = tpu.memref_slice %arg3[%add3A_23, %dma_start3A_32, %dma_start3A_33] : memref<320x8x128xi32, #tpu.memory_space<hbm>> -> memref<1x8x128xi32, #tpu.memory_space<hbm>>
        %dma_start3A_35 = tpu.memref_squeeze %dma_start3A_34 : memref<1x8x128xi32, #tpu.memory_space<hbm>> -> memref<8x128xi32, #tpu.memory_space<hbm>>
        tpu.enqueue_dma source(%dma_start3A_35 : memref<8x128xi32, #tpu.memory_space<hbm>>) target(%arg8 : memref<8x128xi32, #tpu.memory_space<vmem>>) target_semaphore(%run_scoped3A : memref<!tpu.dma_semaphore, #tpu.memory_space<semaphore_mem>>)
        %dma_wait3A = arith.constant 0 : i32
        %dma_wait3A_36 = arith.constant 0 : i32
        %dma_wait3A_37 = tpu.memref_slice %arg3[%add3A_23, %dma_wait3A, %dma_wait3A_36] : memref<320x8x128xi32, #tpu.memory_space<hbm>> -> memref<1x8x128xi32, #tpu.memory_space<hbm>>
        %dma_wait3A_38 = tpu.memref_squeeze %dma_wait3A_37 : memref<1x8x128xi32, #tpu.memory_space<hbm>> -> memref<8x128xi32, #tpu.memory_space<hbm>>
        %dma_wait3A_39 = arith.constant 0 : i32
        %dma_wait3A_40 = arith.constant 0 : i32
        %dma_wait3A_41 = tpu.memref_slice %arg3[%add3A_23, %dma_wait3A_39, %dma_wait3A_40] : memref<320x8x128xi32, #tpu.memory_space<hbm>> -> memref<1x8x128xi32, #tpu.memory_space<hbm>>
        %dma_wait3A_42 = tpu.memref_squeeze %dma_wait3A_41 : memref<1x8x128xi32, #tpu.memory_space<hbm>> -> memref<8x128xi32, #tpu.memory_space<hbm>>
        tpu.wait_dma2 semaphore(%run_scoped3A : memref<!tpu.dma_semaphore, #tpu.memory_space<semaphore_mem>>) src(%dma_wait3A_42 : memref<8x128xi32, #tpu.memory_space<hbm>>) dst(%arg8 : memref<8x128xi32, #tpu.memory_space<vmem>>)
        tpu.yield
      }) : () -> ()
      %scan3A = arith.constant 0 : i32
      %scan3A_24 = arith.constant 0 : i32
      %scan3A_25 = arith.constant 8 : i32
      %scan3A_26 = arith.addi %scan3A_24, %scan3A_25 : i32
      %scan3A_27 = arith.constant 1 : i32
      scf.for %scan3A_29 = %scan3A_24 to %scan3A_26 step %scan3A_27  : i32 {
        %dma_start3A = arith.constant 0 : i32
        %dma_start3A_30 = tpu.memref_slice %arg7[%scan3A_29, %dma_start3A] : memref<8x128xi32, #tpu.memory_space<vmem>> -> memref<1x128xi32, #tpu.memory_space<vmem>>
        %dma_start3A_31 = tpu.memref_squeeze %dma_start3A_30 : memref<1x128xi32, #tpu.memory_space<vmem>> -> memref<128xi32, #tpu.memory_space<vmem>>
        %dma_start3A_32 = arith.constant 0 : i32
        %dma_start3A_33 = arith.constant 0 : i32
        %dma_start3A_34 = tpu.memref_slice %arg4[%dma_start3A_32, %dma_start3A_33] : memref<10000x128xf32, #tpu.memory_space<hbm>> -> memref<10000x128xf32, #tpu.memory_space<hbm>>
        tpu.enqueue_indirect_dma source(%dma_start3A_34 : memref<10000x128xf32, #tpu.memory_space<hbm>>) target(%arg9 : memref<128x128xf32, #tpu.memory_space<vmem>>) offsets(%dma_start3A_31 : memref<128xi32, #tpu.memory_space<vmem>>) semaphore(%arg11 : memref<!tpu.dma_semaphore, #tpu.memory_space<semaphore_mem>>)
        %dma_wait3A = arith.constant 0 : i32
        %dma_wait3A_35 = tpu.memref_slice %arg7[%scan3A_29, %dma_wait3A] : memref<8x128xi32, #tpu.memory_space<vmem>> -> memref<1x128xi32, #tpu.memory_space<vmem>>
        %dma_wait3A_36 = tpu.memref_squeeze %dma_wait3A_35 : memref<1x128xi32, #tpu.memory_space<vmem>> -> memref<128xi32, #tpu.memory_space<vmem>>
        %dma_wait3A_37 = arith.constant 0 : i32
        %dma_wait3A_38 = arith.constant 0 : i32
        %dma_wait3A_39 = tpu.memref_slice %arg4[%dma_wait3A_37, %dma_wait3A_38] : memref<10000x128xf32, #tpu.memory_space<hbm>> -> memref<10000x128xf32, #tpu.memory_space<hbm>>
        tpu.wait_indirect_dma semaphore(%arg11 : memref<!tpu.dma_semaphore, #tpu.memory_space<semaphore_mem>>) src(%dma_wait3A_39 : memref<10000x128xf32, #tpu.memory_space<hbm>>) dst(%arg9 : memref<128x128xf32, #tpu.memory_space<vmem>>)
        "tpu.region"() ({
          %run_scoped3A = tpu.sem_alloc : memref<!tpu.dma_semaphore, #tpu.memory_space<semaphore_mem>>
          %dma_start3A_40 = arith.constant 0 : i32
          %dma_start3A_41 = tpu.memref_slice %arg8[%scan3A_29, %dma_start3A_40] : memref<8x128xi32, #tpu.memory_space<vmem>> -> memref<1x128xi32, #tpu.memory_space<vmem>>
          %dma_start3A_42 = tpu.memref_squeeze %dma_start3A_41 : memref<1x128xi32, #tpu.memory_space<vmem>> -> memref<128xi32, #tpu.memory_space<vmem>>
          %dma_start3A_43 = arith.constant 0 : i32
          %dma_start3A_44 = arith.constant 0 : i32
          %dma_start3A_45 = tpu.memref_slice %arg10[%dma_start3A_43, %dma_start3A_44] : memref<10112x128xf32, #tpu.memory_space<vmem_shared>> -> memref<10112x128xf32, #tpu.memory_space<vmem_shared>>
          tpu.enqueue_indirect_dma source(%arg9 : memref<128x128xf32, #tpu.memory_space<vmem>>) target(%dma_start3A_45 : memref<10112x128xf32, #tpu.memory_space<vmem_shared>>) offsets(%dma_start3A_42 : memref<128xi32, #tpu.memory_space<vmem>>) semaphore(%run_scoped3A : memref<!tpu.dma_semaphore, #tpu.memory_space<semaphore_mem>>) {add = true}
          %dma_wait3A_46 = arith.constant 0 : i32
          %dma_wait3A_47 = tpu.memref_slice %arg8[%scan3A_29, %dma_wait3A_46] : memref<8x128xi32, #tpu.memory_space<vmem>> -> memref<1x128xi32, #tpu.memory_space<vmem>>
          %dma_wait3A_48 = tpu.memref_squeeze %dma_wait3A_47 : memref<1x128xi32, #tpu.memory_space<vmem>> -> memref<128xi32, #tpu.memory_space<vmem>>
          %dma_wait3A_49 = arith.constant 0 : i32
          %dma_wait3A_50 = arith.constant 0 : i32
          %dma_wait3A_51 = tpu.memref_slice %arg10[%dma_wait3A_49, %dma_wait3A_50] : memref<10112x128xf32, #tpu.memory_space<vmem_shared>> -> memref<10112x128xf32, #tpu.memory_space<vmem_shared>>
          tpu.wait_indirect_dma semaphore(%run_scoped3A : memref<!tpu.dma_semaphore, #tpu.memory_space<semaphore_mem>>) src(%arg9 : memref<128x128xf32, #tpu.memory_space<vmem>>) dst(%dma_wait3A_51 : memref<10112x128xf32, #tpu.memory_space<vmem_shared>>)
          tpu.yield
        }) : () -> ()
      }
      %scan3A_28 = arith.constant 8 : i32
    }
    %while3A_19 = arith.constant 1 : i32
    scf.for %while3A_21 = %while3A_17 to %while3A_13 step %while3A_19  : i32 {
      %add3A_22 = arith.addi %select_n3A, %while3A_21 : i32
      "tpu.region"() ({
        %run_scoped3A = tpu.sem_alloc : memref<!tpu.dma_semaphore, #tpu.memory_space<semaphore_mem>>
        %dma_start3A = arith.constant 0 : i32
        %dma_start3A_29 = arith.constant 0 : i32
        %dma_start3A_30 = tpu.memref_slice %arg2[%add3A_22, %dma_start3A, %dma_start3A_29] : memref<320x8x128xi32, #tpu.memory_space<hbm>> -> memref<1x8x128xi32, #tpu.memory_space<hbm>>
        %dma_start3A_31 = tpu.memref_squeeze %dma_start3A_30 : memref<1x8x128xi32, #tpu.memory_space<hbm>> -> memref<8x128xi32, #tpu.memory_space<hbm>>
        %dma_start3A_32 = arith.constant 0 : i32
        %dma_start3A_33 = arith.constant 0 : i32
        %dma_start3A_34 = tpu.memref_slice %arg2[%add3A_22, %dma_start3A_32, %dma_start3A_33] : memref<320x8x128xi32, #tpu.memory_space<hbm>> -> memref<1x8x128xi32, #tpu.memory_space<hbm>>
        %dma_start3A_35 = tpu.memref_squeeze %dma_start3A_34 : memref<1x8x128xi32, #tpu.memory_space<hbm>> -> memref<8x128xi32, #tpu.memory_space<hbm>>
        tpu.enqueue_dma source(%dma_start3A_35 : memref<8x128xi32, #tpu.memory_space<hbm>>) target(%arg7 : memref<8x128xi32, #tpu.memory_space<vmem>>) target_semaphore(%run_scoped3A : memref<!tpu.dma_semaphore, #tpu.memory_space<semaphore_mem>>)
        %dma_wait3A = arith.constant 0 : i32
        %dma_wait3A_36 = arith.constant 0 : i32
        %dma_wait3A_37 = tpu.memref_slice %arg2[%add3A_22, %dma_wait3A, %dma_wait3A_36] : memref<320x8x128xi32, #tpu.memory_space<hbm>> -> memref<1x8x128xi32, #tpu.memory_space<hbm>>
        %dma_wait3A_38 = tpu.memref_squeeze %dma_wait3A_37 : memref<1x8x128xi32, #tpu.memory_space<hbm>> -> memref<8x128xi32, #tpu.memory_space<hbm>>
        %dma_wait3A_39 = arith.constant 0 : i32
        %dma_wait3A_40 = arith.constant 0 : i32
        %dma_wait3A_41 = tpu.memref_slice %arg2[%add3A_22, %dma_wait3A_39, %dma_wait3A_40] : memref<320x8x128xi32, #tpu.memory_space<hbm>> -> memref<1x8x128xi32, #tpu.memory_space<hbm>>
        %dma_wait3A_42 = tpu.memref_squeeze %dma_wait3A_41 : memref<1x8x128xi32, #tpu.memory_space<hbm>> -> memref<8x128xi32, #tpu.memory_space<hbm>>
        tpu.wait_dma2 semaphore(%run_scoped3A : memref<!tpu.dma_semaphore, #tpu.memory_space<semaphore_mem>>) src(%dma_wait3A_42 : memref<8x128xi32, #tpu.memory_space<hbm>>) dst(%arg7 : memref<8x128xi32, #tpu.memory_space<vmem>>)
        tpu.yield
      }) : () -> ()
      %add3A_23 = arith.addi %select_n3A, %while3A_21 : i32
      "tpu.region"() ({
        %run_scoped3A = tpu.sem_alloc : memref<!tpu.dma_semaphore, #tpu.memory_space<semaphore_mem>>
        %dma_start3A = arith.constant 0 : i32
        %dma_start3A_29 = arith.constant 0 : i32
        %dma_start3A_30 = tpu.memref_slice %arg3[%add3A_23, %dma_start3A, %dma_start3A_29] : memref<320x8x128xi32, #tpu.memory_space<hbm>> -> memref<1x8x128xi32, #tpu.memory_space<hbm>>
        %dma_start3A_31 = tpu.memref_squeeze %dma_start3A_30 : memref<1x8x128xi32, #tpu.memory_space<hbm>> -> memref<8x128xi32, #tpu.memory_space<hbm>>
        %dma_start3A_32 = arith.constant 0 : i32
        %dma_start3A_33 = arith.constant 0 : i32
        %dma_start3A_34 = tpu.memref_slice %arg3[%add3A_23, %dma_start3A_32, %dma_start3A_33] : memref<320x8x128xi32, #tpu.memory_space<hbm>> -> memref<1x8x128xi32, #tpu.memory_space<hbm>>
        %dma_start3A_35 = tpu.memref_squeeze %dma_start3A_34 : memref<1x8x128xi32, #tpu.memory_space<hbm>> -> memref<8x128xi32, #tpu.memory_space<hbm>>
        tpu.enqueue_dma source(%dma_start3A_35 : memref<8x128xi32, #tpu.memory_space<hbm>>) target(%arg8 : memref<8x128xi32, #tpu.memory_space<vmem>>) target_semaphore(%run_scoped3A : memref<!tpu.dma_semaphore, #tpu.memory_space<semaphore_mem>>)
        %dma_wait3A = arith.constant 0 : i32
        %dma_wait3A_36 = arith.constant 0 : i32
        %dma_wait3A_37 = tpu.memref_slice %arg3[%add3A_23, %dma_wait3A, %dma_wait3A_36] : memref<320x8x128xi32, #tpu.memory_space<hbm>> -> memref<1x8x128xi32, #tpu.memory_space<hbm>>
        %dma_wait3A_38 = tpu.memref_squeeze %dma_wait3A_37 : memref<1x8x128xi32, #tpu.memory_space<hbm>> -> memref<8x128xi32, #tpu.memory_space<hbm>>
        %dma_wait3A_39 = arith.constant 0 : i32
        %dma_wait3A_40 = arith.constant 0 : i32
        %dma_wait3A_41 = tpu.memref_slice %arg3[%add3A_23, %dma_wait3A_39, %dma_wait3A_40] : memref<320x8x128xi32, #tpu.memory_space<hbm>> -> memref<1x8x128xi32, #tpu.memory_space<hbm>>
        %dma_wait3A_42 = tpu.memref_squeeze %dma_wait3A_41 : memref<1x8x128xi32, #tpu.memory_space<hbm>> -> memref<8x128xi32, #tpu.memory_space<hbm>>
        tpu.wait_dma2 semaphore(%run_scoped3A : memref<!tpu.dma_semaphore, #tpu.memory_space<semaphore_mem>>) src(%dma_wait3A_42 : memref<8x128xi32, #tpu.memory_space<hbm>>) dst(%arg8 : memref<8x128xi32, #tpu.memory_space<vmem>>)
        tpu.yield
      }) : () -> ()
      %scan3A = arith.constant 0 : i32
      %scan3A_24 = arith.constant 0 : i32
      %scan3A_25 = arith.constant 8 : i32
      %scan3A_26 = arith.addi %scan3A_24, %scan3A_25 : i32
      %scan3A_27 = arith.constant 1 : i32
      scf.for %scan3A_29 = %scan3A_24 to %scan3A_26 step %scan3A_27  : i32 {
        %dma_start3A = arith.constant 0 : i32
        %dma_start3A_30 = tpu.memref_slice %arg7[%scan3A_29, %dma_start3A] : memref<8x128xi32, #tpu.memory_space<vmem>> -> memref<1x128xi32, #tpu.memory_space<vmem>>
        %dma_start3A_31 = tpu.memref_squeeze %dma_start3A_30 : memref<1x128xi32, #tpu.memory_space<vmem>> -> memref<128xi32, #tpu.memory_space<vmem>>
        %dma_start3A_32 = arith.constant 0 : i32
        %dma_start3A_33 = arith.constant 0 : i32
        %dma_start3A_34 = tpu.memref_slice %arg4[%dma_start3A_32, %dma_start3A_33] : memref<10000x128xf32, #tpu.memory_space<hbm>> -> memref<10000x128xf32, #tpu.memory_space<hbm>>
        tpu.enqueue_indirect_dma source(%dma_start3A_34 : memref<10000x128xf32, #tpu.memory_space<hbm>>) target(%arg9 : memref<128x128xf32, #tpu.memory_space<vmem>>) offsets(%dma_start3A_31 : memref<128xi32, #tpu.memory_space<vmem>>) semaphore(%arg11 : memref<!tpu.dma_semaphore, #tpu.memory_space<semaphore_mem>>)
        %dma_wait3A = arith.constant 0 : i32
        %dma_wait3A_35 = tpu.memref_slice %arg7[%scan3A_29, %dma_wait3A] : memref<8x128xi32, #tpu.memory_space<vmem>> -> memref<1x128xi32, #tpu.memory_space<vmem>>
        %dma_wait3A_36 = tpu.memref_squeeze %dma_wait3A_35 : memref<1x128xi32, #tpu.memory_space<vmem>> -> memref<128xi32, #tpu.memory_space<vmem>>
        %dma_wait3A_37 = arith.constant 0 : i32
        %dma_wait3A_38 = arith.constant 0 : i32
        %dma_wait3A_39 = tpu.memref_slice %arg4[%dma_wait3A_37, %dma_wait3A_38] : memref<10000x128xf32, #tpu.memory_space<hbm>> -> memref<10000x128xf32, #tpu.memory_space<hbm>>
        tpu.wait_indirect_dma semaphore(%arg11 : memref<!tpu.dma_semaphore, #tpu.memory_space<semaphore_mem>>) src(%dma_wait3A_39 : memref<10000x128xf32, #tpu.memory_space<hbm>>) dst(%arg9 : memref<128x128xf32, #tpu.memory_space<vmem>>)
        "tpu.region"() ({
          %run_scoped3A = tpu.sem_alloc : memref<!tpu.dma_semaphore, #tpu.memory_space<semaphore_mem>>
          %dma_start3A_40 = arith.constant 0 : i32
          %dma_start3A_41 = tpu.memref_slice %arg8[%scan3A_29, %dma_start3A_40] : memref<8x128xi32, #tpu.memory_space<vmem>> -> memref<1x128xi32, #tpu.memory_space<vmem>>
          %dma_start3A_42 = tpu.memref_squeeze %dma_start3A_41 : memref<1x128xi32, #tpu.memory_space<vmem>> -> memref<128xi32, #tpu.memory_space<vmem>>
          %dma_start3A_43 = arith.constant 0 : i32
          %dma_start3A_44 = arith.constant 0 : i32
          %dma_start3A_45 = tpu.memref_slice %arg10[%dma_start3A_43, %dma_start3A_44] : memref<10112x128xf32, #tpu.memory_space<vmem_shared>> -> memref<10112x128xf32, #tpu.memory_space<vmem_shared>>
          tpu.enqueue_indirect_dma source(%arg9 : memref<128x128xf32, #tpu.memory_space<vmem>>) target(%dma_start3A_45 : memref<10112x128xf32, #tpu.memory_space<vmem_shared>>) offsets(%dma_start3A_42 : memref<128xi32, #tpu.memory_space<vmem>>) semaphore(%run_scoped3A : memref<!tpu.dma_semaphore, #tpu.memory_space<semaphore_mem>>) {add = true}
          %dma_wait3A_46 = arith.constant 0 : i32
          %dma_wait3A_47 = tpu.memref_slice %arg8[%scan3A_29, %dma_wait3A_46] : memref<8x128xi32, #tpu.memory_space<vmem>> -> memref<1x128xi32, #tpu.memory_space<vmem>>
          %dma_wait3A_48 = tpu.memref_squeeze %dma_wait3A_47 : memref<1x128xi32, #tpu.memory_space<vmem>> -> memref<128xi32, #tpu.memory_space<vmem>>
          %dma_wait3A_49 = arith.constant 0 : i32
          %dma_wait3A_50 = arith.constant 0 : i32
          %dma_wait3A_51 = tpu.memref_slice %arg10[%dma_wait3A_49, %dma_wait3A_50] : memref<10112x128xf32, #tpu.memory_space<vmem_shared>> -> memref<10112x128xf32, #tpu.memory_space<vmem_shared>>
          tpu.wait_indirect_dma semaphore(%run_scoped3A : memref<!tpu.dma_semaphore, #tpu.memory_space<semaphore_mem>>) src(%arg9 : memref<128x128xf32, #tpu.memory_space<vmem>>) dst(%dma_wait3A_51 : memref<10112x128xf32, #tpu.memory_space<vmem_shared>>)
          tpu.yield
        }) : () -> ()
      }
      %scan3A_28 = arith.constant 8 : i32
    }
    %barrier3A_20 = arith.constant 0 : index
    tpu.barrier barrier_id(%barrier3A_20)
    "tpu.region"() ({
      %run_scoped3A = tpu.sem_alloc : memref<!tpu.dma_semaphore, #tpu.memory_space<semaphore_mem>>
      %dma_start3A = arith.constant 0 : i32
      %dma_start3A_21 = tpu.memref_slice %arg6[%arg0, %mul3A_0, %dma_start3A] : memref<2x10112x128xf32, #tpu.memory_space<hbm>> -> memref<1x632x128xf32, #tpu.memory_space<hbm>>
      %dma_start3A_22 = tpu.memref_squeeze %dma_start3A_21 : memref<1x632x128xf32, #tpu.memory_space<hbm>> -> memref<632x128xf32, #tpu.memory_space<hbm>>
      %dma_start3A_23 = arith.constant 0 : i32
      %dma_start3A_24 = tpu.memref_slice %arg10[%mul3A_0, %dma_start3A_23] : memref<10112x128xf32, #tpu.memory_space<vmem_shared>> -> memref<632x128xf32, #tpu.memory_space<vmem_shared>>
      tpu.enqueue_dma source(%dma_start3A_24 : memref<632x128xf32, #tpu.memory_space<vmem_shared>>) target(%dma_start3A_22 : memref<632x128xf32, #tpu.memory_space<hbm>>) target_semaphore(%run_scoped3A : memref<!tpu.dma_semaphore, #tpu.memory_space<semaphore_mem>>)
      %dma_wait3A = arith.constant 0 : i32
      %dma_wait3A_25 = tpu.memref_slice %arg6[%arg0, %mul3A_0, %dma_wait3A] : memref<2x10112x128xf32, #tpu.memory_space<hbm>> -> memref<1x632x128xf32, #tpu.memory_space<hbm>>
      %dma_wait3A_26 = tpu.memref_squeeze %dma_wait3A_25 : memref<1x632x128xf32, #tpu.memory_space<hbm>> -> memref<632x128xf32, #tpu.memory_space<hbm>>
      %dma_wait3A_27 = arith.constant 0 : i32
      %dma_wait3A_28 = tpu.memref_slice %arg10[%mul3A_0, %dma_wait3A_27] : memref<10112x128xf32, #tpu.memory_space<vmem_shared>> -> memref<632x128xf32, #tpu.memory_space<vmem_shared>>
      tpu.wait_dma2 semaphore(%run_scoped3A : memref<!tpu.dma_semaphore, #tpu.memory_space<semaphore_mem>>) src(%dma_wait3A_28 : memref<632x128xf32, #tpu.memory_space<vmem_shared>>) dst(%dma_wait3A_26 : memref<632x128xf32, #tpu.memory_space<hbm>>)
      tpu.yield
    }) : () -> ()
    return
  }
}

#map = affine_map<(d0, d1) -> (0, 0, 0)>
#map1 = affine_map<(d0, d1) -> (0, 0)>
module attributes {stable_mosaic.version = 14 : i64} {
  func.func @agg_kernel(%arg0: i32, %arg1: i32, %arg2: memref<320x8x128xi32, #tpu.memory_space<hbm>>, %arg3: memref<320x8x128xi32, #tpu.memory_space<hbm>>, %arg4: memref<10000x128xf32, #tpu.memory_space<hbm>>, %arg5: memref<10112x128xf32, #tpu.memory_space<hbm>>, %arg6: memref<2x10112x128xf32, #tpu.memory_space<hbm>>, %arg7: memref<8x128xi32, #tpu.memory_space<vmem>>, %arg8: memref<8x128xi32, #tpu.memory_space<vmem>>, %arg9: memref<128x128xf32, #tpu.memory_space<vmem>>, %arg10: memref<10112x128xf32, #tpu.memory_space<vmem_shared>>, %arg11: memref<!tpu.dma_semaphore, #tpu.memory_space<semaphore_mem>>) attributes {dimension_semantics = [#tpu.dimension_semantics<core_parallel>, #tpu.dimension_semantics<subcore_parallel>], iteration_bounds = array<i64: 2, 16>, scalar_prefetch = 0 : i64, scratch_operands = 5 : i64, tpu.core_type = #tpu.core_type<sc_vector_subcore>, window_params = [{transform_indices = #map}, {transform_indices = #map}, {transform_indices = #map1}, {transform_indices = #map1}, {transform_indices = #map}]} {
    %mul3A = arith.constant 632 : i32
    %mul3A_0 = arith.muli %arg1, %mul3A : i32
    %eq3A = arith.constant 0 : i32
    %eq3A_1 = arith.cmpi eq, %arg0, %eq3A : i32
    %mul3A_2 = arith.constant 13 : i32
    %mul3A_3 = arith.muli %arg1, %mul3A_2 : i32
    %mul3A_4 = arith.constant 7 : i32
    %mul3A_5 = arith.muli %arg1, %mul3A_4 : i32
    %add3A = arith.constant 208 : i32
    %add3A_6 = arith.addi %add3A, %mul3A_5 : i32
    %select_n3A = arith.select %eq3A_1, %mul3A_3, %add3A_6 : i32
    %eq3A_7 = arith.constant 0 : i32
    %eq3A_8 = arith.cmpi eq, %arg0, %eq3A_7 : i32
    %jit3A = arith.constant 13 : i32
    %jit3A_9 = arith.constant 7 : i32
    %select_n3A_10 = arith.select %eq3A_8, %jit3A, %jit3A_9 : i32
    "tpu.region"() ({
      %run_scoped3A = tpu.sem_alloc : memref<!tpu.dma_semaphore, #tpu.memory_space<semaphore_mem>>
      %dma_start3A = arith.constant 0 : i32
      %dma_start3A_21 = tpu.memref_slice %arg10[%mul3A_0, %dma_start3A] : memref<10112x128xf32, #tpu.memory_space<vmem_shared>> -> memref<632x128xf32, #tpu.memory_space<vmem_shared>>
      %dma_start3A_22 = arith.constant 0 : i32
      %dma_start3A_23 = tpu.memref_slice %arg5[%mul3A_0, %dma_start3A_22] : memref<10112x128xf32, #tpu.memory_space<hbm>> -> memref<632x128xf32, #tpu.memory_space<hbm>>
      tpu.enqueue_dma source(%dma_start3A_23 : memref<632x128xf32, #tpu.memory_space<hbm>>) target(%dma_start3A_21 : memref<632x128xf32, #tpu.memory_space<vmem_shared>>) target_semaphore(%run_scoped3A : memref<!tpu.dma_semaphore, #tpu.memory_space<semaphore_mem>>)
      %dma_wait3A = arith.constant 0 : i32
      %dma_wait3A_24 = tpu.memref_slice %arg10[%mul3A_0, %dma_wait3A] : memref<10112x128xf32, #tpu.memory_space<vmem_shared>> -> memref<632x128xf32, #tpu.memory_space<vmem_shared>>
      %dma_wait3A_25 = arith.constant 0 : i32
      %dma_wait3A_26 = tpu.memref_slice %arg5[%mul3A_0, %dma_wait3A_25] : memref<10112x128xf32, #tpu.memory_space<hbm>> -> memref<632x128xf32, #tpu.memory_space<hbm>>
      tpu.wait_dma2 semaphore(%run_scoped3A : memref<!tpu.dma_semaphore, #tpu.memory_space<semaphore_mem>>) src(%dma_wait3A_26 : memref<632x128xf32, #tpu.memory_space<hbm>>) dst(%dma_wait3A_24 : memref<632x128xf32, #tpu.memory_space<vmem_shared>>)
      tpu.yield
    }) : () -> ()
    %barrier3A = arith.constant 0 : index
    tpu.barrier barrier_id(%barrier3A)
    %while3A = arith.constant 0 : i32
    %while3A_11 = arith.constant 0 : i32
    %while3A_12 = arith.subi %select_n3A_10, %while3A_11 : i32
    %while3A_13 = arith.addi %while3A_11, %while3A_12 : i32
    %while3A_14 = arith.constant 1 : i32
    %while3A_15 = arith.divsi %while3A_12, %while3A_14 : i32
    %while3A_16 = arith.muli %while3A_15, %while3A_14 : i32
    %while3A_17 = arith.addi %while3A_11, %while3A_16 : i32
    %while3A_18 = arith.constant 1 : i32
    scf.for %while3A_21 = %while3A_11 to %while3A_17 step %while3A_18  : i32 {
      %add3A_22 = arith.addi %select_n3A, %while3A_21 : i32
      "tpu.region"() ({
        %run_scoped3A = tpu.sem_alloc : memref<!tpu.dma_semaphore, #tpu.memory_space<semaphore_mem>>
        %dma_start3A = arith.constant 0 : i32
        %dma_start3A_29 = arith.constant 0 : i32
        %dma_start3A_30 = tpu.memref_slice %arg2[%add3A_22, %dma_start3A, %dma_start3A_29] : memref<320x8x128xi32, #tpu.memory_space<hbm>> -> memref<1x8x128xi32, #tpu.memory_space<hbm>>
        %dma_start3A_31 = tpu.memref_squeeze %dma_start3A_30 : memref<1x8x128xi32, #tpu.memory_space<hbm>> -> memref<8x128xi32, #tpu.memory_space<hbm>>
        %dma_start3A_32 = arith.constant 0 : i32
        %dma_start3A_33 = arith.constant 0 : i32
        %dma_start3A_34 = tpu.memref_slice %arg2[%add3A_22, %dma_start3A_32, %dma_start3A_33] : memref<320x8x128xi32, #tpu.memory_space<hbm>> -> memref<1x8x128xi32, #tpu.memory_space<hbm>>
        %dma_start3A_35 = tpu.memref_squeeze %dma_start3A_34 : memref<1x8x128xi32, #tpu.memory_space<hbm>> -> memref<8x128xi32, #tpu.memory_space<hbm>>
        tpu.enqueue_dma source(%dma_start3A_35 : memref<8x128xi32, #tpu.memory_space<hbm>>) target(%arg7 : memref<8x128xi32, #tpu.memory_space<vmem>>) target_semaphore(%run_scoped3A : memref<!tpu.dma_semaphore, #tpu.memory_space<semaphore_mem>>)
        %dma_wait3A = arith.constant 0 : i32
        %dma_wait3A_36 = arith.constant 0 : i32
        %dma_wait3A_37 = tpu.memref_slice %arg2[%add3A_22, %dma_wait3A, %dma_wait3A_36] : memref<320x8x128xi32, #tpu.memory_space<hbm>> -> memref<1x8x128xi32, #tpu.memory_space<hbm>>
        %dma_wait3A_38 = tpu.memref_squeeze %dma_wait3A_37 : memref<1x8x128xi32, #tpu.memory_space<hbm>> -> memref<8x128xi32, #tpu.memory_space<hbm>>
        %dma_wait3A_39 = arith.constant 0 : i32
        %dma_wait3A_40 = arith.constant 0 : i32
        %dma_wait3A_41 = tpu.memref_slice %arg2[%add3A_22, %dma_wait3A_39, %dma_wait3A_40] : memref<320x8x128xi32, #tpu.memory_space<hbm>> -> memref<1x8x128xi32, #tpu.memory_space<hbm>>
        %dma_wait3A_42 = tpu.memref_squeeze %dma_wait3A_41 : memref<1x8x128xi32, #tpu.memory_space<hbm>> -> memref<8x128xi32, #tpu.memory_space<hbm>>
        tpu.wait_dma2 semaphore(%run_scoped3A : memref<!tpu.dma_semaphore, #tpu.memory_space<semaphore_mem>>) src(%dma_wait3A_42 : memref<8x128xi32, #tpu.memory_space<hbm>>) dst(%arg7 : memref<8x128xi32, #tpu.memory_space<vmem>>)
        tpu.yield
      }) : () -> ()
      %add3A_23 = arith.addi %select_n3A, %while3A_21 : i32
      "tpu.region"() ({
        %run_scoped3A = tpu.sem_alloc : memref<!tpu.dma_semaphore, #tpu.memory_space<semaphore_mem>>
        %dma_start3A = arith.constant 0 : i32
        %dma_start3A_29 = arith.constant 0 : i32
        %dma_start3A_30 = tpu.memref_slice %arg3[%add3A_23, %dma_start3A, %dma_start3A_29] : memref<320x8x128xi32, #tpu.memory_space<hbm>> -> memref<1x8x128xi32, #tpu.memory_space<hbm>>
        %dma_start3A_31 = tpu.memref_squeeze %dma_start3A_30 : memref<1x8x128xi32, #tpu.memory_space<hbm>> -> memref<8x128xi32, #tpu.memory_space<hbm>>
        %dma_start3A_32 = arith.constant 0 : i32
        %dma_start3A_33 = arith.constant 0 : i32
        %dma_start3A_34 = tpu.memref_slice %arg3[%add3A_23, %dma_start3A_32, %dma_start3A_33] : memref<320x8x128xi32, #tpu.memory_space<hbm>> -> memref<1x8x128xi32, #tpu.memory_space<hbm>>
        %dma_start3A_35 = tpu.memref_squeeze %dma_start3A_34 : memref<1x8x128xi32, #tpu.memory_space<hbm>> -> memref<8x128xi32, #tpu.memory_space<hbm>>
        tpu.enqueue_dma source(%dma_start3A_35 : memref<8x128xi32, #tpu.memory_space<hbm>>) target(%arg8 : memref<8x128xi32, #tpu.memory_space<vmem>>) target_semaphore(%run_scoped3A : memref<!tpu.dma_semaphore, #tpu.memory_space<semaphore_mem>>)
        %dma_wait3A = arith.constant 0 : i32
        %dma_wait3A_36 = arith.constant 0 : i32
        %dma_wait3A_37 = tpu.memref_slice %arg3[%add3A_23, %dma_wait3A, %dma_wait3A_36] : memref<320x8x128xi32, #tpu.memory_space<hbm>> -> memref<1x8x128xi32, #tpu.memory_space<hbm>>
        %dma_wait3A_38 = tpu.memref_squeeze %dma_wait3A_37 : memref<1x8x128xi32, #tpu.memory_space<hbm>> -> memref<8x128xi32, #tpu.memory_space<hbm>>
        %dma_wait3A_39 = arith.constant 0 : i32
        %dma_wait3A_40 = arith.constant 0 : i32
        %dma_wait3A_41 = tpu.memref_slice %arg3[%add3A_23, %dma_wait3A_39, %dma_wait3A_40] : memref<320x8x128xi32, #tpu.memory_space<hbm>> -> memref<1x8x128xi32, #tpu.memory_space<hbm>>
        %dma_wait3A_42 = tpu.memref_squeeze %dma_wait3A_41 : memref<1x8x128xi32, #tpu.memory_space<hbm>> -> memref<8x128xi32, #tpu.memory_space<hbm>>
        tpu.wait_dma2 semaphore(%run_scoped3A : memref<!tpu.dma_semaphore, #tpu.memory_space<semaphore_mem>>) src(%dma_wait3A_42 : memref<8x128xi32, #tpu.memory_space<hbm>>) dst(%arg8 : memref<8x128xi32, #tpu.memory_space<vmem>>)
        tpu.yield
      }) : () -> ()
      %scan3A = arith.constant 0 : i32
      %scan3A_24 = arith.constant 0 : i32
      %scan3A_25 = arith.constant 8 : i32
      %scan3A_26 = arith.addi %scan3A_24, %scan3A_25 : i32
      %scan3A_27 = arith.constant 1 : i32
      scf.for %scan3A_29 = %scan3A_24 to %scan3A_26 step %scan3A_27  : i32 {
        %dma_start3A = arith.constant 0 : i32
        %dma_start3A_30 = tpu.memref_slice %arg7[%scan3A_29, %dma_start3A] : memref<8x128xi32, #tpu.memory_space<vmem>> -> memref<1x128xi32, #tpu.memory_space<vmem>>
        %dma_start3A_31 = tpu.memref_squeeze %dma_start3A_30 : memref<1x128xi32, #tpu.memory_space<vmem>> -> memref<128xi32, #tpu.memory_space<vmem>>
        %dma_start3A_32 = arith.constant 0 : i32
        %dma_start3A_33 = arith.constant 0 : i32
        %dma_start3A_34 = tpu.memref_slice %arg4[%dma_start3A_32, %dma_start3A_33] : memref<10000x128xf32, #tpu.memory_space<hbm>> -> memref<10000x128xf32, #tpu.memory_space<hbm>>
        tpu.enqueue_indirect_dma source(%dma_start3A_34 : memref<10000x128xf32, #tpu.memory_space<hbm>>) target(%arg9 : memref<128x128xf32, #tpu.memory_space<vmem>>) offsets(%dma_start3A_31 : memref<128xi32, #tpu.memory_space<vmem>>) semaphore(%arg11 : memref<!tpu.dma_semaphore, #tpu.memory_space<semaphore_mem>>)
        %dma_wait3A = arith.constant 0 : i32
        %dma_wait3A_35 = tpu.memref_slice %arg7[%scan3A_29, %dma_wait3A] : memref<8x128xi32, #tpu.memory_space<vmem>> -> memref<1x128xi32, #tpu.memory_space<vmem>>
        %dma_wait3A_36 = tpu.memref_squeeze %dma_wait3A_35 : memref<1x128xi32, #tpu.memory_space<vmem>> -> memref<128xi32, #tpu.memory_space<vmem>>
        %dma_wait3A_37 = arith.constant 0 : i32
        %dma_wait3A_38 = arith.constant 0 : i32
        %dma_wait3A_39 = tpu.memref_slice %arg4[%dma_wait3A_37, %dma_wait3A_38] : memref<10000x128xf32, #tpu.memory_space<hbm>> -> memref<10000x128xf32, #tpu.memory_space<hbm>>
        tpu.wait_indirect_dma semaphore(%arg11 : memref<!tpu.dma_semaphore, #tpu.memory_space<semaphore_mem>>) src(%dma_wait3A_39 : memref<10000x128xf32, #tpu.memory_space<hbm>>) dst(%arg9 : memref<128x128xf32, #tpu.memory_space<vmem>>)
        "tpu.region"() ({
          %run_scoped3A = tpu.sem_alloc : memref<!tpu.dma_semaphore, #tpu.memory_space<semaphore_mem>>
          %dma_start3A_40 = arith.constant 0 : i32
          %dma_start3A_41 = tpu.memref_slice %arg8[%scan3A_29, %dma_start3A_40] : memref<8x128xi32, #tpu.memory_space<vmem>> -> memref<1x128xi32, #tpu.memory_space<vmem>>
          %dma_start3A_42 = tpu.memref_squeeze %dma_start3A_41 : memref<1x128xi32, #tpu.memory_space<vmem>> -> memref<128xi32, #tpu.memory_space<vmem>>
          %dma_start3A_43 = arith.constant 0 : i32
          %dma_start3A_44 = arith.constant 0 : i32
          %dma_start3A_45 = tpu.memref_slice %arg10[%dma_start3A_43, %dma_start3A_44] : memref<10112x128xf32, #tpu.memory_space<vmem_shared>> -> memref<10112x128xf32, #tpu.memory_space<vmem_shared>>
          tpu.enqueue_indirect_dma source(%arg9 : memref<128x128xf32, #tpu.memory_space<vmem>>) target(%dma_start3A_45 : memref<10112x128xf32, #tpu.memory_space<vmem_shared>>) offsets(%dma_start3A_42 : memref<128xi32, #tpu.memory_space<vmem>>) semaphore(%run_scoped3A : memref<!tpu.dma_semaphore, #tpu.memory_space<semaphore_mem>>) {add = true}
          %dma_wait3A_46 = arith.constant 0 : i32
          %dma_wait3A_47 = tpu.memref_slice %arg8[%scan3A_29, %dma_wait3A_46] : memref<8x128xi32, #tpu.memory_space<vmem>> -> memref<1x128xi32, #tpu.memory_space<vmem>>
          %dma_wait3A_48 = tpu.memref_squeeze %dma_wait3A_47 : memref<1x128xi32, #tpu.memory_space<vmem>> -> memref<128xi32, #tpu.memory_space<vmem>>
          %dma_wait3A_49 = arith.constant 0 : i32
          %dma_wait3A_50 = arith.constant 0 : i32
          %dma_wait3A_51 = tpu.memref_slice %arg10[%dma_wait3A_49, %dma_wait3A_50] : memref<10112x128xf32, #tpu.memory_space<vmem_shared>> -> memref<10112x128xf32, #tpu.memory_space<vmem_shared>>
          tpu.wait_indirect_dma semaphore(%run_scoped3A : memref<!tpu.dma_semaphore, #tpu.memory_space<semaphore_mem>>) src(%arg9 : memref<128x128xf32, #tpu.memory_space<vmem>>) dst(%dma_wait3A_51 : memref<10112x128xf32, #tpu.memory_space<vmem_shared>>)
          tpu.yield
        }) : () -> ()
      }
      %scan3A_28 = arith.constant 8 : i32
    }
    %while3A_19 = arith.constant 1 : i32
    scf.for %while3A_21 = %while3A_17 to %while3A_13 step %while3A_19  : i32 {
      %add3A_22 = arith.addi %select_n3A, %while3A_21 : i32
      "tpu.region"() ({
        %run_scoped3A = tpu.sem_alloc : memref<!tpu.dma_semaphore, #tpu.memory_space<semaphore_mem>>
        %dma_start3A = arith.constant 0 : i32
        %dma_start3A_29 = arith.constant 0 : i32
        %dma_start3A_30 = tpu.memref_slice %arg2[%add3A_22, %dma_start3A, %dma_start3A_29] : memref<320x8x128xi32, #tpu.memory_space<hbm>> -> memref<1x8x128xi32, #tpu.memory_space<hbm>>
        %dma_start3A_31 = tpu.memref_squeeze %dma_start3A_30 : memref<1x8x128xi32, #tpu.memory_space<hbm>> -> memref<8x128xi32, #tpu.memory_space<hbm>>
        %dma_start3A_32 = arith.constant 0 : i32
        %dma_start3A_33 = arith.constant 0 : i32
        %dma_start3A_34 = tpu.memref_slice %arg2[%add3A_22, %dma_start3A_32, %dma_start3A_33] : memref<320x8x128xi32, #tpu.memory_space<hbm>> -> memref<1x8x128xi32, #tpu.memory_space<hbm>>
        %dma_start3A_35 = tpu.memref_squeeze %dma_start3A_34 : memref<1x8x128xi32, #tpu.memory_space<hbm>> -> memref<8x128xi32, #tpu.memory_space<hbm>>
        tpu.enqueue_dma source(%dma_start3A_35 : memref<8x128xi32, #tpu.memory_space<hbm>>) target(%arg7 : memref<8x128xi32, #tpu.memory_space<vmem>>) target_semaphore(%run_scoped3A : memref<!tpu.dma_semaphore, #tpu.memory_space<semaphore_mem>>)
        %dma_wait3A = arith.constant 0 : i32
        %dma_wait3A_36 = arith.constant 0 : i32
        %dma_wait3A_37 = tpu.memref_slice %arg2[%add3A_22, %dma_wait3A, %dma_wait3A_36] : memref<320x8x128xi32, #tpu.memory_space<hbm>> -> memref<1x8x128xi32, #tpu.memory_space<hbm>>
        %dma_wait3A_38 = tpu.memref_squeeze %dma_wait3A_37 : memref<1x8x128xi32, #tpu.memory_space<hbm>> -> memref<8x128xi32, #tpu.memory_space<hbm>>
        %dma_wait3A_39 = arith.constant 0 : i32
        %dma_wait3A_40 = arith.constant 0 : i32
        %dma_wait3A_41 = tpu.memref_slice %arg2[%add3A_22, %dma_wait3A_39, %dma_wait3A_40] : memref<320x8x128xi32, #tpu.memory_space<hbm>> -> memref<1x8x128xi32, #tpu.memory_space<hbm>>
        %dma_wait3A_42 = tpu.memref_squeeze %dma_wait3A_41 : memref<1x8x128xi32, #tpu.memory_space<hbm>> -> memref<8x128xi32, #tpu.memory_space<hbm>>
        tpu.wait_dma2 semaphore(%run_scoped3A : memref<!tpu.dma_semaphore, #tpu.memory_space<semaphore_mem>>) src(%dma_wait3A_42 : memref<8x128xi32, #tpu.memory_space<hbm>>) dst(%arg7 : memref<8x128xi32, #tpu.memory_space<vmem>>)
        tpu.yield
      }) : () -> ()
      %add3A_23 = arith.addi %select_n3A, %while3A_21 : i32
      "tpu.region"() ({
        %run_scoped3A = tpu.sem_alloc : memref<!tpu.dma_semaphore, #tpu.memory_space<semaphore_mem>>
        %dma_start3A = arith.constant 0 : i32
        %dma_start3A_29 = arith.constant 0 : i32
        %dma_start3A_30 = tpu.memref_slice %arg3[%add3A_23, %dma_start3A, %dma_start3A_29] : memref<320x8x128xi32, #tpu.memory_space<hbm>> -> memref<1x8x128xi32, #tpu.memory_space<hbm>>
        %dma_start3A_31 = tpu.memref_squeeze %dma_start3A_30 : memref<1x8x128xi32, #tpu.memory_space<hbm>> -> memref<8x128xi32, #tpu.memory_space<hbm>>
        %dma_start3A_32 = arith.constant 0 : i32
        %dma_start3A_33 = arith.constant 0 : i32
        %dma_start3A_34 = tpu.memref_slice %arg3[%add3A_23, %dma_start3A_32, %dma_start3A_33] : memref<320x8x128xi32, #tpu.memory_space<hbm>> -> memref<1x8x128xi32, #tpu.memory_space<hbm>>
        %dma_start3A_35 = tpu.memref_squeeze %dma_start3A_34 : memref<1x8x128xi32, #tpu.memory_space<hbm>> -> memref<8x128xi32, #tpu.memory_space<hbm>>
        tpu.enqueue_dma source(%dma_start3A_35 : memref<8x128xi32, #tpu.memory_space<hbm>>) target(%arg8 : memref<8x128xi32, #tpu.memory_space<vmem>>) target_semaphore(%run_scoped3A : memref<!tpu.dma_semaphore, #tpu.memory_space<semaphore_mem>>)
        %dma_wait3A = arith.constant 0 : i32
        %dma_wait3A_36 = arith.constant 0 : i32
        %dma_wait3A_37 = tpu.memref_slice %arg3[%add3A_23, %dma_wait3A, %dma_wait3A_36] : memref<320x8x128xi32, #tpu.memory_space<hbm>> -> memref<1x8x128xi32, #tpu.memory_space<hbm>>
        %dma_wait3A_38 = tpu.memref_squeeze %dma_wait3A_37 : memref<1x8x128xi32, #tpu.memory_space<hbm>> -> memref<8x128xi32, #tpu.memory_space<hbm>>
        %dma_wait3A_39 = arith.constant 0 : i32
        %dma_wait3A_40 = arith.constant 0 : i32
        %dma_wait3A_41 = tpu.memref_slice %arg3[%add3A_23, %dma_wait3A_39, %dma_wait3A_40] : memref<320x8x128xi32, #tpu.memory_space<hbm>> -> memref<1x8x128xi32, #tpu.memory_space<hbm>>
        %dma_wait3A_42 = tpu.memref_squeeze %dma_wait3A_41 : memref<1x8x128xi32, #tpu.memory_space<hbm>> -> memref<8x128xi32, #tpu.memory_space<hbm>>
        tpu.wait_dma2 semaphore(%run_scoped3A : memref<!tpu.dma_semaphore, #tpu.memory_space<semaphore_mem>>) src(%dma_wait3A_42 : memref<8x128xi32, #tpu.memory_space<hbm>>) dst(%arg8 : memref<8x128xi32, #tpu.memory_space<vmem>>)
        tpu.yield
      }) : () -> ()
      %scan3A = arith.constant 0 : i32
      %scan3A_24 = arith.constant 0 : i32
      %scan3A_25 = arith.constant 8 : i32
      %scan3A_26 = arith.addi %scan3A_24, %scan3A_25 : i32
      %scan3A_27 = arith.constant 1 : i32
      scf.for %scan3A_29 = %scan3A_24 to %scan3A_26 step %scan3A_27  : i32 {
        %dma_start3A = arith.constant 0 : i32
        %dma_start3A_30 = tpu.memref_slice %arg7[%scan3A_29, %dma_start3A] : memref<8x128xi32, #tpu.memory_space<vmem>> -> memref<1x128xi32, #tpu.memory_space<vmem>>
        %dma_start3A_31 = tpu.memref_squeeze %dma_start3A_30 : memref<1x128xi32, #tpu.memory_space<vmem>> -> memref<128xi32, #tpu.memory_space<vmem>>
        %dma_start3A_32 = arith.constant 0 : i32
        %dma_start3A_33 = arith.constant 0 : i32
        %dma_start3A_34 = tpu.memref_slice %arg4[%dma_start3A_32, %dma_start3A_33] : memref<10000x128xf32, #tpu.memory_space<hbm>> -> memref<10000x128xf32, #tpu.memory_space<hbm>>
        tpu.enqueue_indirect_dma source(%dma_start3A_34 : memref<10000x128xf32, #tpu.memory_space<hbm>>) target(%arg9 : memref<128x128xf32, #tpu.memory_space<vmem>>) offsets(%dma_start3A_31 : memref<128xi32, #tpu.memory_space<vmem>>) semaphore(%arg11 : memref<!tpu.dma_semaphore, #tpu.memory_space<semaphore_mem>>)
        %dma_wait3A = arith.constant 0 : i32
        %dma_wait3A_35 = tpu.memref_slice %arg7[%scan3A_29, %dma_wait3A] : memref<8x128xi32, #tpu.memory_space<vmem>> -> memref<1x128xi32, #tpu.memory_space<vmem>>
        %dma_wait3A_36 = tpu.memref_squeeze %dma_wait3A_35 : memref<1x128xi32, #tpu.memory_space<vmem>> -> memref<128xi32, #tpu.memory_space<vmem>>
        %dma_wait3A_37 = arith.constant 0 : i32
        %dma_wait3A_38 = arith.constant 0 : i32
        %dma_wait3A_39 = tpu.memref_slice %arg4[%dma_wait3A_37, %dma_wait3A_38] : memref<10000x128xf32, #tpu.memory_space<hbm>> -> memref<10000x128xf32, #tpu.memory_space<hbm>>
        tpu.wait_indirect_dma semaphore(%arg11 : memref<!tpu.dma_semaphore, #tpu.memory_space<semaphore_mem>>) src(%dma_wait3A_39 : memref<10000x128xf32, #tpu.memory_space<hbm>>) dst(%arg9 : memref<128x128xf32, #tpu.memory_space<vmem>>)
        "tpu.region"() ({
          %run_scoped3A = tpu.sem_alloc : memref<!tpu.dma_semaphore, #tpu.memory_space<semaphore_mem>>
          %dma_start3A_40 = arith.constant 0 : i32
          %dma_start3A_41 = tpu.memref_slice %arg8[%scan3A_29, %dma_start3A_40] : memref<8x128xi32, #tpu.memory_space<vmem>> -> memref<1x128xi32, #tpu.memory_space<vmem>>
          %dma_start3A_42 = tpu.memref_squeeze %dma_start3A_41 : memref<1x128xi32, #tpu.memory_space<vmem>> -> memref<128xi32, #tpu.memory_space<vmem>>
          %dma_start3A_43 = arith.constant 0 : i32
          %dma_start3A_44 = arith.constant 0 : i32
          %dma_start3A_45 = tpu.memref_slice %arg10[%dma_start3A_43, %dma_start3A_44] : memref<10112x128xf32, #tpu.memory_space<vmem_shared>> -> memref<10112x128xf32, #tpu.memory_space<vmem_shared>>
          tpu.enqueue_indirect_dma source(%arg9 : memref<128x128xf32, #tpu.memory_space<vmem>>) target(%dma_start3A_45 : memref<10112x128xf32, #tpu.memory_space<vmem_shared>>) offsets(%dma_start3A_42 : memref<128xi32, #tpu.memory_space<vmem>>) semaphore(%run_scoped3A : memref<!tpu.dma_semaphore, #tpu.memory_space<semaphore_mem>>) {add = true}
          %dma_wait3A_46 = arith.constant 0 : i32
          %dma_wait3A_47 = tpu.memref_slice %arg8[%scan3A_29, %dma_wait3A_46] : memref<8x128xi32, #tpu.memory_space<vmem>> -> memref<1x128xi32, #tpu.memory_space<vmem>>
          %dma_wait3A_48 = tpu.memref_squeeze %dma_wait3A_47 : memref<1x128xi32, #tpu.memory_space<vmem>> -> memref<128xi32, #tpu.memory_space<vmem>>
          %dma_wait3A_49 = arith.constant 0 : i32
          %dma_wait3A_50 = arith.constant 0 : i32
          %dma_wait3A_51 = tpu.memref_slice %arg10[%dma_wait3A_49, %dma_wait3A_50] : memref<10112x128xf32, #tpu.memory_space<vmem_shared>> -> memref<10112x128xf32, #tpu.memory_space<vmem_shared>>
          tpu.wait_indirect_dma semaphore(%run_scoped3A : memref<!tpu.dma_semaphore, #tpu.memory_space<semaphore_mem>>) src(%arg9 : memref<128x128xf32, #tpu.memory_space<vmem>>) dst(%dma_wait3A_51 : memref<10112x128xf32, #tpu.memory_space<vmem_shared>>)
          tpu.yield
        }) : () -> ()
      }
      %scan3A_28 = arith.constant 8 : i32
    }
    %barrier3A_20 = arith.constant 0 : index
    tpu.barrier barrier_id(%barrier3A_20)
    "tpu.region"() ({
      %run_scoped3A = tpu.sem_alloc : memref<!tpu.dma_semaphore, #tpu.memory_space<semaphore_mem>>
      %dma_start3A = arith.constant 0 : i32
      %dma_start3A_21 = tpu.memref_slice %arg6[%arg0, %mul3A_0, %dma_start3A] : memref<2x10112x128xf32, #tpu.memory_space<hbm>> -> memref<1x632x128xf32, #tpu.memory_space<hbm>>
      %dma_start3A_22 = tpu.memref_squeeze %dma_start3A_21 : memref<1x632x128xf32, #tpu.memory_space<hbm>> -> memref<632x128xf32, #tpu.memory_space<hbm>>
      %dma_start3A_23 = arith.constant 0 : i32
      %dma_start3A_24 = tpu.memref_slice %arg10[%mul3A_0, %dma_start3A_23] : memref<10112x128xf32, #tpu.memory_space<vmem_shared>> -> memref<632x128xf32, #tpu.memory_space<vmem_shared>>
      tpu.enqueue_dma source(%dma_start3A_24 : memref<632x128xf32, #tpu.memory_space<vmem_shared>>) target(%dma_start3A_22 : memref<632x128xf32, #tpu.memory_space<hbm>>) target_semaphore(%run_scoped3A : memref<!tpu.dma_semaphore, #tpu.memory_space<semaphore_mem>>)
      %dma_wait3A = arith.constant 0 : i32
      %dma_wait3A_25 = tpu.memref_slice %arg6[%arg0, %mul3A_0, %dma_wait3A] : memref<2x10112x128xf32, #tpu.memory_space<hbm>> -> memref<1x632x128xf32, #tpu.memory_space<hbm>>
      %dma_wait3A_26 = tpu.memref_squeeze %dma_wait3A_25 : memref<1x632x128xf32, #tpu.memory_space<hbm>> -> memref<632x128xf32, #tpu.memory_space<hbm>>
      %dma_wait3A_27 = arith.constant 0 : i32
      %dma_wait3A_28 = tpu.memref_slice %arg10[%mul3A_0, %dma_wait3A_27] : memref<10112x128xf32, #tpu.memory_space<vmem_shared>> -> memref<632x128xf32, #tpu.memory_space<vmem_shared>>
      tpu.wait_dma2 semaphore(%run_scoped3A : memref<!tpu.dma_semaphore, #tpu.memory_space<semaphore_mem>>) src(%dma_wait3A_28 : memref<632x128xf32, #tpu.memory_space<vmem_shared>>) dst(%dma_wait3A_26 : memref<632x128xf32, #tpu.memory_space<hbm>>)
      tpu.yield
    }) : () -> ()
    return
  }
}

#map = affine_map<(d0, d1) -> (0, 0)>
module attributes {stable_mosaic.version = 14 : i64} {
  func.func @deg_kernel(%arg0: i32, %arg1: i32, %arg2: memref<32x10240xi32, #tpu.memory_space<hbm>>, %arg3: memref<2x10240xf32, #tpu.memory_space<hbm>>, %arg4: memref<10240xi32, #tpu.memory_space<vmem>>, %arg5: memref<10240xf32, #tpu.memory_space<vmem>>, %arg6: memref<16x10240xf32, #tpu.memory_space<vmem_shared>>) attributes {dimension_semantics = [#tpu.dimension_semantics<core_parallel>, #tpu.dimension_semantics<subcore_parallel>], iteration_bounds = array<i64: 2, 16>, scalar_prefetch = 0 : i64, scratch_operands = 3 : i64, tpu.core_type = #tpu.core_type<sc_vector_subcore>, window_params = [{transform_indices = #map}, {transform_indices = #map}]} {
    %mul3A = arith.constant 16 : i32
    %mul3A_0 = arith.muli %arg0, %mul3A : i32
    %add3A = arith.addi %mul3A_0, %arg1 : i32
    "tpu.region"() ({
      %run_scoped3A_35 = tpu.sem_alloc : memref<!tpu.dma_semaphore, #tpu.memory_space<semaphore_mem>>
      %dma_start3A = arith.constant 0 : i32
      %dma_start3A_36 = tpu.memref_slice %arg2[%add3A, %dma_start3A] : memref<32x10240xi32, #tpu.memory_space<hbm>> -> memref<1x10240xi32, #tpu.memory_space<hbm>>
      %dma_start3A_37 = tpu.memref_squeeze %dma_start3A_36 : memref<1x10240xi32, #tpu.memory_space<hbm>> -> memref<10240xi32, #tpu.memory_space<hbm>>
      %dma_start3A_38 = arith.constant 0 : i32
      %dma_start3A_39 = tpu.memref_slice %arg2[%add3A, %dma_start3A_38] : memref<32x10240xi32, #tpu.memory_space<hbm>> -> memref<1x10240xi32, #tpu.memory_space<hbm>>
      %dma_start3A_40 = tpu.memref_squeeze %dma_start3A_39 : memref<1x10240xi32, #tpu.memory_space<hbm>> -> memref<10240xi32, #tpu.memory_space<hbm>>
      tpu.enqueue_dma source(%dma_start3A_40 : memref<10240xi32, #tpu.memory_space<hbm>>) target(%arg4 : memref<10240xi32, #tpu.memory_space<vmem>>) target_semaphore(%run_scoped3A_35 : memref<!tpu.dma_semaphore, #tpu.memory_space<semaphore_mem>>)
      %dma_wait3A = arith.constant 0 : i32
      %dma_wait3A_41 = tpu.memref_slice %arg2[%add3A, %dma_wait3A] : memref<32x10240xi32, #tpu.memory_space<hbm>> -> memref<1x10240xi32, #tpu.memory_space<hbm>>
      %dma_wait3A_42 = tpu.memref_squeeze %dma_wait3A_41 : memref<1x10240xi32, #tpu.memory_space<hbm>> -> memref<10240xi32, #tpu.memory_space<hbm>>
      %dma_wait3A_43 = arith.constant 0 : i32
      %dma_wait3A_44 = tpu.memref_slice %arg2[%add3A, %dma_wait3A_43] : memref<32x10240xi32, #tpu.memory_space<hbm>> -> memref<1x10240xi32, #tpu.memory_space<hbm>>
      %dma_wait3A_45 = tpu.memref_squeeze %dma_wait3A_44 : memref<1x10240xi32, #tpu.memory_space<hbm>> -> memref<10240xi32, #tpu.memory_space<hbm>>
      tpu.wait_dma2 semaphore(%run_scoped3A_35 : memref<!tpu.dma_semaphore, #tpu.memory_space<semaphore_mem>>) src(%dma_wait3A_45 : memref<10240xi32, #tpu.memory_space<hbm>>) dst(%arg4 : memref<10240xi32, #tpu.memory_space<vmem>>)
      tpu.yield
    }) : () -> ()
    %scan3A = arith.constant 0 : i32
    %scan3A_1 = arith.constant 0 : i32
    %scan3A_2 = arith.constant 640 : i32
    %scan3A_3 = arith.addi %scan3A_1, %scan3A_2 : i32
    %scan3A_4 = arith.constant 1 : i32
    scf.for %scan3A_35 = %scan3A_1 to %scan3A_3 step %scan3A_4  : i32 {
      %broadcast_in_dim3A = arith.constant 0.000000e+00 : f32
      %broadcast_in_dim3A_36 = vector.broadcast %broadcast_in_dim3A : f32 to vector<16xf32>
      %mul3A_37 = arith.constant 16 : i32
      %mul3A_38 = arith.muli %scan3A_35, %mul3A_37 : i32
      %swap3A = arith.index_cast %mul3A_38 : i32 to index
      %swap3A_39 = tpu.vector_load %arg5[%swap3A] {strides = array<i32>} : memref<10240xf32, #tpu.memory_space<vmem>>, vector<16xf32>,
      tpu.vector_store %arg5[%swap3A], %broadcast_in_dim3A_36 {strides = array<i32>} : memref<10240xf32, #tpu.memory_space<vmem>>, vector<16xf32>,
    }
    %scan3A_5 = arith.constant 640 : i32
    %iota3A = tpu.iota {dimensions = array<i32: 0>} : vector<16xi32>
    %scan3A_6 = arith.constant 0 : i32
    %scan3A_7 = arith.constant 0 : i32
    %scan3A_8 = arith.constant 640 : i32
    %scan3A_9 = arith.addi %scan3A_7, %scan3A_8 : i32
    %scan3A_10 = arith.constant 1 : i32
    scf.for %scan3A_35 = %scan3A_7 to %scan3A_9 step %scan3A_10  : i32 {
      %mul3A_36 = arith.constant 16 : i32
      %mul3A_37 = arith.muli %scan3A_35, %mul3A_36 : i32
      %get3A = arith.index_cast %mul3A_37 : i32 to index
      %get3A_38 = tpu.vector_load %arg4[%get3A] {strides = array<i32>} : memref<10240xi32, #tpu.memory_space<vmem>>, vector<16xi32>,
      %eq3A = arith.constant 0 : i32
      %eq3A_39 = vector.broadcast %eq3A : i32 to vector<16xi32>
      %eq3A_40 = arith.cmpi eq, %iota3A, %eq3A_39 : vector<16xi32>
      %gather3A = tpu.vector_load_idx %arg5[%get3A_38] masked %eq3A_40 : memref<10240xf32, #tpu.memory_space<vmem>>[vector<16xi32>], vector<16xf32>, vector<16xi1>
      %add3A_41 = arith.constant 1.000000e+00 : f32
      %add3A_42 = vector.broadcast %add3A_41 : f32 to vector<16xf32>
      %add3A_43 = arith.addf %gather3A, %add3A_42 : vector<16xf32>
      tpu.vector_store_idx %arg5[%get3A_38], %add3A_43 masked %eq3A_40 : memref<10240xf32, #tpu.memory_space<vmem>>[vector<16xi32>], vector<16xf32>, vector<16xi1>
      %eq3A_44 = arith.constant 1 : i32
      %eq3A_45 = vector.broadcast %eq3A_44 : i32 to vector<16xi32>
      %eq3A_46 = arith.cmpi eq, %iota3A, %eq3A_45 : vector<16xi32>
      %gather3A_47 = tpu.vector_load_idx %arg5[%get3A_38] masked %eq3A_46 : memref<10240xf32, #tpu.memory_space<vmem>>[vector<16xi32>], vector<16xf32>, vector<16xi1>
      %add3A_48 = arith.constant 1.000000e+00 : f32
      %add3A_49 = vector.broadcast %add3A_48 : f32 to vector<16xf32>
      %add3A_50 = arith.addf %gather3A_47, %add3A_49 : vector<16xf32>
      tpu.vector_store_idx %arg5[%get3A_38], %add3A_50 masked %eq3A_46 : memref<10240xf32, #tpu.memory_space<vmem>>[vector<16xi32>], vector<16xf32>, vector<16xi1>
      %eq3A_51 = arith.constant 2 : i32
      %eq3A_52 = vector.broadcast %eq3A_51 : i32 to vector<16xi32>
      %eq3A_53 = arith.cmpi eq, %iota3A, %eq3A_52 : vector<16xi32>
      %gather3A_54 = tpu.vector_load_idx %arg5[%get3A_38] masked %eq3A_53 : memref<10240xf32, #tpu.memory_space<vmem>>[vector<16xi32>], vector<16xf32>, vector<16xi1>
      %add3A_55 = arith.constant 1.000000e+00 : f32
      %add3A_56 = vector.broadcast %add3A_55 : f32 to vector<16xf32>
      %add3A_57 = arith.addf %gather3A_54, %add3A_56 : vector<16xf32>
      tpu.vector_store_idx %arg5[%get3A_38], %add3A_57 masked %eq3A_53 : memref<10240xf32, #tpu.memory_space<vmem>>[vector<16xi32>], vector<16xf32>, vector<16xi1>
      %eq3A_58 = arith.constant 3 : i32
      %eq3A_59 = vector.broadcast %eq3A_58 : i32 to vector<16xi32>
      %eq3A_60 = arith.cmpi eq, %iota3A, %eq3A_59 : vector<16xi32>
      %gather3A_61 = tpu.vector_load_idx %arg5[%get3A_38] masked %eq3A_60 : memref<10240xf32, #tpu.memory_space<vmem>>[vector<16xi32>], vector<16xf32>, vector<16xi1>
      %add3A_62 = arith.constant 1.000000e+00 : f32
      %add3A_63 = vector.broadcast %add3A_62 : f32 to vector<16xf32>
      %add3A_64 = arith.addf %gather3A_61, %add3A_63 : vector<16xf32>
      tpu.vector_store_idx %arg5[%get3A_38], %add3A_64 masked %eq3A_60 : memref<10240xf32, #tpu.memory_space<vmem>>[vector<16xi32>], vector<16xf32>, vector<16xi1>
      %eq3A_65 = arith.constant 4 : i32
      %eq3A_66 = vector.broadcast %eq3A_65 : i32 to vector<16xi32>
      %eq3A_67 = arith.cmpi eq, %iota3A, %eq3A_66 : vector<16xi32>
      %gather3A_68 = tpu.vector_load_idx %arg5[%get3A_38] masked %eq3A_67 : memref<10240xf32, #tpu.memory_space<vmem>>[vector<16xi32>], vector<16xf32>, vector<16xi1>
      %add3A_69 = arith.constant 1.000000e+00 : f32
      %add3A_70 = vector.broadcast %add3A_69 : f32 to vector<16xf32>
      %add3A_71 = arith.addf %gather3A_68, %add3A_70 : vector<16xf32>
      tpu.vector_store_idx %arg5[%get3A_38], %add3A_71 masked %eq3A_67 : memref<10240xf32, #tpu.memory_space<vmem>>[vector<16xi32>], vector<16xf32>, vector<16xi1>
      %eq3A_72 = arith.constant 5 : i32
      %eq3A_73 = vector.broadcast %eq3A_72 : i32 to vector<16xi32>
      %eq3A_74 = arith.cmpi eq, %iota3A, %eq3A_73 : vector<16xi32>
      %gather3A_75 = tpu.vector_load_idx %arg5[%get3A_38] masked %eq3A_74 : memref<10240xf32, #tpu.memory_space<vmem>>[vector<16xi32>], vector<16xf32>, vector<16xi1>
      %add3A_76 = arith.constant 1.000000e+00 : f32
      %add3A_77 = vector.broadcast %add3A_76 : f32 to vector<16xf32>
      %add3A_78 = arith.addf %gather3A_75, %add3A_77 : vector<16xf32>
      tpu.vector_store_idx %arg5[%get3A_38], %add3A_78 masked %eq3A_74 : memref<10240xf32, #tpu.memory_space<vmem>>[vector<16xi32>], vector<16xf32>, vector<16xi1>
      %eq3A_79 = arith.constant 6 : i32
      %eq3A_80 = vector.broadcast %eq3A_79 : i32 to vector<16xi32>
      %eq3A_81 = arith.cmpi eq, %iota3A, %eq3A_80 : vector<16xi32>
      %gather3A_82 = tpu.vector_load_idx %arg5[%get3A_38] masked %eq3A_81 : memref<10240xf32, #tpu.memory_space<vmem>>[vector<16xi32>], vector<16xf32>, vector<16xi1>
      %add3A_83 = arith.constant 1.000000e+00 : f32
      %add3A_84 = vector.broadcast %add3A_83 : f32 to vector<16xf32>
      %add3A_85 = arith.addf %gather3A_82, %add3A_84 : vector<16xf32>
      tpu.vector_store_idx %arg5[%get3A_38], %add3A_85 masked %eq3A_81 : memref<10240xf32, #tpu.memory_space<vmem>>[vector<16xi32>], vector<16xf32>, vector<16xi1>
      %eq3A_86 = arith.constant 7 : i32
      %eq3A_87 = vector.broadcast %eq3A_86 : i32 to vector<16xi32>
      %eq3A_88 = arith.cmpi eq, %iota3A, %eq3A_87 : vector<16xi32>
      %gather3A_89 = tpu.vector_load_idx %arg5[%get3A_38] masked %eq3A_88 : memref<10240xf32, #tpu.memory_space<vmem>>[vector<16xi32>], vector<16xf32>, vector<16xi1>
      %add3A_90 = arith.constant 1.000000e+00 : f32
      %add3A_91 = vector.broadcast %add3A_90 : f32 to vector<16xf32>
      %add3A_92 = arith.addf %gather3A_89, %add3A_91 : vector<16xf32>
      tpu.vector_store_idx %arg5[%get3A_38], %add3A_92 masked %eq3A_88 : memref<10240xf32, #tpu.memory_space<vmem>>[vector<16xi32>], vector<16xf32>, vector<16xi1>
      %eq3A_93 = arith.constant 8 : i32
      %eq3A_94 = vector.broadcast %eq3A_93 : i32 to vector<16xi32>
      %eq3A_95 = arith.cmpi eq, %iota3A, %eq3A_94 : vector<16xi32>
      %gather3A_96 = tpu.vector_load_idx %arg5[%get3A_38] masked %eq3A_95 : memref<10240xf32, #tpu.memory_space<vmem>>[vector<16xi32>], vector<16xf32>, vector<16xi1>
      %add3A_97 = arith.constant 1.000000e+00 : f32
      %add3A_98 = vector.broadcast %add3A_97 : f32 to vector<16xf32>
      %add3A_99 = arith.addf %gather3A_96, %add3A_98 : vector<16xf32>
      tpu.vector_store_idx %arg5[%get3A_38], %add3A_99 masked %eq3A_95 : memref<10240xf32, #tpu.memory_space<vmem>>[vector<16xi32>], vector<16xf32>, vector<16xi1>
      %eq3A_100 = arith.constant 9 : i32
      %eq3A_101 = vector.broadcast %eq3A_100 : i32 to vector<16xi32>
      %eq3A_102 = arith.cmpi eq, %iota3A, %eq3A_101 : vector<16xi32>
      %gather3A_103 = tpu.vector_load_idx %arg5[%get3A_38] masked %eq3A_102 : memref<10240xf32, #tpu.memory_space<vmem>>[vector<16xi32>], vector<16xf32>, vector<16xi1>
      %add3A_104 = arith.constant 1.000000e+00 : f32
      %add3A_105 = vector.broadcast %add3A_104 : f32 to vector<16xf32>
      %add3A_106 = arith.addf %gather3A_103, %add3A_105 : vector<16xf32>
      tpu.vector_store_idx %arg5[%get3A_38], %add3A_106 masked %eq3A_102 : memref<10240xf32, #tpu.memory_space<vmem>>[vector<16xi32>], vector<16xf32>, vector<16xi1>
      %eq3A_107 = arith.constant 10 : i32
      %eq3A_108 = vector.broadcast %eq3A_107 : i32 to vector<16xi32>
      %eq3A_109 = arith.cmpi eq, %iota3A, %eq3A_108 : vector<16xi32>
      %gather3A_110 = tpu.vector_load_idx %arg5[%get3A_38] masked %eq3A_109 : memref<10240xf32, #tpu.memory_space<vmem>>[vector<16xi32>], vector<16xf32>, vector<16xi1>
      %add3A_111 = arith.constant 1.000000e+00 : f32
      %add3A_112 = vector.broadcast %add3A_111 : f32 to vector<16xf32>
      %add3A_113 = arith.addf %gather3A_110, %add3A_112 : vector<16xf32>
      tpu.vector_store_idx %arg5[%get3A_38], %add3A_113 masked %eq3A_109 : memref<10240xf32, #tpu.memory_space<vmem>>[vector<16xi32>], vector<16xf32>, vector<16xi1>
      %eq3A_114 = arith.constant 11 : i32
      %eq3A_115 = vector.broadcast %eq3A_114 : i32 to vector<16xi32>
      %eq3A_116 = arith.cmpi eq, %iota3A, %eq3A_115 : vector<16xi32>
      %gather3A_117 = tpu.vector_load_idx %arg5[%get3A_38] masked %eq3A_116 : memref<10240xf32, #tpu.memory_space<vmem>>[vector<16xi32>], vector<16xf32>, vector<16xi1>
      %add3A_118 = arith.constant 1.000000e+00 : f32
      %add3A_119 = vector.broadcast %add3A_118 : f32 to vector<16xf32>
      %add3A_120 = arith.addf %gather3A_117, %add3A_119 : vector<16xf32>
      tpu.vector_store_idx %arg5[%get3A_38], %add3A_120 masked %eq3A_116 : memref<10240xf32, #tpu.memory_space<vmem>>[vector<16xi32>], vector<16xf32>, vector<16xi1>
      %eq3A_121 = arith.constant 12 : i32
      %eq3A_122 = vector.broadcast %eq3A_121 : i32 to vector<16xi32>
      %eq3A_123 = arith.cmpi eq, %iota3A, %eq3A_122 : vector<16xi32>
      %gather3A_124 = tpu.vector_load_idx %arg5[%get3A_38] masked %eq3A_123 : memref<10240xf32, #tpu.memory_space<vmem>>[vector<16xi32>], vector<16xf32>, vector<16xi1>
      %add3A_125 = arith.constant 1.000000e+00 : f32
      %add3A_126 = vector.broadcast %add3A_125 : f32 to vector<16xf32>
      %add3A_127 = arith.addf %gather3A_124, %add3A_126 : vector<16xf32>
      tpu.vector_store_idx %arg5[%get3A_38], %add3A_127 masked %eq3A_123 : memref<10240xf32, #tpu.memory_space<vmem>>[vector<16xi32>], vector<16xf32>, vector<16xi1>
      %eq3A_128 = arith.constant 13 : i32
      %eq3A_129 = vector.broadcast %eq3A_128 : i32 to vector<16xi32>
      %eq3A_130 = arith.cmpi eq, %iota3A, %eq3A_129 : vector<16xi32>
      %gather3A_131 = tpu.vector_load_idx %arg5[%get3A_38] masked %eq3A_130 : memref<10240xf32, #tpu.memory_space<vmem>>[vector<16xi32>], vector<16xf32>, vector<16xi1>
      %add3A_132 = arith.constant 1.000000e+00 : f32
      %add3A_133 = vector.broadcast %add3A_132 : f32 to vector<16xf32>
      %add3A_134 = arith.addf %gather3A_131, %add3A_133 : vector<16xf32>
      tpu.vector_store_idx %arg5[%get3A_38], %add3A_134 masked %eq3A_130 : memref<10240xf32, #tpu.memory_space<vmem>>[vector<16xi32>], vector<16xf32>, vector<16xi1>
      %eq3A_135 = arith.constant 14 : i32
      %eq3A_136 = vector.broadcast %eq3A_135 : i32 to vector<16xi32>
      %eq3A_137 = arith.cmpi eq, %iota3A, %eq3A_136 : vector<16xi32>
      %gather3A_138 = tpu.vector_load_idx %arg5[%get3A_38] masked %eq3A_137 : memref<10240xf32, #tpu.memory_space<vmem>>[vector<16xi32>], vector<16xf32>, vector<16xi1>
      %add3A_139 = arith.constant 1.000000e+00 : f32
      %add3A_140 = vector.broadcast %add3A_139 : f32 to vector<16xf32>
      %add3A_141 = arith.addf %gather3A_138, %add3A_140 : vector<16xf32>
      tpu.vector_store_idx %arg5[%get3A_38], %add3A_141 masked %eq3A_137 : memref<10240xf32, #tpu.memory_space<vmem>>[vector<16xi32>], vector<16xf32>, vector<16xi1>
      %eq3A_142 = arith.constant 15 : i32
      %eq3A_143 = vector.broadcast %eq3A_142 : i32 to vector<16xi32>
      %eq3A_144 = arith.cmpi eq, %iota3A, %eq3A_143 : vector<16xi32>
      %gather3A_145 = tpu.vector_load_idx %arg5[%get3A_38] masked %eq3A_144 : memref<10240xf32, #tpu.memory_space<vmem>>[vector<16xi32>], vector<16xf32>, vector<16xi1>
      %add3A_146 = arith.constant 1.000000e+00 : f32
      %add3A_147 = vector.broadcast %add3A_146 : f32 to vector<16xf32>
      %add3A_148 = arith.addf %gather3A_145, %add3A_147 : vector<16xf32>
      tpu.vector_store_idx %arg5[%get3A_38], %add3A_148 masked %eq3A_144 : memref<10240xf32, #tpu.memory_space<vmem>>[vector<16xi32>], vector<16xf32>, vector<16xi1>
    }
    %scan3A_11 = arith.constant 640 : i32
    "tpu.region"() ({
      %run_scoped3A_35 = tpu.sem_alloc : memref<!tpu.dma_semaphore, #tpu.memory_space<semaphore_mem>>
      %dma_start3A = arith.constant 0 : i32
      %dma_start3A_36 = tpu.memref_slice %arg5[%dma_start3A] : memref<10240xf32, #tpu.memory_space<vmem>> -> memref<10240xf32, #tpu.memory_space<vmem>>
      %dma_start3A_37 = arith.constant 0 : i32
      %dma_start3A_38 = tpu.memref_slice %arg6[%arg1, %dma_start3A_37] : memref<16x10240xf32, #tpu.memory_space<vmem_shared>> -> memref<1x10240xf32, #tpu.memory_space<vmem_shared>>
      %dma_start3A_39 = tpu.memref_squeeze %dma_start3A_38 : memref<1x10240xf32, #tpu.memory_space<vmem_shared>> -> memref<10240xf32, #tpu.memory_space<vmem_shared>>
      %dma_start3A_40 = arith.constant 0 : i32
      %dma_start3A_41 = tpu.memref_slice %arg6[%arg1, %dma_start3A_40] : memref<16x10240xf32, #tpu.memory_space<vmem_shared>> -> memref<1x10240xf32, #tpu.memory_space<vmem_shared>>
      %dma_start3A_42 = tpu.memref_squeeze %dma_start3A_41 : memref<1x10240xf32, #tpu.memory_space<vmem_shared>> -> memref<10240xf32, #tpu.memory_space<vmem_shared>>
      %dma_start3A_43 = arith.constant 0 : i32
      %dma_start3A_44 = tpu.memref_slice %arg5[%dma_start3A_43] : memref<10240xf32, #tpu.memory_space<vmem>> -> memref<10240xf32, #tpu.memory_space<vmem>>
      tpu.enqueue_dma source(%dma_start3A_44 : memref<10240xf32, #tpu.memory_space<vmem>>) target(%dma_start3A_42 : memref<10240xf32, #tpu.memory_space<vmem_shared>>) target_semaphore(%run_scoped3A_35 : memref<!tpu.dma_semaphore, #tpu.memory_space<semaphore_mem>>)
      %dma_wait3A = arith.constant 0 : i32
      %dma_wait3A_45 = tpu.memref_slice %arg5[%dma_wait3A] : memref<10240xf32, #tpu.memory_space<vmem>> -> memref<10240xf32, #tpu.memory_space<vmem>>
      %dma_wait3A_46 = arith.constant 0 : i32
      %dma_wait3A_47 = tpu.memref_slice %arg6[%arg1, %dma_wait3A_46] : memref<16x10240xf32, #tpu.memory_space<vmem_shared>> -> memref<1x10240xf32, #tpu.memory_space<vmem_shared>>
      %dma_wait3A_48 = tpu.memref_squeeze %dma_wait3A_47 : memref<1x10240xf32, #tpu.memory_space<vmem_shared>> -> memref<10240xf32, #tpu.memory_space<vmem_shared>>
      %dma_wait3A_49 = arith.constant 0 : i32
      %dma_wait3A_50 = tpu.memref_slice %arg6[%arg1, %dma_wait3A_49] : memref<16x10240xf32, #tpu.memory_space<vmem_shared>> -> memref<1x10240xf32, #tpu.memory_space<vmem_shared>>
      %dma_wait3A_51 = tpu.memref_squeeze %dma_wait3A_50 : memref<1x10240xf32, #tpu.memory_space<vmem_shared>> -> memref<10240xf32, #tpu.memory_space<vmem_shared>>
      %dma_wait3A_52 = arith.constant 0 : i32
      %dma_wait3A_53 = tpu.memref_slice %arg5[%dma_wait3A_52] : memref<10240xf32, #tpu.memory_space<vmem>> -> memref<10240xf32, #tpu.memory_space<vmem>>
      tpu.wait_dma2 semaphore(%run_scoped3A_35 : memref<!tpu.dma_semaphore, #tpu.memory_space<semaphore_mem>>) src(%dma_wait3A_53 : memref<10240xf32, #tpu.memory_space<vmem>>) dst(%dma_wait3A_51 : memref<10240xf32, #tpu.memory_space<vmem_shared>>)
      tpu.yield
    }) : () -> ()
    %barrier3A = arith.constant 0 : index
    tpu.barrier barrier_id(%barrier3A)
    %mul3A_12 = arith.constant 640 : i32
    %mul3A_13 = arith.muli %arg1, %mul3A_12 : i32
    %run_scoped3A = arith.constant 0 : i32
    "tpu.region"() ({
      %run_scoped3A_35 = tpu.sem_alloc : memref<!tpu.dma_semaphore, #tpu.memory_space<semaphore_mem>>
      %dma_start3A = arith.constant 0 : i32
      %dma_start3A_36 = tpu.memref_slice %arg5[%dma_start3A] : memref<10240xf32, #tpu.memory_space<vmem>> -> memref<640xf32, #tpu.memory_space<vmem>>
      %dma_start3A_37 = tpu.memref_slice %arg6[%run_scoped3A, %mul3A_13] : memref<16x10240xf32, #tpu.memory_space<vmem_shared>> -> memref<1x640xf32, #tpu.memory_space<vmem_shared>>
      %dma_start3A_38 = tpu.memref_squeeze %dma_start3A_37 : memref<1x640xf32, #tpu.memory_space<vmem_shared>> -> memref<640xf32, #tpu.memory_space<vmem_shared>>
      %dma_start3A_39 = arith.constant 0 : i32
      %dma_start3A_40 = tpu.memref_slice %arg5[%dma_start3A_39] : memref<10240xf32, #tpu.memory_space<vmem>> -> memref<640xf32, #tpu.memory_space<vmem>>
      %dma_start3A_41 = tpu.memref_slice %arg6[%run_scoped3A, %mul3A_13] : memref<16x10240xf32, #tpu.memory_space<vmem_shared>> -> memref<1x640xf32, #tpu.memory_space<vmem_shared>>
      %dma_start3A_42 = tpu.memref_squeeze %dma_start3A_41 : memref<1x640xf32, #tpu.memory_space<vmem_shared>> -> memref<640xf32, #tpu.memory_space<vmem_shared>>
      tpu.enqueue_dma source(%dma_start3A_42 : memref<640xf32, #tpu.memory_space<vmem_shared>>) target(%dma_start3A_40 : memref<640xf32, #tpu.memory_space<vmem>>) target_semaphore(%run_scoped3A_35 : memref<!tpu.dma_semaphore, #tpu.memory_space<semaphore_mem>>)
      %dma_wait3A = arith.constant 0 : i32
      %dma_wait3A_43 = tpu.memref_slice %arg5[%dma_wait3A] : memref<10240xf32, #tpu.memory_space<vmem>> -> memref<640xf32, #tpu.memory_space<vmem>>
      %dma_wait3A_44 = tpu.memref_slice %arg6[%run_scoped3A, %mul3A_13] : memref<16x10240xf32, #tpu.memory_space<vmem_shared>> -> memref<1x640xf32, #tpu.memory_space<vmem_shared>>
      %dma_wait3A_45 = tpu.memref_squeeze %dma_wait3A_44 : memref<1x640xf32, #tpu.memory_space<vmem_shared>> -> memref<640xf32, #tpu.memory_space<vmem_shared>>
      %dma_wait3A_46 = arith.constant 0 : i32
      %dma_wait3A_47 = tpu.memref_slice %arg5[%dma_wait3A_46] : memref<10240xf32, #tpu.memory_space<vmem>> -> memref<640xf32, #tpu.memory_space<vmem>>
      %dma_wait3A_48 = tpu.memref_slice %arg6[%run_scoped3A, %mul3A_13] : memref<16x10240xf32, #tpu.memory_space<vmem_shared>> -> memref<1x640xf32, #tpu.memory_space<vmem_shared>>
      %dma_wait3A_49 = tpu.memref_squeeze %dma_wait3A_48 : memref<1x640xf32, #tpu.memory_space<vmem_shared>> -> memref<640xf32, #tpu.memory_space<vmem_shared>>
      tpu.wait_dma2 semaphore(%run_scoped3A_35 : memref<!tpu.dma_semaphore, #tpu.memory_space<semaphore_mem>>) src(%dma_wait3A_49 : memref<640xf32, #tpu.memory_space<vmem_shared>>) dst(%dma_wait3A_47 : memref<640xf32, #tpu.memory_space<vmem>>)
      tpu.yield
    }) : () -> ()
    %run_scoped3A_14 = arith.constant 1 : i32
    "tpu.region"() ({
      %run_scoped3A_35 = tpu.sem_alloc : memref<!tpu.dma_semaphore, #tpu.memory_space<semaphore_mem>>
      %dma_start3A = arith.constant 640 : i32
      %dma_start3A_36 = tpu.memref_slice %arg5[%dma_start3A] : memref<10240xf32, #tpu.memory_space<vmem>> -> memref<640xf32, #tpu.memory_space<vmem>>
      %dma_start3A_37 = tpu.memref_slice %arg6[%run_scoped3A_14, %mul3A_13] : memref<16x10240xf32, #tpu.memory_space<vmem_shared>> -> memref<1x640xf32, #tpu.memory_space<vmem_shared>>
      %dma_start3A_38 = tpu.memref_squeeze %dma_start3A_37 : memref<1x640xf32, #tpu.memory_space<vmem_shared>> -> memref<640xf32, #tpu.memory_space<vmem_shared>>
      %dma_start3A_39 = arith.constant 640 : i32
      %dma_start3A_40 = tpu.memref_slice %arg5[%dma_start3A_39] : memref<10240xf32, #tpu.memory_space<vmem>> -> memref<640xf32, #tpu.memory_space<vmem>>
      %dma_start3A_41 = tpu.memref_slice %arg6[%run_scoped3A_14, %mul3A_13] : memref<16x10240xf32, #tpu.memory_space<vmem_shared>> -> memref<1x640xf32, #tpu.memory_space<vmem_shared>>
      %dma_start3A_42 = tpu.memref_squeeze %dma_start3A_41 : memref<1x640xf32, #tpu.memory_space<vmem_shared>> -> memref<640xf32, #tpu.memory_space<vmem_shared>>
      tpu.enqueue_dma source(%dma_start3A_42 : memref<640xf32, #tpu.memory_space<vmem_shared>>) target(%dma_start3A_40 : memref<640xf32, #tpu.memory_space<vmem>>) target_semaphore(%run_scoped3A_35 : memref<!tpu.dma_semaphore, #tpu.memory_space<semaphore_mem>>)
      %dma_wait3A = arith.constant 640 : i32
      %dma_wait3A_43 = tpu.memref_slice %arg5[%dma_wait3A] : memref<10240xf32, #tpu.memory_space<vmem>> -> memref<640xf32, #tpu.memory_space<vmem>>
      %dma_wait3A_44 = tpu.memref_slice %arg6[%run_scoped3A_14, %mul3A_13] : memref<16x10240xf32, #tpu.memory_space<vmem_shared>> -> memref<1x640xf32, #tpu.memory_space<vmem_shared>>
      %dma_wait3A_45 = tpu.memref_squeeze %dma_wait3A_44 : memref<1x640xf32, #tpu.memory_space<vmem_shared>> -> memref<640xf32, #tpu.memory_space<vmem_shared>>
      %dma_wait3A_46 = arith.constant 640 : i32
      %dma_wait3A_47 = tpu.memref_slice %arg5[%dma_wait3A_46] : memref<10240xf32, #tpu.memory_space<vmem>> -> memref<640xf32, #tpu.memory_space<vmem>>
      %dma_wait3A_48 = tpu.memref_slice %arg6[%run_scoped3A_14, %mul3A_13] : memref<16x10240xf32, #tpu.memory_space<vmem_shared>> -> memref<1x640xf32, #tpu.memory_space<vmem_shared>>
      %dma_wait3A_49 = tpu.memref_squeeze %dma_wait3A_48 : memref<1x640xf32, #tpu.memory_space<vmem_shared>> -> memref<640xf32, #tpu.memory_space<vmem_shared>>
      tpu.wait_dma2 semaphore(%run_scoped3A_35 : memref<!tpu.dma_semaphore, #tpu.memory_space<semaphore_mem>>) src(%dma_wait3A_49 : memref<640xf32, #tpu.memory_space<vmem_shared>>) dst(%dma_wait3A_47 : memref<640xf32, #tpu.memory_space<vmem>>)
      tpu.yield
    }) : () -> ()
    %run_scoped3A_15 = arith.constant 2 : i32
    "tpu.region"() ({
      %run_scoped3A_35 = tpu.sem_alloc : memref<!tpu.dma_semaphore, #tpu.memory_space<semaphore_mem>>
      %dma_start3A = arith.constant 1280 : i32
      %dma_start3A_36 = tpu.memref_slice %arg5[%dma_start3A] : memref<10240xf32, #tpu.memory_space<vmem>> -> memref<640xf32, #tpu.memory_space<vmem>>
      %dma_start3A_37 = tpu.memref_slice %arg6[%run_scoped3A_15, %mul3A_13] : memref<16x10240xf32, #tpu.memory_space<vmem_shared>> -> memref<1x640xf32, #tpu.memory_space<vmem_shared>>
      %dma_start3A_38 = tpu.memref_squeeze %dma_start3A_37 : memref<1x640xf32, #tpu.memory_space<vmem_shared>> -> memref<640xf32, #tpu.memory_space<vmem_shared>>
      %dma_start3A_39 = arith.constant 1280 : i32
      %dma_start3A_40 = tpu.memref_slice %arg5[%dma_start3A_39] : memref<10240xf32, #tpu.memory_space<vmem>> -> memref<640xf32, #tpu.memory_space<vmem>>
      %dma_start3A_41 = tpu.memref_slice %arg6[%run_scoped3A_15, %mul3A_13] : memref<16x10240xf32, #tpu.memory_space<vmem_shared>> -> memref<1x640xf32, #tpu.memory_space<vmem_shared>>
      %dma_start3A_42 = tpu.memref_squeeze %dma_start3A_41 : memref<1x640xf32, #tpu.memory_space<vmem_shared>> -> memref<640xf32, #tpu.memory_space<vmem_shared>>
      tpu.enqueue_dma source(%dma_start3A_42 : memref<640xf32, #tpu.memory_space<vmem_shared>>) target(%dma_start3A_40 : memref<640xf32, #tpu.memory_space<vmem>>) target_semaphore(%run_scoped3A_35 : memref<!tpu.dma_semaphore, #tpu.memory_space<semaphore_mem>>)
      %dma_wait3A = arith.constant 1280 : i32
      %dma_wait3A_43 = tpu.memref_slice %arg5[%dma_wait3A] : memref<10240xf32, #tpu.memory_space<vmem>> -> memref<640xf32, #tpu.memory_space<vmem>>
      %dma_wait3A_44 = tpu.memref_slice %arg6[%run_scoped3A_15, %mul3A_13] : memref<16x10240xf32, #tpu.memory_space<vmem_shared>> -> memref<1x640xf32, #tpu.memory_space<vmem_shared>>
      %dma_wait3A_45 = tpu.memref_squeeze %dma_wait3A_44 : memref<1x640xf32, #tpu.memory_space<vmem_shared>> -> memref<640xf32, #tpu.memory_space<vmem_shared>>
      %dma_wait3A_46 = arith.constant 1280 : i32
      %dma_wait3A_47 = tpu.memref_slice %arg5[%dma_wait3A_46] : memref<10240xf32, #tpu.memory_space<vmem>> -> memref<640xf32, #tpu.memory_space<vmem>>
      %dma_wait3A_48 = tpu.memref_slice %arg6[%run_scoped3A_15, %mul3A_13] : memref<16x10240xf32, #tpu.memory_space<vmem_shared>> -> memref<1x640xf32, #tpu.memory_space<vmem_shared>>
      %dma_wait3A_49 = tpu.memref_squeeze %dma_wait3A_48 : memref<1x640xf32, #tpu.memory_space<vmem_shared>> -> memref<640xf32, #tpu.memory_space<vmem_shared>>
      tpu.wait_dma2 semaphore(%run_scoped3A_35 : memref<!tpu.dma_semaphore, #tpu.memory_space<semaphore_mem>>) src(%dma_wait3A_49 : memref<640xf32, #tpu.memory_space<vmem_shared>>) dst(%dma_wait3A_47 : memref<640xf32, #tpu.memory_space<vmem>>)
      tpu.yield
    }) : () -> ()
    %run_scoped3A_16 = arith.constant 3 : i32
    "tpu.region"() ({
      %run_scoped3A_35 = tpu.sem_alloc : memref<!tpu.dma_semaphore, #tpu.memory_space<semaphore_mem>>
      %dma_start3A = arith.constant 1920 : i32
      %dma_start3A_36 = tpu.memref_slice %arg5[%dma_start3A] : memref<10240xf32, #tpu.memory_space<vmem>> -> memref<640xf32, #tpu.memory_space<vmem>>
      %dma_start3A_37 = tpu.memref_slice %arg6[%run_scoped3A_16, %mul3A_13] : memref<16x10240xf32, #tpu.memory_space<vmem_shared>> -> memref<1x640xf32, #tpu.memory_space<vmem_shared>>
      %dma_start3A_38 = tpu.memref_squeeze %dma_start3A_37 : memref<1x640xf32, #tpu.memory_space<vmem_shared>> -> memref<640xf32, #tpu.memory_space<vmem_shared>>
      %dma_start3A_39 = arith.constant 1920 : i32
      %dma_start3A_40 = tpu.memref_slice %arg5[%dma_start3A_39] : memref<10240xf32, #tpu.memory_space<vmem>> -> memref<640xf32, #tpu.memory_space<vmem>>
      %dma_start3A_41 = tpu.memref_slice %arg6[%run_scoped3A_16, %mul3A_13] : memref<16x10240xf32, #tpu.memory_space<vmem_shared>> -> memref<1x640xf32, #tpu.memory_space<vmem_shared>>
      %dma_start3A_42 = tpu.memref_squeeze %dma_start3A_41 : memref<1x640xf32, #tpu.memory_space<vmem_shared>> -> memref<640xf32, #tpu.memory_space<vmem_shared>>
      tpu.enqueue_dma source(%dma_start3A_42 : memref<640xf32, #tpu.memory_space<vmem_shared>>) target(%dma_start3A_40 : memref<640xf32, #tpu.memory_space<vmem>>) target_semaphore(%run_scoped3A_35 : memref<!tpu.dma_semaphore, #tpu.memory_space<semaphore_mem>>)
      %dma_wait3A = arith.constant 1920 : i32
      %dma_wait3A_43 = tpu.memref_slice %arg5[%dma_wait3A] : memref<10240xf32, #tpu.memory_space<vmem>> -> memref<640xf32, #tpu.memory_space<vmem>>
      %dma_wait3A_44 = tpu.memref_slice %arg6[%run_scoped3A_16, %mul3A_13] : memref<16x10240xf32, #tpu.memory_space<vmem_shared>> -> memref<1x640xf32, #tpu.memory_space<vmem_shared>>
      %dma_wait3A_45 = tpu.memref_squeeze %dma_wait3A_44 : memref<1x640xf32, #tpu.memory_space<vmem_shared>> -> memref<640xf32, #tpu.memory_space<vmem_shared>>
      %dma_wait3A_46 = arith.constant 1920 : i32
      %dma_wait3A_47 = tpu.memref_slice %arg5[%dma_wait3A_46] : memref<10240xf32, #tpu.memory_space<vmem>> -> memref<640xf32, #tpu.memory_space<vmem>>
      %dma_wait3A_48 = tpu.memref_slice %arg6[%run_scoped3A_16, %mul3A_13] : memref<16x10240xf32, #tpu.memory_space<vmem_shared>> -> memref<1x640xf32, #tpu.memory_space<vmem_shared>>
      %dma_wait3A_49 = tpu.memref_squeeze %dma_wait3A_48 : memref<1x640xf32, #tpu.memory_space<vmem_shared>> -> memref<640xf32, #tpu.memory_space<vmem_shared>>
      tpu.wait_dma2 semaphore(%run_scoped3A_35 : memref<!tpu.dma_semaphore, #tpu.memory_space<semaphore_mem>>) src(%dma_wait3A_49 : memref<640xf32, #tpu.memory_space<vmem_shared>>) dst(%dma_wait3A_47 : memref<640xf32, #tpu.memory_space<vmem>>)
      tpu.yield
    }) : () -> ()
    %run_scoped3A_17 = arith.constant 4 : i32
    "tpu.region"() ({
      %run_scoped3A_35 = tpu.sem_alloc : memref<!tpu.dma_semaphore, #tpu.memory_space<semaphore_mem>>
      %dma_start3A = arith.constant 2560 : i32
      %dma_start3A_36 = tpu.memref_slice %arg5[%dma_start3A] : memref<10240xf32, #tpu.memory_space<vmem>> -> memref<640xf32, #tpu.memory_space<vmem>>
      %dma_start3A_37 = tpu.memref_slice %arg6[%run_scoped3A_17, %mul3A_13] : memref<16x10240xf32, #tpu.memory_space<vmem_shared>> -> memref<1x640xf32, #tpu.memory_space<vmem_shared>>
      %dma_start3A_38 = tpu.memref_squeeze %dma_start3A_37 : memref<1x640xf32, #tpu.memory_space<vmem_shared>> -> memref<640xf32, #tpu.memory_space<vmem_shared>>
      %dma_start3A_39 = arith.constant 2560 : i32
      %dma_start3A_40 = tpu.memref_slice %arg5[%dma_start3A_39] : memref<10240xf32, #tpu.memory_space<vmem>> -> memref<640xf32, #tpu.memory_space<vmem>>
      %dma_start3A_41 = tpu.memref_slice %arg6[%run_scoped3A_17, %mul3A_13] : memref<16x10240xf32, #tpu.memory_space<vmem_shared>> -> memref<1x640xf32, #tpu.memory_space<vmem_shared>>
      %dma_start3A_42 = tpu.memref_squeeze %dma_start3A_41 : memref<1x640xf32, #tpu.memory_space<vmem_shared>> -> memref<640xf32, #tpu.memory_space<vmem_shared>>
      tpu.enqueue_dma source(%dma_start3A_42 : memref<640xf32, #tpu.memory_space<vmem_shared>>) target(%dma_start3A_40 : memref<640xf32, #tpu.memory_space<vmem>>) target_semaphore(%run_scoped3A_35 : memref<!tpu.dma_semaphore, #tpu.memory_space<semaphore_mem>>)
      %dma_wait3A = arith.constant 2560 : i32
      %dma_wait3A_43 = tpu.memref_slice %arg5[%dma_wait3A] : memref<10240xf32, #tpu.memory_space<vmem>> -> memref<640xf32, #tpu.memory_space<vmem>>
      %dma_wait3A_44 = tpu.memref_slice %arg6[%run_scoped3A_17, %mul3A_13] : memref<16x10240xf32, #tpu.memory_space<vmem_shared>> -> memref<1x640xf32, #tpu.memory_space<vmem_shared>>
      %dma_wait3A_45 = tpu.memref_squeeze %dma_wait3A_44 : memref<1x640xf32, #tpu.memory_space<vmem_shared>> -> memref<640xf32, #tpu.memory_space<vmem_shared>>
      %dma_wait3A_46 = arith.constant 2560 : i32
      %dma_wait3A_47 = tpu.memref_slice %arg5[%dma_wait3A_46] : memref<10240xf32, #tpu.memory_space<vmem>> -> memref<640xf32, #tpu.memory_space<vmem>>
      %dma_wait3A_48 = tpu.memref_slice %arg6[%run_scoped3A_17, %mul3A_13] : memref<16x10240xf32, #tpu.memory_space<vmem_shared>> -> memref<1x640xf32, #tpu.memory_space<vmem_shared>>
      %dma_wait3A_49 = tpu.memref_squeeze %dma_wait3A_48 : memref<1x640xf32, #tpu.memory_space<vmem_shared>> -> memref<640xf32, #tpu.memory_space<vmem_shared>>
      tpu.wait_dma2 semaphore(%run_scoped3A_35 : memref<!tpu.dma_semaphore, #tpu.memory_space<semaphore_mem>>) src(%dma_wait3A_49 : memref<640xf32, #tpu.memory_space<vmem_shared>>) dst(%dma_wait3A_47 : memref<640xf32, #tpu.memory_space<vmem>>)
      tpu.yield
    }) : () -> ()
    %run_scoped3A_18 = arith.constant 5 : i32
    "tpu.region"() ({
      %run_scoped3A_35 = tpu.sem_alloc : memref<!tpu.dma_semaphore, #tpu.memory_space<semaphore_mem>>
      %dma_start3A = arith.constant 3200 : i32
      %dma_start3A_36 = tpu.memref_slice %arg5[%dma_start3A] : memref<10240xf32, #tpu.memory_space<vmem>> -> memref<640xf32, #tpu.memory_space<vmem>>
      %dma_start3A_37 = tpu.memref_slice %arg6[%run_scoped3A_18, %mul3A_13] : memref<16x10240xf32, #tpu.memory_space<vmem_shared>> -> memref<1x640xf32, #tpu.memory_space<vmem_shared>>
      %dma_start3A_38 = tpu.memref_squeeze %dma_start3A_37 : memref<1x640xf32, #tpu.memory_space<vmem_shared>> -> memref<640xf32, #tpu.memory_space<vmem_shared>>
      %dma_start3A_39 = arith.constant 3200 : i32
      %dma_start3A_40 = tpu.memref_slice %arg5[%dma_start3A_39] : memref<10240xf32, #tpu.memory_space<vmem>> -> memref<640xf32, #tpu.memory_space<vmem>>
      %dma_start3A_41 = tpu.memref_slice %arg6[%run_scoped3A_18, %mul3A_13] : memref<16x10240xf32, #tpu.memory_space<vmem_shared>> -> memref<1x640xf32, #tpu.memory_space<vmem_shared>>
      %dma_start3A_42 = tpu.memref_squeeze %dma_start3A_41 : memref<1x640xf32, #tpu.memory_space<vmem_shared>> -> memref<640xf32, #tpu.memory_space<vmem_shared>>
      tpu.enqueue_dma source(%dma_start3A_42 : memref<640xf32, #tpu.memory_space<vmem_shared>>) target(%dma_start3A_40 : memref<640xf32, #tpu.memory_space<vmem>>) target_semaphore(%run_scoped3A_35 : memref<!tpu.dma_semaphore, #tpu.memory_space<semaphore_mem>>)
      %dma_wait3A = arith.constant 3200 : i32
      %dma_wait3A_43 = tpu.memref_slice %arg5[%dma_wait3A] : memref<10240xf32, #tpu.memory_space<vmem>> -> memref<640xf32, #tpu.memory_space<vmem>>
      %dma_wait3A_44 = tpu.memref_slice %arg6[%run_scoped3A_18, %mul3A_13] : memref<16x10240xf32, #tpu.memory_space<vmem_shared>> -> memref<1x640xf32, #tpu.memory_space<vmem_shared>>
      %dma_wait3A_45 = tpu.memref_squeeze %dma_wait3A_44 : memref<1x640xf32, #tpu.memory_space<vmem_shared>> -> memref<640xf32, #tpu.memory_space<vmem_shared>>
      %dma_wait3A_46 = arith.constant 3200 : i32
      %dma_wait3A_47 = tpu.memref_slice %arg5[%dma_wait3A_46] : memref<10240xf32, #tpu.memory_space<vmem>> -> memref<640xf32, #tpu.memory_space<vmem>>
      %dma_wait3A_48 = tpu.memref_slice %arg6[%run_scoped3A_18, %mul3A_13] : memref<16x10240xf32, #tpu.memory_space<vmem_shared>> -> memref<1x640xf32, #tpu.memory_space<vmem_shared>>
      %dma_wait3A_49 = tpu.memref_squeeze %dma_wait3A_48 : memref<1x640xf32, #tpu.memory_space<vmem_shared>> -> memref<640xf32, #tpu.memory_space<vmem_shared>>
      tpu.wait_dma2 semaphore(%run_scoped3A_35 : memref<!tpu.dma_semaphore, #tpu.memory_space<semaphore_mem>>) src(%dma_wait3A_49 : memref<640xf32, #tpu.memory_space<vmem_shared>>) dst(%dma_wait3A_47 : memref<640xf32, #tpu.memory_space<vmem>>)
      tpu.yield
    }) : () -> ()
    %run_scoped3A_19 = arith.constant 6 : i32
    "tpu.region"() ({
      %run_scoped3A_35 = tpu.sem_alloc : memref<!tpu.dma_semaphore, #tpu.memory_space<semaphore_mem>>
      %dma_start3A = arith.constant 3840 : i32
      %dma_start3A_36 = tpu.memref_slice %arg5[%dma_start3A] : memref<10240xf32, #tpu.memory_space<vmem>> -> memref<640xf32, #tpu.memory_space<vmem>>
      %dma_start3A_37 = tpu.memref_slice %arg6[%run_scoped3A_19, %mul3A_13] : memref<16x10240xf32, #tpu.memory_space<vmem_shared>> -> memref<1x640xf32, #tpu.memory_space<vmem_shared>>
      %dma_start3A_38 = tpu.memref_squeeze %dma_start3A_37 : memref<1x640xf32, #tpu.memory_space<vmem_shared>> -> memref<640xf32, #tpu.memory_space<vmem_shared>>
      %dma_start3A_39 = arith.constant 3840 : i32
      %dma_start3A_40 = tpu.memref_slice %arg5[%dma_start3A_39] : memref<10240xf32, #tpu.memory_space<vmem>> -> memref<640xf32, #tpu.memory_space<vmem>>
      %dma_start3A_41 = tpu.memref_slice %arg6[%run_scoped3A_19, %mul3A_13] : memref<16x10240xf32, #tpu.memory_space<vmem_shared>> -> memref<1x640xf32, #tpu.memory_space<vmem_shared>>
      %dma_start3A_42 = tpu.memref_squeeze %dma_start3A_41 : memref<1x640xf32, #tpu.memory_space<vmem_shared>> -> memref<640xf32, #tpu.memory_space<vmem_shared>>
      tpu.enqueue_dma source(%dma_start3A_42 : memref<640xf32, #tpu.memory_space<vmem_shared>>) target(%dma_start3A_40 : memref<640xf32, #tpu.memory_space<vmem>>) target_semaphore(%run_scoped3A_35 : memref<!tpu.dma_semaphore, #tpu.memory_space<semaphore_mem>>)
      %dma_wait3A = arith.constant 3840 : i32
      %dma_wait3A_43 = tpu.memref_slice %arg5[%dma_wait3A] : memref<10240xf32, #tpu.memory_space<vmem>> -> memref<640xf32, #tpu.memory_space<vmem>>
      %dma_wait3A_44 = tpu.memref_slice %arg6[%run_scoped3A_19, %mul3A_13] : memref<16x10240xf32, #tpu.memory_space<vmem_shared>> -> memref<1x640xf32, #tpu.memory_space<vmem_shared>>
      %dma_wait3A_45 = tpu.memref_squeeze %dma_wait3A_44 : memref<1x640xf32, #tpu.memory_space<vmem_shared>> -> memref<640xf32, #tpu.memory_space<vmem_shared>>
      %dma_wait3A_46 = arith.constant 3840 : i32
      %dma_wait3A_47 = tpu.memref_slice %arg5[%dma_wait3A_46] : memref<10240xf32, #tpu.memory_space<vmem>> -> memref<640xf32, #tpu.memory_space<vmem>>
      %dma_wait3A_48 = tpu.memref_slice %arg6[%run_scoped3A_19, %mul3A_13] : memref<16x10240xf32, #tpu.memory_space<vmem_shared>> -> memref<1x640xf32, #tpu.memory_space<vmem_shared>>
      %dma_wait3A_49 = tpu.memref_squeeze %dma_wait3A_48 : memref<1x640xf32, #tpu.memory_space<vmem_shared>> -> memref<640xf32, #tpu.memory_space<vmem_shared>>
      tpu.wait_dma2 semaphore(%run_scoped3A_35 : memref<!tpu.dma_semaphore, #tpu.memory_space<semaphore_mem>>) src(%dma_wait3A_49 : memref<640xf32, #tpu.memory_space<vmem_shared>>) dst(%dma_wait3A_47 : memref<640xf32, #tpu.memory_space<vmem>>)
      tpu.yield
    }) : () -> ()
    %run_scoped3A_20 = arith.constant 7 : i32
    "tpu.region"() ({
      %run_scoped3A_35 = tpu.sem_alloc : memref<!tpu.dma_semaphore, #tpu.memory_space<semaphore_mem>>
      %dma_start3A = arith.constant 4480 : i32
      %dma_start3A_36 = tpu.memref_slice %arg5[%dma_start3A] : memref<10240xf32, #tpu.memory_space<vmem>> -> memref<640xf32, #tpu.memory_space<vmem>>
      %dma_start3A_37 = tpu.memref_slice %arg6[%run_scoped3A_20, %mul3A_13] : memref<16x10240xf32, #tpu.memory_space<vmem_shared>> -> memref<1x640xf32, #tpu.memory_space<vmem_shared>>
      %dma_start3A_38 = tpu.memref_squeeze %dma_start3A_37 : memref<1x640xf32, #tpu.memory_space<vmem_shared>> -> memref<640xf32, #tpu.memory_space<vmem_shared>>
      %dma_start3A_39 = arith.constant 4480 : i32
      %dma_start3A_40 = tpu.memref_slice %arg5[%dma_start3A_39] : memref<10240xf32, #tpu.memory_space<vmem>> -> memref<640xf32, #tpu.memory_space<vmem>>
      %dma_start3A_41 = tpu.memref_slice %arg6[%run_scoped3A_20, %mul3A_13] : memref<16x10240xf32, #tpu.memory_space<vmem_shared>> -> memref<1x640xf32, #tpu.memory_space<vmem_shared>>
      %dma_start3A_42 = tpu.memref_squeeze %dma_start3A_41 : memref<1x640xf32, #tpu.memory_space<vmem_shared>> -> memref<640xf32, #tpu.memory_space<vmem_shared>>
      tpu.enqueue_dma source(%dma_start3A_42 : memref<640xf32, #tpu.memory_space<vmem_shared>>) target(%dma_start3A_40 : memref<640xf32, #tpu.memory_space<vmem>>) target_semaphore(%run_scoped3A_35 : memref<!tpu.dma_semaphore, #tpu.memory_space<semaphore_mem>>)
      %dma_wait3A = arith.constant 4480 : i32
      %dma_wait3A_43 = tpu.memref_slice %arg5[%dma_wait3A] : memref<10240xf32, #tpu.memory_space<vmem>> -> memref<640xf32, #tpu.memory_space<vmem>>
      %dma_wait3A_44 = tpu.memref_slice %arg6[%run_scoped3A_20, %mul3A_13] : memref<16x10240xf32, #tpu.memory_space<vmem_shared>> -> memref<1x640xf32, #tpu.memory_space<vmem_shared>>
      %dma_wait3A_45 = tpu.memref_squeeze %dma_wait3A_44 : memref<1x640xf32, #tpu.memory_space<vmem_shared>> -> memref<640xf32, #tpu.memory_space<vmem_shared>>
      %dma_wait3A_46 = arith.constant 4480 : i32
      %dma_wait3A_47 = tpu.memref_slice %arg5[%dma_wait3A_46] : memref<10240xf32, #tpu.memory_space<vmem>> -> memref<640xf32, #tpu.memory_space<vmem>>
      %dma_wait3A_48 = tpu.memref_slice %arg6[%run_scoped3A_20, %mul3A_13] : memref<16x10240xf32, #tpu.memory_space<vmem_shared>> -> memref<1x640xf32, #tpu.memory_space<vmem_shared>>
      %dma_wait3A_49 = tpu.memref_squeeze %dma_wait3A_48 : memref<1x640xf32, #tpu.memory_space<vmem_shared>> -> memref<640xf32, #tpu.memory_space<vmem_shared>>
      tpu.wait_dma2 semaphore(%run_scoped3A_35 : memref<!tpu.dma_semaphore, #tpu.memory_space<semaphore_mem>>) src(%dma_wait3A_49 : memref<640xf32, #tpu.memory_space<vmem_shared>>) dst(%dma_wait3A_47 : memref<640xf32, #tpu.memory_space<vmem>>)
      tpu.yield
    }) : () -> ()
    %run_scoped3A_21 = arith.constant 8 : i32
    "tpu.region"() ({
      %run_scoped3A_35 = tpu.sem_alloc : memref<!tpu.dma_semaphore, #tpu.memory_space<semaphore_mem>>
      %dma_start3A = arith.constant 5120 : i32
      %dma_start3A_36 = tpu.memref_slice %arg5[%dma_start3A] : memref<10240xf32, #tpu.memory_space<vmem>> -> memref<640xf32, #tpu.memory_space<vmem>>
      %dma_start3A_37 = tpu.memref_slice %arg6[%run_scoped3A_21, %mul3A_13] : memref<16x10240xf32, #tpu.memory_space<vmem_shared>> -> memref<1x640xf32, #tpu.memory_space<vmem_shared>>
      %dma_start3A_38 = tpu.memref_squeeze %dma_start3A_37 : memref<1x640xf32, #tpu.memory_space<vmem_shared>> -> memref<640xf32, #tpu.memory_space<vmem_shared>>
      %dma_start3A_39 = arith.constant 5120 : i32
      %dma_start3A_40 = tpu.memref_slice %arg5[%dma_start3A_39] : memref<10240xf32, #tpu.memory_space<vmem>> -> memref<640xf32, #tpu.memory_space<vmem>>
      %dma_start3A_41 = tpu.memref_slice %arg6[%run_scoped3A_21, %mul3A_13] : memref<16x10240xf32, #tpu.memory_space<vmem_shared>> -> memref<1x640xf32, #tpu.memory_space<vmem_shared>>
      %dma_start3A_42 = tpu.memref_squeeze %dma_start3A_41 : memref<1x640xf32, #tpu.memory_space<vmem_shared>> -> memref<640xf32, #tpu.memory_space<vmem_shared>>
      tpu.enqueue_dma source(%dma_start3A_42 : memref<640xf32, #tpu.memory_space<vmem_shared>>) target(%dma_start3A_40 : memref<640xf32, #tpu.memory_space<vmem>>) target_semaphore(%run_scoped3A_35 : memref<!tpu.dma_semaphore, #tpu.memory_space<semaphore_mem>>)
      %dma_wait3A = arith.constant 5120 : i32
      %dma_wait3A_43 = tpu.memref_slice %arg5[%dma_wait3A] : memref<10240xf32, #tpu.memory_space<vmem>> -> memref<640xf32, #tpu.memory_space<vmem>>
      %dma_wait3A_44 = tpu.memref_slice %arg6[%run_scoped3A_21, %mul3A_13] : memref<16x10240xf32, #tpu.memory_space<vmem_shared>> -> memref<1x640xf32, #tpu.memory_space<vmem_shared>>
      %dma_wait3A_45 = tpu.memref_squeeze %dma_wait3A_44 : memref<1x640xf32, #tpu.memory_space<vmem_shared>> -> memref<640xf32, #tpu.memory_space<vmem_shared>>
      %dma_wait3A_46 = arith.constant 5120 : i32
      %dma_wait3A_47 = tpu.memref_slice %arg5[%dma_wait3A_46] : memref<10240xf32, #tpu.memory_space<vmem>> -> memref<640xf32, #tpu.memory_space<vmem>>
      %dma_wait3A_48 = tpu.memref_slice %arg6[%run_scoped3A_21, %mul3A_13] : memref<16x10240xf32, #tpu.memory_space<vmem_shared>> -> memref<1x640xf32, #tpu.memory_space<vmem_shared>>
      %dma_wait3A_49 = tpu.memref_squeeze %dma_wait3A_48 : memref<1x640xf32, #tpu.memory_space<vmem_shared>> -> memref<640xf32, #tpu.memory_space<vmem_shared>>
      tpu.wait_dma2 semaphore(%run_scoped3A_35 : memref<!tpu.dma_semaphore, #tpu.memory_space<semaphore_mem>>) src(%dma_wait3A_49 : memref<640xf32, #tpu.memory_space<vmem_shared>>) dst(%dma_wait3A_47 : memref<640xf32, #tpu.memory_space<vmem>>)
      tpu.yield
    }) : () -> ()
    %run_scoped3A_22 = arith.constant 9 : i32
    "tpu.region"() ({
      %run_scoped3A_35 = tpu.sem_alloc : memref<!tpu.dma_semaphore, #tpu.memory_space<semaphore_mem>>
      %dma_start3A = arith.constant 5760 : i32
      %dma_start3A_36 = tpu.memref_slice %arg5[%dma_start3A] : memref<10240xf32, #tpu.memory_space<vmem>> -> memref<640xf32, #tpu.memory_space<vmem>>
      %dma_start3A_37 = tpu.memref_slice %arg6[%run_scoped3A_22, %mul3A_13] : memref<16x10240xf32, #tpu.memory_space<vmem_shared>> -> memref<1x640xf32, #tpu.memory_space<vmem_shared>>
      %dma_start3A_38 = tpu.memref_squeeze %dma_start3A_37 : memref<1x640xf32, #tpu.memory_space<vmem_shared>> -> memref<640xf32, #tpu.memory_space<vmem_shared>>
      %dma_start3A_39 = arith.constant 5760 : i32
      %dma_start3A_40 = tpu.memref_slice %arg5[%dma_start3A_39] : memref<10240xf32, #tpu.memory_space<vmem>> -> memref<640xf32, #tpu.memory_space<vmem>>
      %dma_start3A_41 = tpu.memref_slice %arg6[%run_scoped3A_22, %mul3A_13] : memref<16x10240xf32, #tpu.memory_space<vmem_shared>> -> memref<1x640xf32, #tpu.memory_space<vmem_shared>>
      %dma_start3A_42 = tpu.memref_squeeze %dma_start3A_41 : memref<1x640xf32, #tpu.memory_space<vmem_shared>> -> memref<640xf32, #tpu.memory_space<vmem_shared>>
      tpu.enqueue_dma source(%dma_start3A_42 : memref<640xf32, #tpu.memory_space<vmem_shared>>) target(%dma_start3A_40 : memref<640xf32, #tpu.memory_space<vmem>>) target_semaphore(%run_scoped3A_35 : memref<!tpu.dma_semaphore, #tpu.memory_space<semaphore_mem>>)
      %dma_wait3A = arith.constant 5760 : i32
      %dma_wait3A_43 = tpu.memref_slice %arg5[%dma_wait3A] : memref<10240xf32, #tpu.memory_space<vmem>> -> memref<640xf32, #tpu.memory_space<vmem>>
      %dma_wait3A_44 = tpu.memref_slice %arg6[%run_scoped3A_22, %mul3A_13] : memref<16x10240xf32, #tpu.memory_space<vmem_shared>> -> memref<1x640xf32, #tpu.memory_space<vmem_shared>>
      %dma_wait3A_45 = tpu.memref_squeeze %dma_wait3A_44 : memref<1x640xf32, #tpu.memory_space<vmem_shared>> -> memref<640xf32, #tpu.memory_space<vmem_shared>>
      %dma_wait3A_46 = arith.constant 5760 : i32
      %dma_wait3A_47 = tpu.memref_slice %arg5[%dma_wait3A_46] : memref<10240xf32, #tpu.memory_space<vmem>> -> memref<640xf32, #tpu.memory_space<vmem>>
      %dma_wait3A_48 = tpu.memref_slice %arg6[%run_scoped3A_22, %mul3A_13] : memref<16x10240xf32, #tpu.memory_space<vmem_shared>> -> memref<1x640xf32, #tpu.memory_space<vmem_shared>>
      %dma_wait3A_49 = tpu.memref_squeeze %dma_wait3A_48 : memref<1x640xf32, #tpu.memory_space<vmem_shared>> -> memref<640xf32, #tpu.memory_space<vmem_shared>>
      tpu.wait_dma2 semaphore(%run_scoped3A_35 : memref<!tpu.dma_semaphore, #tpu.memory_space<semaphore_mem>>) src(%dma_wait3A_49 : memref<640xf32, #tpu.memory_space<vmem_shared>>) dst(%dma_wait3A_47 : memref<640xf32, #tpu.memory_space<vmem>>)
      tpu.yield
    }) : () -> ()
    %run_scoped3A_23 = arith.constant 10 : i32
    "tpu.region"() ({
      %run_scoped3A_35 = tpu.sem_alloc : memref<!tpu.dma_semaphore, #tpu.memory_space<semaphore_mem>>
      %dma_start3A = arith.constant 6400 : i32
      %dma_start3A_36 = tpu.memref_slice %arg5[%dma_start3A] : memref<10240xf32, #tpu.memory_space<vmem>> -> memref<640xf32, #tpu.memory_space<vmem>>
      %dma_start3A_37 = tpu.memref_slice %arg6[%run_scoped3A_23, %mul3A_13] : memref<16x10240xf32, #tpu.memory_space<vmem_shared>> -> memref<1x640xf32, #tpu.memory_space<vmem_shared>>
      %dma_start3A_38 = tpu.memref_squeeze %dma_start3A_37 : memref<1x640xf32, #tpu.memory_space<vmem_shared>> -> memref<640xf32, #tpu.memory_space<vmem_shared>>
      %dma_start3A_39 = arith.constant 6400 : i32
      %dma_start3A_40 = tpu.memref_slice %arg5[%dma_start3A_39] : memref<10240xf32, #tpu.memory_space<vmem>> -> memref<640xf32, #tpu.memory_space<vmem>>
      %dma_start3A_41 = tpu.memref_slice %arg6[%run_scoped3A_23, %mul3A_13] : memref<16x10240xf32, #tpu.memory_space<vmem_shared>> -> memref<1x640xf32, #tpu.memory_space<vmem_shared>>
      %dma_start3A_42 = tpu.memref_squeeze %dma_start3A_41 : memref<1x640xf32, #tpu.memory_space<vmem_shared>> -> memref<640xf32, #tpu.memory_space<vmem_shared>>
      tpu.enqueue_dma source(%dma_start3A_42 : memref<640xf32, #tpu.memory_space<vmem_shared>>) target(%dma_start3A_40 : memref<640xf32, #tpu.memory_space<vmem>>) target_semaphore(%run_scoped3A_35 : memref<!tpu.dma_semaphore, #tpu.memory_space<semaphore_mem>>)
      %dma_wait3A = arith.constant 6400 : i32
      %dma_wait3A_43 = tpu.memref_slice %arg5[%dma_wait3A] : memref<10240xf32, #tpu.memory_space<vmem>> -> memref<640xf32, #tpu.memory_space<vmem>>
      %dma_wait3A_44 = tpu.memref_slice %arg6[%run_scoped3A_23, %mul3A_13] : memref<16x10240xf32, #tpu.memory_space<vmem_shared>> -> memref<1x640xf32, #tpu.memory_space<vmem_shared>>
      %dma_wait3A_45 = tpu.memref_squeeze %dma_wait3A_44 : memref<1x640xf32, #tpu.memory_space<vmem_shared>> -> memref<640xf32, #tpu.memory_space<vmem_shared>>
      %dma_wait3A_46 = arith.constant 6400 : i32
      %dma_wait3A_47 = tpu.memref_slice %arg5[%dma_wait3A_46] : memref<10240xf32, #tpu.memory_space<vmem>> -> memref<640xf32, #tpu.memory_space<vmem>>
      %dma_wait3A_48 = tpu.memref_slice %arg6[%run_scoped3A_23, %mul3A_13] : memref<16x10240xf32, #tpu.memory_space<vmem_shared>> -> memref<1x640xf32, #tpu.memory_space<vmem_shared>>
      %dma_wait3A_49 = tpu.memref_squeeze %dma_wait3A_48 : memref<1x640xf32, #tpu.memory_space<vmem_shared>> -> memref<640xf32, #tpu.memory_space<vmem_shared>>
      tpu.wait_dma2 semaphore(%run_scoped3A_35 : memref<!tpu.dma_semaphore, #tpu.memory_space<semaphore_mem>>) src(%dma_wait3A_49 : memref<640xf32, #tpu.memory_space<vmem_shared>>) dst(%dma_wait3A_47 : memref<640xf32, #tpu.memory_space<vmem>>)
      tpu.yield
    }) : () -> ()
    %run_scoped3A_24 = arith.constant 11 : i32
    "tpu.region"() ({
      %run_scoped3A_35 = tpu.sem_alloc : memref<!tpu.dma_semaphore, #tpu.memory_space<semaphore_mem>>
      %dma_start3A = arith.constant 7040 : i32
      %dma_start3A_36 = tpu.memref_slice %arg5[%dma_start3A] : memref<10240xf32, #tpu.memory_space<vmem>> -> memref<640xf32, #tpu.memory_space<vmem>>
      %dma_start3A_37 = tpu.memref_slice %arg6[%run_scoped3A_24, %mul3A_13] : memref<16x10240xf32, #tpu.memory_space<vmem_shared>> -> memref<1x640xf32, #tpu.memory_space<vmem_shared>>
      %dma_start3A_38 = tpu.memref_squeeze %dma_start3A_37 : memref<1x640xf32, #tpu.memory_space<vmem_shared>> -> memref<640xf32, #tpu.memory_space<vmem_shared>>
      %dma_start3A_39 = arith.constant 7040 : i32
      %dma_start3A_40 = tpu.memref_slice %arg5[%dma_start3A_39] : memref<10240xf32, #tpu.memory_space<vmem>> -> memref<640xf32, #tpu.memory_space<vmem>>
      %dma_start3A_41 = tpu.memref_slice %arg6[%run_scoped3A_24, %mul3A_13] : memref<16x10240xf32, #tpu.memory_space<vmem_shared>> -> memref<1x640xf32, #tpu.memory_space<vmem_shared>>
      %dma_start3A_42 = tpu.memref_squeeze %dma_start3A_41 : memref<1x640xf32, #tpu.memory_space<vmem_shared>> -> memref<640xf32, #tpu.memory_space<vmem_shared>>
      tpu.enqueue_dma source(%dma_start3A_42 : memref<640xf32, #tpu.memory_space<vmem_shared>>) target(%dma_start3A_40 : memref<640xf32, #tpu.memory_space<vmem>>) target_semaphore(%run_scoped3A_35 : memref<!tpu.dma_semaphore, #tpu.memory_space<semaphore_mem>>)
      %dma_wait3A = arith.constant 7040 : i32
      %dma_wait3A_43 = tpu.memref_slice %arg5[%dma_wait3A] : memref<10240xf32, #tpu.memory_space<vmem>> -> memref<640xf32, #tpu.memory_space<vmem>>
      %dma_wait3A_44 = tpu.memref_slice %arg6[%run_scoped3A_24, %mul3A_13] : memref<16x10240xf32, #tpu.memory_space<vmem_shared>> -> memref<1x640xf32, #tpu.memory_space<vmem_shared>>
      %dma_wait3A_45 = tpu.memref_squeeze %dma_wait3A_44 : memref<1x640xf32, #tpu.memory_space<vmem_shared>> -> memref<640xf32, #tpu.memory_space<vmem_shared>>
      %dma_wait3A_46 = arith.constant 7040 : i32
      %dma_wait3A_47 = tpu.memref_slice %arg5[%dma_wait3A_46] : memref<10240xf32, #tpu.memory_space<vmem>> -> memref<640xf32, #tpu.memory_space<vmem>>
      %dma_wait3A_48 = tpu.memref_slice %arg6[%run_scoped3A_24, %mul3A_13] : memref<16x10240xf32, #tpu.memory_space<vmem_shared>> -> memref<1x640xf32, #tpu.memory_space<vmem_shared>>
      %dma_wait3A_49 = tpu.memref_squeeze %dma_wait3A_48 : memref<1x640xf32, #tpu.memory_space<vmem_shared>> -> memref<640xf32, #tpu.memory_space<vmem_shared>>
      tpu.wait_dma2 semaphore(%run_scoped3A_35 : memref<!tpu.dma_semaphore, #tpu.memory_space<semaphore_mem>>) src(%dma_wait3A_49 : memref<640xf32, #tpu.memory_space<vmem_shared>>) dst(%dma_wait3A_47 : memref<640xf32, #tpu.memory_space<vmem>>)
      tpu.yield
    }) : () -> ()
    %run_scoped3A_25 = arith.constant 12 : i32
    "tpu.region"() ({
      %run_scoped3A_35 = tpu.sem_alloc : memref<!tpu.dma_semaphore, #tpu.memory_space<semaphore_mem>>
      %dma_start3A = arith.constant 7680 : i32
      %dma_start3A_36 = tpu.memref_slice %arg5[%dma_start3A] : memref<10240xf32, #tpu.memory_space<vmem>> -> memref<640xf32, #tpu.memory_space<vmem>>
      %dma_start3A_37 = tpu.memref_slice %arg6[%run_scoped3A_25, %mul3A_13] : memref<16x10240xf32, #tpu.memory_space<vmem_shared>> -> memref<1x640xf32, #tpu.memory_space<vmem_shared>>
      %dma_start3A_38 = tpu.memref_squeeze %dma_start3A_37 : memref<1x640xf32, #tpu.memory_space<vmem_shared>> -> memref<640xf32, #tpu.memory_space<vmem_shared>>
      %dma_start3A_39 = arith.constant 7680 : i32
      %dma_start3A_40 = tpu.memref_slice %arg5[%dma_start3A_39] : memref<10240xf32, #tpu.memory_space<vmem>> -> memref<640xf32, #tpu.memory_space<vmem>>
      %dma_start3A_41 = tpu.memref_slice %arg6[%run_scoped3A_25, %mul3A_13] : memref<16x10240xf32, #tpu.memory_space<vmem_shared>> -> memref<1x640xf32, #tpu.memory_space<vmem_shared>>
      %dma_start3A_42 = tpu.memref_squeeze %dma_start3A_41 : memref<1x640xf32, #tpu.memory_space<vmem_shared>> -> memref<640xf32, #tpu.memory_space<vmem_shared>>
      tpu.enqueue_dma source(%dma_start3A_42 : memref<640xf32, #tpu.memory_space<vmem_shared>>) target(%dma_start3A_40 : memref<640xf32, #tpu.memory_space<vmem>>) target_semaphore(%run_scoped3A_35 : memref<!tpu.dma_semaphore, #tpu.memory_space<semaphore_mem>>)
      %dma_wait3A = arith.constant 7680 : i32
      %dma_wait3A_43 = tpu.memref_slice %arg5[%dma_wait3A] : memref<10240xf32, #tpu.memory_space<vmem>> -> memref<640xf32, #tpu.memory_space<vmem>>
      %dma_wait3A_44 = tpu.memref_slice %arg6[%run_scoped3A_25, %mul3A_13] : memref<16x10240xf32, #tpu.memory_space<vmem_shared>> -> memref<1x640xf32, #tpu.memory_space<vmem_shared>>
      %dma_wait3A_45 = tpu.memref_squeeze %dma_wait3A_44 : memref<1x640xf32, #tpu.memory_space<vmem_shared>> -> memref<640xf32, #tpu.memory_space<vmem_shared>>
      %dma_wait3A_46 = arith.constant 7680 : i32
      %dma_wait3A_47 = tpu.memref_slice %arg5[%dma_wait3A_46] : memref<10240xf32, #tpu.memory_space<vmem>> -> memref<640xf32, #tpu.memory_space<vmem>>
      %dma_wait3A_48 = tpu.memref_slice %arg6[%run_scoped3A_25, %mul3A_13] : memref<16x10240xf32, #tpu.memory_space<vmem_shared>> -> memref<1x640xf32, #tpu.memory_space<vmem_shared>>
      %dma_wait3A_49 = tpu.memref_squeeze %dma_wait3A_48 : memref<1x640xf32, #tpu.memory_space<vmem_shared>> -> memref<640xf32, #tpu.memory_space<vmem_shared>>
      tpu.wait_dma2 semaphore(%run_scoped3A_35 : memref<!tpu.dma_semaphore, #tpu.memory_space<semaphore_mem>>) src(%dma_wait3A_49 : memref<640xf32, #tpu.memory_space<vmem_shared>>) dst(%dma_wait3A_47 : memref<640xf32, #tpu.memory_space<vmem>>)
      tpu.yield
    }) : () -> ()
    %run_scoped3A_26 = arith.constant 13 : i32
    "tpu.region"() ({
      %run_scoped3A_35 = tpu.sem_alloc : memref<!tpu.dma_semaphore, #tpu.memory_space<semaphore_mem>>
      %dma_start3A = arith.constant 8320 : i32
      %dma_start3A_36 = tpu.memref_slice %arg5[%dma_start3A] : memref<10240xf32, #tpu.memory_space<vmem>> -> memref<640xf32, #tpu.memory_space<vmem>>
      %dma_start3A_37 = tpu.memref_slice %arg6[%run_scoped3A_26, %mul3A_13] : memref<16x10240xf32, #tpu.memory_space<vmem_shared>> -> memref<1x640xf32, #tpu.memory_space<vmem_shared>>
      %dma_start3A_38 = tpu.memref_squeeze %dma_start3A_37 : memref<1x640xf32, #tpu.memory_space<vmem_shared>> -> memref<640xf32, #tpu.memory_space<vmem_shared>>
      %dma_start3A_39 = arith.constant 8320 : i32
      %dma_start3A_40 = tpu.memref_slice %arg5[%dma_start3A_39] : memref<10240xf32, #tpu.memory_space<vmem>> -> memref<640xf32, #tpu.memory_space<vmem>>
      %dma_start3A_41 = tpu.memref_slice %arg6[%run_scoped3A_26, %mul3A_13] : memref<16x10240xf32, #tpu.memory_space<vmem_shared>> -> memref<1x640xf32, #tpu.memory_space<vmem_shared>>
      %dma_start3A_42 = tpu.memref_squeeze %dma_start3A_41 : memref<1x640xf32, #tpu.memory_space<vmem_shared>> -> memref<640xf32, #tpu.memory_space<vmem_shared>>
      tpu.enqueue_dma source(%dma_start3A_42 : memref<640xf32, #tpu.memory_space<vmem_shared>>) target(%dma_start3A_40 : memref<640xf32, #tpu.memory_space<vmem>>) target_semaphore(%run_scoped3A_35 : memref<!tpu.dma_semaphore, #tpu.memory_space<semaphore_mem>>)
      %dma_wait3A = arith.constant 8320 : i32
      %dma_wait3A_43 = tpu.memref_slice %arg5[%dma_wait3A] : memref<10240xf32, #tpu.memory_space<vmem>> -> memref<640xf32, #tpu.memory_space<vmem>>
      %dma_wait3A_44 = tpu.memref_slice %arg6[%run_scoped3A_26, %mul3A_13] : memref<16x10240xf32, #tpu.memory_space<vmem_shared>> -> memref<1x640xf32, #tpu.memory_space<vmem_shared>>
      %dma_wait3A_45 = tpu.memref_squeeze %dma_wait3A_44 : memref<1x640xf32, #tpu.memory_space<vmem_shared>> -> memref<640xf32, #tpu.memory_space<vmem_shared>>
      %dma_wait3A_46 = arith.constant 8320 : i32
      %dma_wait3A_47 = tpu.memref_slice %arg5[%dma_wait3A_46] : memref<10240xf32, #tpu.memory_space<vmem>> -> memref<640xf32, #tpu.memory_space<vmem>>
      %dma_wait3A_48 = tpu.memref_slice %arg6[%run_scoped3A_26, %mul3A_13] : memref<16x10240xf32, #tpu.memory_space<vmem_shared>> -> memref<1x640xf32, #tpu.memory_space<vmem_shared>>
      %dma_wait3A_49 = tpu.memref_squeeze %dma_wait3A_48 : memref<1x640xf32, #tpu.memory_space<vmem_shared>> -> memref<640xf32, #tpu.memory_space<vmem_shared>>
      tpu.wait_dma2 semaphore(%run_scoped3A_35 : memref<!tpu.dma_semaphore, #tpu.memory_space<semaphore_mem>>) src(%dma_wait3A_49 : memref<640xf32, #tpu.memory_space<vmem_shared>>) dst(%dma_wait3A_47 : memref<640xf32, #tpu.memory_space<vmem>>)
      tpu.yield
    }) : () -> ()
    %run_scoped3A_27 = arith.constant 14 : i32
    "tpu.region"() ({
      %run_scoped3A_35 = tpu.sem_alloc : memref<!tpu.dma_semaphore, #tpu.memory_space<semaphore_mem>>
      %dma_start3A = arith.constant 8960 : i32
      %dma_start3A_36 = tpu.memref_slice %arg5[%dma_start3A] : memref<10240xf32, #tpu.memory_space<vmem>> -> memref<640xf32, #tpu.memory_space<vmem>>
      %dma_start3A_37 = tpu.memref_slice %arg6[%run_scoped3A_27, %mul3A_13] : memref<16x10240xf32, #tpu.memory_space<vmem_shared>> -> memref<1x640xf32, #tpu.memory_space<vmem_shared>>
      %dma_start3A_38 = tpu.memref_squeeze %dma_start3A_37 : memref<1x640xf32, #tpu.memory_space<vmem_shared>> -> memref<640xf32, #tpu.memory_space<vmem_shared>>
      %dma_start3A_39 = arith.constant 8960 : i32
      %dma_start3A_40 = tpu.memref_slice %arg5[%dma_start3A_39] : memref<10240xf32, #tpu.memory_space<vmem>> -> memref<640xf32, #tpu.memory_space<vmem>>
      %dma_start3A_41 = tpu.memref_slice %arg6[%run_scoped3A_27, %mul3A_13] : memref<16x10240xf32, #tpu.memory_space<vmem_shared>> -> memref<1x640xf32, #tpu.memory_space<vmem_shared>>
      %dma_start3A_42 = tpu.memref_squeeze %dma_start3A_41 : memref<1x640xf32, #tpu.memory_space<vmem_shared>> -> memref<640xf32, #tpu.memory_space<vmem_shared>>
      tpu.enqueue_dma source(%dma_start3A_42 : memref<640xf32, #tpu.memory_space<vmem_shared>>) target(%dma_start3A_40 : memref<640xf32, #tpu.memory_space<vmem>>) target_semaphore(%run_scoped3A_35 : memref<!tpu.dma_semaphore, #tpu.memory_space<semaphore_mem>>)
      %dma_wait3A = arith.constant 8960 : i32
      %dma_wait3A_43 = tpu.memref_slice %arg5[%dma_wait3A] : memref<10240xf32, #tpu.memory_space<vmem>> -> memref<640xf32, #tpu.memory_space<vmem>>
      %dma_wait3A_44 = tpu.memref_slice %arg6[%run_scoped3A_27, %mul3A_13] : memref<16x10240xf32, #tpu.memory_space<vmem_shared>> -> memref<1x640xf32, #tpu.memory_space<vmem_shared>>
      %dma_wait3A_45 = tpu.memref_squeeze %dma_wait3A_44 : memref<1x640xf32, #tpu.memory_space<vmem_shared>> -> memref<640xf32, #tpu.memory_space<vmem_shared>>
      %dma_wait3A_46 = arith.constant 8960 : i32
      %dma_wait3A_47 = tpu.memref_slice %arg5[%dma_wait3A_46] : memref<10240xf32, #tpu.memory_space<vmem>> -> memref<640xf32, #tpu.memory_space<vmem>>
      %dma_wait3A_48 = tpu.memref_slice %arg6[%run_scoped3A_27, %mul3A_13] : memref<16x10240xf32, #tpu.memory_space<vmem_shared>> -> memref<1x640xf32, #tpu.memory_space<vmem_shared>>
      %dma_wait3A_49 = tpu.memref_squeeze %dma_wait3A_48 : memref<1x640xf32, #tpu.memory_space<vmem_shared>> -> memref<640xf32, #tpu.memory_space<vmem_shared>>
      tpu.wait_dma2 semaphore(%run_scoped3A_35 : memref<!tpu.dma_semaphore, #tpu.memory_space<semaphore_mem>>) src(%dma_wait3A_49 : memref<640xf32, #tpu.memory_space<vmem_shared>>) dst(%dma_wait3A_47 : memref<640xf32, #tpu.memory_space<vmem>>)
      tpu.yield
    }) : () -> ()
    %run_scoped3A_28 = arith.constant 15 : i32
    "tpu.region"() ({
      %run_scoped3A_35 = tpu.sem_alloc : memref<!tpu.dma_semaphore, #tpu.memory_space<semaphore_mem>>
      %dma_start3A = arith.constant 9600 : i32
      %dma_start3A_36 = tpu.memref_slice %arg5[%dma_start3A] : memref<10240xf32, #tpu.memory_space<vmem>> -> memref<640xf32, #tpu.memory_space<vmem>>
      %dma_start3A_37 = tpu.memref_slice %arg6[%run_scoped3A_28, %mul3A_13] : memref<16x10240xf32, #tpu.memory_space<vmem_shared>> -> memref<1x640xf32, #tpu.memory_space<vmem_shared>>
      %dma_start3A_38 = tpu.memref_squeeze %dma_start3A_37 : memref<1x640xf32, #tpu.memory_space<vmem_shared>> -> memref<640xf32, #tpu.memory_space<vmem_shared>>
      %dma_start3A_39 = arith.constant 9600 : i32
      %dma_start3A_40 = tpu.memref_slice %arg5[%dma_start3A_39] : memref<10240xf32, #tpu.memory_space<vmem>> -> memref<640xf32, #tpu.memory_space<vmem>>
      %dma_start3A_41 = tpu.memref_slice %arg6[%run_scoped3A_28, %mul3A_13] : memref<16x10240xf32, #tpu.memory_space<vmem_shared>> -> memref<1x640xf32, #tpu.memory_space<vmem_shared>>
      %dma_start3A_42 = tpu.memref_squeeze %dma_start3A_41 : memref<1x640xf32, #tpu.memory_space<vmem_shared>> -> memref<640xf32, #tpu.memory_space<vmem_shared>>
      tpu.enqueue_dma source(%dma_start3A_42 : memref<640xf32, #tpu.memory_space<vmem_shared>>) target(%dma_start3A_40 : memref<640xf32, #tpu.memory_space<vmem>>) target_semaphore(%run_scoped3A_35 : memref<!tpu.dma_semaphore, #tpu.memory_space<semaphore_mem>>)
      %dma_wait3A = arith.constant 9600 : i32
      %dma_wait3A_43 = tpu.memref_slice %arg5[%dma_wait3A] : memref<10240xf32, #tpu.memory_space<vmem>> -> memref<640xf32, #tpu.memory_space<vmem>>
      %dma_wait3A_44 = tpu.memref_slice %arg6[%run_scoped3A_28, %mul3A_13] : memref<16x10240xf32, #tpu.memory_space<vmem_shared>> -> memref<1x640xf32, #tpu.memory_space<vmem_shared>>
      %dma_wait3A_45 = tpu.memref_squeeze %dma_wait3A_44 : memref<1x640xf32, #tpu.memory_space<vmem_shared>> -> memref<640xf32, #tpu.memory_space<vmem_shared>>
      %dma_wait3A_46 = arith.constant 9600 : i32
      %dma_wait3A_47 = tpu.memref_slice %arg5[%dma_wait3A_46] : memref<10240xf32, #tpu.memory_space<vmem>> -> memref<640xf32, #tpu.memory_space<vmem>>
      %dma_wait3A_48 = tpu.memref_slice %arg6[%run_scoped3A_28, %mul3A_13] : memref<16x10240xf32, #tpu.memory_space<vmem_shared>> -> memref<1x640xf32, #tpu.memory_space<vmem_shared>>
      %dma_wait3A_49 = tpu.memref_squeeze %dma_wait3A_48 : memref<1x640xf32, #tpu.memory_space<vmem_shared>> -> memref<640xf32, #tpu.memory_space<vmem_shared>>
      tpu.wait_dma2 semaphore(%run_scoped3A_35 : memref<!tpu.dma_semaphore, #tpu.memory_space<semaphore_mem>>) src(%dma_wait3A_49 : memref<640xf32, #tpu.memory_space<vmem_shared>>) dst(%dma_wait3A_47 : memref<640xf32, #tpu.memory_space<vmem>>)
      tpu.yield
    }) : () -> ()
    %scan3A_29 = arith.constant 0 : i32
    %scan3A_30 = arith.constant 0 : i32
    %scan3A_31 = arith.constant 40 : i32
    %scan3A_32 = arith.addi %scan3A_30, %scan3A_31 : i32
    %scan3A_33 = arith.constant 1 : i32
    scf.for %scan3A_35 = %scan3A_30 to %scan3A_32 step %scan3A_33  : i32 {
      %mul3A_36 = arith.constant 16 : i32
      %mul3A_37 = arith.muli %scan3A_35, %mul3A_36 : i32
      %get3A = arith.index_cast %mul3A_37 : i32 to index
      %get3A_38 = tpu.vector_load %arg5[%get3A] {strides = array<i32>} : memref<10240xf32, #tpu.memory_space<vmem>>, vector<16xf32>,
      %mul3A_39 = arith.constant 16 : i32
      %mul3A_40 = arith.muli %scan3A_35, %mul3A_39 : i32
      %add3A_41 = arith.constant 640 : i32
      %add3A_42 = arith.addi %add3A_41, %mul3A_40 : i32
      %get3A_43 = arith.index_cast %add3A_42 : i32 to index
      %get3A_44 = tpu.vector_load %arg5[%get3A_43] {strides = array<i32>} : memref<10240xf32, #tpu.memory_space<vmem>>, vector<16xf32>,
      %add3A_45 = arith.addf %get3A_38, %get3A_44 : vector<16xf32>
      %mul3A_46 = arith.constant 16 : i32
      %mul3A_47 = arith.muli %scan3A_35, %mul3A_46 : i32
      %add3A_48 = arith.constant 1280 : i32
      %add3A_49 = arith.addi %add3A_48, %mul3A_47 : i32
      %get3A_50 = arith.index_cast %add3A_49 : i32 to index
      %get3A_51 = tpu.vector_load %arg5[%get3A_50] {strides = array<i32>} : memref<10240xf32, #tpu.memory_space<vmem>>, vector<16xf32>,
      %add3A_52 = arith.addf %add3A_45, %get3A_51 : vector<16xf32>
      %mul3A_53 = arith.constant 16 : i32
      %mul3A_54 = arith.muli %scan3A_35, %mul3A_53 : i32
      %add3A_55 = arith.constant 1920 : i32
      %add3A_56 = arith.addi %add3A_55, %mul3A_54 : i32
      %get3A_57 = arith.index_cast %add3A_56 : i32 to index
      %get3A_58 = tpu.vector_load %arg5[%get3A_57] {strides = array<i32>} : memref<10240xf32, #tpu.memory_space<vmem>>, vector<16xf32>,
      %add3A_59 = arith.addf %add3A_52, %get3A_58 : vector<16xf32>
      %mul3A_60 = arith.constant 16 : i32
      %mul3A_61 = arith.muli %scan3A_35, %mul3A_60 : i32
      %add3A_62 = arith.constant 2560 : i32
      %add3A_63 = arith.addi %add3A_62, %mul3A_61 : i32
      %get3A_64 = arith.index_cast %add3A_63 : i32 to index
      %get3A_65 = tpu.vector_load %arg5[%get3A_64] {strides = array<i32>} : memref<10240xf32, #tpu.memory_space<vmem>>, vector<16xf32>,
      %add3A_66 = arith.addf %add3A_59, %get3A_65 : vector<16xf32>
      %mul3A_67 = arith.constant 16 : i32
      %mul3A_68 = arith.muli %scan3A_35, %mul3A_67 : i32
      %add3A_69 = arith.constant 3200 : i32
      %add3A_70 = arith.addi %add3A_69, %mul3A_68 : i32
      %get3A_71 = arith.index_cast %add3A_70 : i32 to index
      %get3A_72 = tpu.vector_load %arg5[%get3A_71] {strides = array<i32>} : memref<10240xf32, #tpu.memory_space<vmem>>, vector<16xf32>,
      %add3A_73 = arith.addf %add3A_66, %get3A_72 : vector<16xf32>
      %mul3A_74 = arith.constant 16 : i32
      %mul3A_75 = arith.muli %scan3A_35, %mul3A_74 : i32
      %add3A_76 = arith.constant 3840 : i32
      %add3A_77 = arith.addi %add3A_76, %mul3A_75 : i32
      %get3A_78 = arith.index_cast %add3A_77 : i32 to index
      %get3A_79 = tpu.vector_load %arg5[%get3A_78] {strides = array<i32>} : memref<10240xf32, #tpu.memory_space<vmem>>, vector<16xf32>,
      %add3A_80 = arith.addf %add3A_73, %get3A_79 : vector<16xf32>
      %mul3A_81 = arith.constant 16 : i32
      %mul3A_82 = arith.muli %scan3A_35, %mul3A_81 : i32
      %add3A_83 = arith.constant 4480 : i32
      %add3A_84 = arith.addi %add3A_83, %mul3A_82 : i32
      %get3A_85 = arith.index_cast %add3A_84 : i32 to index
      %get3A_86 = tpu.vector_load %arg5[%get3A_85] {strides = array<i32>} : memref<10240xf32, #tpu.memory_space<vmem>>, vector<16xf32>,
      %add3A_87 = arith.addf %add3A_80, %get3A_86 : vector<16xf32>
      %mul3A_88 = arith.constant 16 : i32
      %mul3A_89 = arith.muli %scan3A_35, %mul3A_88 : i32
      %add3A_90 = arith.constant 5120 : i32
      %add3A_91 = arith.addi %add3A_90, %mul3A_89 : i32
      %get3A_92 = arith.index_cast %add3A_91 : i32 to index
      %get3A_93 = tpu.vector_load %arg5[%get3A_92] {strides = array<i32>} : memref<10240xf32, #tpu.memory_space<vmem>>, vector<16xf32>,
      %add3A_94 = arith.addf %add3A_87, %get3A_93 : vector<16xf32>
      %mul3A_95 = arith.constant 16 : i32
      %mul3A_96 = arith.muli %scan3A_35, %mul3A_95 : i32
      %add3A_97 = arith.constant 5760 : i32
      %add3A_98 = arith.addi %add3A_97, %mul3A_96 : i32
      %get3A_99 = arith.index_cast %add3A_98 : i32 to index
      %get3A_100 = tpu.vector_load %arg5[%get3A_99] {strides = array<i32>} : memref<10240xf32, #tpu.memory_space<vmem>>, vector<16xf32>,
      %add3A_101 = arith.addf %add3A_94, %get3A_100 : vector<16xf32>
      %mul3A_102 = arith.constant 16 : i32
      %mul3A_103 = arith.muli %scan3A_35, %mul3A_102 : i32
      %add3A_104 = arith.constant 6400 : i32
      %add3A_105 = arith.addi %add3A_104, %mul3A_103 : i32
      %get3A_106 = arith.index_cast %add3A_105 : i32 to index
      %get3A_107 = tpu.vector_load %arg5[%get3A_106] {strides = array<i32>} : memref<10240xf32, #tpu.memory_space<vmem>>, vector<16xf32>,
      %add3A_108 = arith.addf %add3A_101, %get3A_107 : vector<16xf32>
      %mul3A_109 = arith.constant 16 : i32
      %mul3A_110 = arith.muli %scan3A_35, %mul3A_109 : i32
      %add3A_111 = arith.constant 7040 : i32
      %add3A_112 = arith.addi %add3A_111, %mul3A_110 : i32
      %get3A_113 = arith.index_cast %add3A_112 : i32 to index
      %get3A_114 = tpu.vector_load %arg5[%get3A_113] {strides = array<i32>} : memref<10240xf32, #tpu.memory_space<vmem>>, vector<16xf32>,
      %add3A_115 = arith.addf %add3A_108, %get3A_114 : vector<16xf32>
      %mul3A_116 = arith.constant 16 : i32
      %mul3A_117 = arith.muli %scan3A_35, %mul3A_116 : i32
      %add3A_118 = arith.constant 7680 : i32
      %add3A_119 = arith.addi %add3A_118, %mul3A_117 : i32
      %get3A_120 = arith.index_cast %add3A_119 : i32 to index
      %get3A_121 = tpu.vector_load %arg5[%get3A_120] {strides = array<i32>} : memref<10240xf32, #tpu.memory_space<vmem>>, vector<16xf32>,
      %add3A_122 = arith.addf %add3A_115, %get3A_121 : vector<16xf32>
      %mul3A_123 = arith.constant 16 : i32
      %mul3A_124 = arith.muli %scan3A_35, %mul3A_123 : i32
      %add3A_125 = arith.constant 8320 : i32
      %add3A_126 = arith.addi %add3A_125, %mul3A_124 : i32
      %get3A_127 = arith.index_cast %add3A_126 : i32 to index
      %get3A_128 = tpu.vector_load %arg5[%get3A_127] {strides = array<i32>} : memref<10240xf32, #tpu.memory_space<vmem>>, vector<16xf32>,
      %add3A_129 = arith.addf %add3A_122, %get3A_128 : vector<16xf32>
      %mul3A_130 = arith.constant 16 : i32
      %mul3A_131 = arith.muli %scan3A_35, %mul3A_130 : i32
      %add3A_132 = arith.constant 8960 : i32
      %add3A_133 = arith.addi %add3A_132, %mul3A_131 : i32
      %get3A_134 = arith.index_cast %add3A_133 : i32 to index
      %get3A_135 = tpu.vector_load %arg5[%get3A_134] {strides = array<i32>} : memref<10240xf32, #tpu.memory_space<vmem>>, vector<16xf32>,
      %add3A_136 = arith.addf %add3A_129, %get3A_135 : vector<16xf32>
      %mul3A_137 = arith.constant 16 : i32
      %mul3A_138 = arith.muli %scan3A_35, %mul3A_137 : i32
      %add3A_139 = arith.constant 9600 : i32
      %add3A_140 = arith.addi %add3A_139, %mul3A_138 : i32
      %get3A_141 = arith.index_cast %add3A_140 : i32 to index
      %get3A_142 = tpu.vector_load %arg5[%get3A_141] {strides = array<i32>} : memref<10240xf32, #tpu.memory_space<vmem>>, vector<16xf32>,
      %add3A_143 = arith.addf %add3A_136, %get3A_142 : vector<16xf32>
      %mul3A_144 = arith.constant 16 : i32
      %mul3A_145 = arith.muli %scan3A_35, %mul3A_144 : i32
      %swap3A = arith.index_cast %mul3A_145 : i32 to index
      %swap3A_146 = tpu.vector_load %arg5[%swap3A] {strides = array<i32>} : memref<10240xf32, #tpu.memory_space<vmem>>, vector<16xf32>,
      tpu.vector_store %arg5[%swap3A], %add3A_143 {strides = array<i32>} : memref<10240xf32, #tpu.memory_space<vmem>>, vector<16xf32>,
    }
    %scan3A_34 = arith.constant 40 : i32
    "tpu.region"() ({
      %run_scoped3A_35 = tpu.sem_alloc : memref<!tpu.dma_semaphore, #tpu.memory_space<semaphore_mem>>
      %dma_start3A = arith.constant 0 : i32
      %dma_start3A_36 = tpu.memref_slice %arg5[%dma_start3A] : memref<10240xf32, #tpu.memory_space<vmem>> -> memref<640xf32, #tpu.memory_space<vmem>>
      %dma_start3A_37 = tpu.memref_slice %arg3[%arg0, %mul3A_13] : memref<2x10240xf32, #tpu.memory_space<hbm>> -> memref<1x640xf32, #tpu.memory_space<hbm>>
      %dma_start3A_38 = tpu.memref_squeeze %dma_start3A_37 : memref<1x640xf32, #tpu.memory_space<hbm>> -> memref<640xf32, #tpu.memory_space<hbm>>
      %dma_start3A_39 = tpu.memref_slice %arg3[%arg0, %mul3A_13] : memref<2x10240xf32, #tpu.memory_space<hbm>> -> memref<1x640xf32, #tpu.memory_space<hbm>>
      %dma_start3A_40 = tpu.memref_squeeze %dma_start3A_39 : memref<1x640xf32, #tpu.memory_space<hbm>> -> memref<640xf32, #tpu.memory_space<hbm>>
      %dma_start3A_41 = arith.constant 0 : i32
      %dma_start3A_42 = tpu.memref_slice %arg5[%dma_start3A_41] : memref<10240xf32, #tpu.memory_space<vmem>> -> memref<640xf32, #tpu.memory_space<vmem>>
      tpu.enqueue_dma source(%dma_start3A_42 : memref<640xf32, #tpu.memory_space<vmem>>) target(%dma_start3A_40 : memref<640xf32, #tpu.memory_space<hbm>>) target_semaphore(%run_scoped3A_35 : memref<!tpu.dma_semaphore, #tpu.memory_space<semaphore_mem>>)
      %dma_wait3A = arith.constant 0 : i32
      %dma_wait3A_43 = tpu.memref_slice %arg5[%dma_wait3A] : memref<10240xf32, #tpu.memory_space<vmem>> -> memref<640xf32, #tpu.memory_space<vmem>>
      %dma_wait3A_44 = tpu.memref_slice %arg3[%arg0, %mul3A_13] : memref<2x10240xf32, #tpu.memory_space<hbm>> -> memref<1x640xf32, #tpu.memory_space<hbm>>
      %dma_wait3A_45 = tpu.memref_squeeze %dma_wait3A_44 : memref<1x640xf32, #tpu.memory_space<hbm>> -> memref<640xf32, #tpu.memory_space<hbm>>
      %dma_wait3A_46 = tpu.memref_slice %arg3[%arg0, %mul3A_13] : memref<2x10240xf32, #tpu.memory_space<hbm>> -> memref<1x640xf32, #tpu.memory_space<hbm>>
      %dma_wait3A_47 = tpu.memref_squeeze %dma_wait3A_46 : memref<1x640xf32, #tpu.memory_space<hbm>> -> memref<640xf32, #tpu.memory_space<hbm>>
      %dma_wait3A_48 = arith.constant 0 : i32
      %dma_wait3A_49 = tpu.memref_slice %arg5[%dma_wait3A_48] : memref<10240xf32, #tpu.memory_space<vmem>> -> memref<640xf32, #tpu.memory_space<vmem>>
      tpu.wait_dma2 semaphore(%run_scoped3A_35 : memref<!tpu.dma_semaphore, #tpu.memory_space<semaphore_mem>>) src(%dma_wait3A_49 : memref<640xf32, #tpu.memory_space<vmem>>) dst(%dma_wait3A_47 : memref<640xf32, #tpu.memory_space<hbm>>)
      tpu.yield
    }) : () -> ()
    return
  }
}

module attributes {stable_mosaic.version = 14 : i64} {
  func.func @body(%arg0: i32, %arg1: memref<2x2000x1xf32, #tpu.memory_space<vmem>>, %arg2: memref<2000x128xf32, #tpu.memory_space<vmem>>, %arg3: memref<128x128xf32, #tpu.memory_space<vmem>>, %arg4: memref<128x128xf32, #tpu.memory_space<vmem>>, %arg5: memref<2000x8xf32, #tpu.memory_space<vmem>>, %arg6: memref<2000x128xf32, #tpu.memory_space<vmem>>, %arg7: memref<2000x128xf32, #tpu.memory_space<vmem>>) attributes {dimension_semantics = [#tpu.dimension_semantics<arbitrary>], iteration_bounds = array<i64: 5>, scalar_prefetch = 0 : i64, scratch_operands = 0 : i64, tpu.core_type = #tpu.core_type<tc>, window_params = [{transform_indices = @transform_0, window_bounds = array<i64: 2, 2000, 1>}, {transform_indices = @transform_1, window_bounds = array<i64: 2000, 128>}, {pipeline_mode = #tpu.pipeline_mode<synchronous>, transform_indices = @transform_2, window_bounds = array<i64: 128, 128>}, {pipeline_mode = #tpu.pipeline_mode<synchronous>, transform_indices = @transform_3, window_bounds = array<i64: 128, 128>}, {transform_indices = @transform_4, window_bounds = array<i64: 2000, 8>}, {transform_indices = @transform_5, window_bounds = array<i64: 2000, 128>}, {transform_indices = @transform_6, window_bounds = array<i64: 2000, 128>}]} {
    %get3A = arith.constant 0 : index
    %get3A_0 = arith.constant 0 : index
    %get3A_1 = arith.constant 0 : index
    %get3A_2 = vector.load %arg1[%get3A, %get3A_0, %get3A_1] : memref<2x2000x1xf32, #tpu.memory_space<vmem>>, vector<1x2000x1xf32>
    %get3A_3 = vector.shape_cast %get3A_2 : vector<1x2000x1xf32> to vector<2000x1xf32>
    %get3A_4 = arith.constant 1 : index
    %get3A_5 = arith.constant 0 : index
    %get3A_6 = arith.constant 0 : index
    %get3A_7 = vector.load %arg1[%get3A_4, %get3A_5, %get3A_6] : memref<2x2000x1xf32, #tpu.memory_space<vmem>>, vector<1x2000x1xf32>
    %get3A_8 = vector.shape_cast %get3A_7 : vector<1x2000x1xf32> to vector<2000x1xf32>
    %add3A = arith.addf %get3A_3, %get3A_8 : vector<2000x1xf32>
    %gt3A = arith.constant 0.000000e+00 : f32
    %gt3A_9 = vector.broadcast %gt3A : f32 to vector<2000x1xf32>
    %gt3A_10 = arith.cmpf ogt, %add3A, %gt3A_9 : vector<2000x1xf32>
    %rsqrt3A = math.rsqrt %add3A : vector<2000x1xf32>
    %jit3A = arith.constant 0.000000e+00 : f32
    %broadcast_in_dim3A = vector.broadcast %jit3A : f32 to vector<2000x1xf32>
    %select_n3A = arith.select %gt3A_10, %rsqrt3A, %broadcast_in_dim3A : vector<2000x1xi1>, vector<2000x1xf32>
    %get3A_11 = arith.constant 0 : index
    %get3A_12 = arith.constant 0 : index
    %get3A_13 = vector.load %arg2[%get3A_11, %get3A_12] : memref<2000x128xf32, #tpu.memory_space<vmem>>, vector<2000x128xf32>
    %get3A_14 = arith.constant 0 : index
    %get3A_15 = arith.constant 0 : index
    %get3A_16 = vector.load %arg3[%get3A_14, %get3A_15] : memref<128x128xf32, #tpu.memory_space<vmem>>, vector<128x128xf32>
    %dot_general3A = arith.constant dense<0.000000e+00> : vector<2000x128xf32>
    %dot_general3A_17 = tpu.matmul %get3A_13, %get3A_16, %dot_general3A {dimension_numbers = #tpu.dot_dimension_numbers<[1], [0], [0], [1], [0, 0, 1, 1], [], []>, transpose_lhs_hint = false} : vector<2000x128xf32>, vector<128x128xf32>, vector<2000x128xf32> -> vector<2000x128xf32>
    %mul3A = vector.broadcast %select_n3A : vector<2000x1xf32> to vector<2000x128xf32>
    %mul3A_18 = arith.mulf %mul3A, %dot_general3A_17 : vector<2000x128xf32>
    %swap3A = arith.constant 0 : index
    %swap3A_19 = arith.constant 0 : index
    %swap3A_20 = vector.load %arg6[%swap3A, %swap3A_19] : memref<2000x128xf32, #tpu.memory_space<vmem>>, vector<2000x128xf32>
    tpu.vector_store %arg6[%swap3A, %swap3A_19], %mul3A_18 {strides = array<i32>} : memref<2000x128xf32, #tpu.memory_space<vmem>>, vector<2000x128xf32>,
    %get3A_21 = arith.constant 0 : index
    %get3A_22 = arith.constant 0 : index
    %get3A_23 = vector.load %arg4[%get3A_21, %get3A_22] : memref<128x128xf32, #tpu.memory_space<vmem>>, vector<128x128xf32>
    %dot_general3A_24 = arith.constant dense<0.000000e+00> : vector<2000x128xf32>
    %dot_general3A_25 = tpu.matmul %get3A_13, %get3A_23, %dot_general3A_24 {dimension_numbers = #tpu.dot_dimension_numbers<[1], [0], [0], [1], [0, 0, 1, 1], [], []>, transpose_lhs_hint = false} : vector<2000x128xf32>, vector<128x128xf32>, vector<2000x128xf32> -> vector<2000x128xf32>
    %swap3A_26 = arith.constant 0 : index
    %swap3A_27 = arith.constant 0 : index
    %swap3A_28 = vector.load %arg7[%swap3A_26, %swap3A_27] : memref<2000x128xf32, #tpu.memory_space<vmem>>, vector<2000x128xf32>
    tpu.vector_store %arg7[%swap3A_26, %swap3A_27], %dot_general3A_25 {strides = array<i32>} : memref<2000x128xf32, #tpu.memory_space<vmem>>, vector<2000x128xf32>,
    %broadcast_in_dim3A_29 = vector.shape_cast %select_n3A : vector<2000x1xf32> to vector<2000x1xf32>
    %broadcast_in_dim3A_30 = vector.broadcast %broadcast_in_dim3A_29 : vector<2000x1xf32> to vector<2000x8xf32>
    %swap3A_31 = arith.constant 0 : index
    %swap3A_32 = arith.constant 0 : index
    %swap3A_33 = vector.load %arg5[%swap3A_31, %swap3A_32] : memref<2000x8xf32, #tpu.memory_space<vmem>>, vector<2000x8xf32>
    tpu.vector_store %arg5[%swap3A_31, %swap3A_32], %broadcast_in_dim3A_30 {strides = array<i32>} : memref<2000x8xf32, #tpu.memory_space<vmem>>, vector<2000x8xf32>,
    return
  }
  func.func @transform_0(%arg0: i32) -> (i32, i32, i32) {
    %c0_i32 = arith.constant 0 : i32
    %c0_i32_0 = arith.constant 0 : i32
    %c0_i32_1 = arith.constant 0 : i32
    return %c0_i32, %arg0, %c0_i32_0 : i32, i32, i32
  }
  func.func @transform_1(%arg0: i32) -> (i32, i32) {
    %c0_i32 = arith.constant 0 : i32
    %c0_i32_0 = arith.constant 0 : i32
    return %arg0, %c0_i32 : i32, i32
  }
  func.func @transform_2(%arg0: i32) -> (i32, i32) {
    %c0_i32 = arith.constant 0 : i32
    %c0_i32_0 = arith.constant 0 : i32
    %c0_i32_1 = arith.constant 0 : i32
    return %c0_i32, %c0_i32_0 : i32, i32
  }
  func.func @transform_3(%arg0: i32) -> (i32, i32) {
    %c0_i32 = arith.constant 0 : i32
    %c0_i32_0 = arith.constant 0 : i32
    %c0_i32_1 = arith.constant 0 : i32
    return %c0_i32, %c0_i32_0 : i32, i32
  }
  func.func @transform_4(%arg0: i32) -> (i32, i32) {
    %c0_i32 = arith.constant 0 : i32
    %c0_i32_0 = arith.constant 0 : i32
    return %arg0, %c0_i32 : i32, i32
  }
  func.func @transform_5(%arg0: i32) -> (i32, i32) {
    %c0_i32 = arith.constant 0 : i32
    %c0_i32_0 = arith.constant 0 : i32
    return %arg0, %c0_i32 : i32, i32
  }
  func.func @transform_6(%arg0: i32) -> (i32, i32) {
    %c0_i32 = arith.constant 0 : i32
    %c0_i32_0 = arith.constant 0 : i32
    return %arg0, %c0_i32 : i32, i32
  }
}

module attributes {stable_mosaic.version = 14 : i64} {
  func.func @body(%arg0: i32, %arg1: memref<2x2000x128xf32, #tpu.memory_space<vmem>>, %arg2: memref<2000x8xf32, #tpu.memory_space<vmem>>, %arg3: memref<2000x128xf32, #tpu.memory_space<vmem>>, %arg4: memref<1x128xf32, #tpu.memory_space<vmem>>, %arg5: memref<128x128xf32, #tpu.memory_space<vmem>>, %arg6: memref<128x128xf32, #tpu.memory_space<vmem>>, %arg7: memref<2000x128xf32, #tpu.memory_space<vmem>>, %arg8: memref<2000x128xf32, #tpu.memory_space<vmem>>) attributes {dimension_semantics = [#tpu.dimension_semantics<arbitrary>], iteration_bounds = array<i64: 5>, scalar_prefetch = 0 : i64, scratch_operands = 0 : i64, tpu.core_type = #tpu.core_type<tc>, window_params = [{transform_indices = @transform_0, window_bounds = array<i64: 2, 2000, 128>}, {transform_indices = @transform_1, window_bounds = array<i64: 2000, 8>}, {transform_indices = @transform_2, window_bounds = array<i64: 2000, 128>}, {pipeline_mode = #tpu.pipeline_mode<synchronous>, transform_indices = @transform_3, window_bounds = array<i64: 1, 128>}, {pipeline_mode = #tpu.pipeline_mode<synchronous>, transform_indices = @transform_4, window_bounds = array<i64: 128, 128>}, {pipeline_mode = #tpu.pipeline_mode<synchronous>, transform_indices = @transform_5, window_bounds = array<i64: 128, 128>}, {transform_indices = @transform_6, window_bounds = array<i64: 2000, 128>}, {transform_indices = @transform_7, window_bounds = array<i64: 2000, 128>}]} {
    %get3A = arith.constant 0 : index
    %get3A_0 = arith.constant 0 : index
    %get3A_1 = vector.load %arg2[%get3A, %get3A_0] : memref<2000x8xf32, #tpu.memory_space<vmem>>, vector<2000x1xf32>
    %get3A_2 = arith.constant 0 : index
    %get3A_3 = arith.constant 0 : index
    %get3A_4 = arith.constant 0 : index
    %get3A_5 = vector.load %arg1[%get3A_2, %get3A_3, %get3A_4] : memref<2x2000x128xf32, #tpu.memory_space<vmem>>, vector<1x2000x128xf32>
    %get3A_6 = vector.shape_cast %get3A_5 : vector<1x2000x128xf32> to vector<2000x128xf32>
    %get3A_7 = arith.constant 1 : index
    %get3A_8 = arith.constant 0 : index
    %get3A_9 = arith.constant 0 : index
    %get3A_10 = vector.load %arg1[%get3A_7, %get3A_8, %get3A_9] : memref<2x2000x128xf32, #tpu.memory_space<vmem>>, vector<1x2000x128xf32>
    %get3A_11 = vector.shape_cast %get3A_10 : vector<1x2000x128xf32> to vector<2000x128xf32>
    %add3A = arith.addf %get3A_6, %get3A_11 : vector<2000x128xf32>
    %mul3A = vector.broadcast %get3A_1 : vector<2000x1xf32> to vector<2000x128xf32>
    %mul3A_12 = arith.mulf %mul3A, %add3A : vector<2000x128xf32>
    %get3A_13 = arith.constant 0 : index
    %get3A_14 = arith.constant 0 : index
    %get3A_15 = vector.load %arg3[%get3A_13, %get3A_14] : memref<2000x128xf32, #tpu.memory_space<vmem>>, vector<2000x128xf32>
    %add3A_16 = arith.addf %mul3A_12, %get3A_15 : vector<2000x128xf32>
    %get3A_17 = arith.constant 0 : index
    %get3A_18 = arith.constant 0 : index
    %get3A_19 = vector.load %arg4[%get3A_17, %get3A_18] : memref<1x128xf32, #tpu.memory_space<vmem>>, vector<1x128xf32>
    %add3A_20 = vector.broadcast %get3A_19 : vector<1x128xf32> to vector<2000x128xf32>
    %add3A_21 = arith.addf %add3A_16, %add3A_20 : vector<2000x128xf32>
    %max3A = arith.constant 0.000000e+00 : f32
    %max3A_22 = vector.broadcast %max3A : f32 to vector<2000x128xf32>
    %max3A_23 = arith.maximumf %add3A_21, %max3A_22 : vector<2000x128xf32>
    %get3A_24 = arith.constant 0 : index
    %get3A_25 = arith.constant 0 : index
    %get3A_26 = vector.load %arg5[%get3A_24, %get3A_25] : memref<128x128xf32, #tpu.memory_space<vmem>>, vector<128x128xf32>
    %dot_general3A = arith.constant dense<0.000000e+00> : vector<2000x128xf32>
    %dot_general3A_27 = tpu.matmul %max3A_23, %get3A_26, %dot_general3A {dimension_numbers = #tpu.dot_dimension_numbers<[1], [0], [0], [1], [0, 0, 1, 1], [], []>, transpose_lhs_hint = false} : vector<2000x128xf32>, vector<128x128xf32>, vector<2000x128xf32> -> vector<2000x128xf32>
    %mul3A_28 = vector.broadcast %get3A_1 : vector<2000x1xf32> to vector<2000x128xf32>
    %mul3A_29 = arith.mulf %mul3A_28, %dot_general3A_27 : vector<2000x128xf32>
    %swap3A = arith.constant 0 : index
    %swap3A_30 = arith.constant 0 : index
    %swap3A_31 = vector.load %arg7[%swap3A, %swap3A_30] : memref<2000x128xf32, #tpu.memory_space<vmem>>, vector<2000x128xf32>
    tpu.vector_store %arg7[%swap3A, %swap3A_30], %mul3A_29 {strides = array<i32>} : memref<2000x128xf32, #tpu.memory_space<vmem>>, vector<2000x128xf32>,
    %get3A_32 = arith.constant 0 : index
    %get3A_33 = arith.constant 0 : index
    %get3A_34 = vector.load %arg6[%get3A_32, %get3A_33] : memref<128x128xf32, #tpu.memory_space<vmem>>, vector<128x128xf32>
    %dot_general3A_35 = arith.constant dense<0.000000e+00> : vector<2000x128xf32>
    %dot_general3A_36 = tpu.matmul %max3A_23, %get3A_34, %dot_general3A_35 {dimension_numbers = #tpu.dot_dimension_numbers<[1], [0], [0], [1], [0, 0, 1, 1], [], []>, transpose_lhs_hint = false} : vector<2000x128xf32>, vector<128x128xf32>, vector<2000x128xf32> -> vector<2000x128xf32>
    %swap3A_37 = arith.constant 0 : index
    %swap3A_38 = arith.constant 0 : index
    %swap3A_39 = vector.load %arg8[%swap3A_37, %swap3A_38] : memref<2000x128xf32, #tpu.memory_space<vmem>>, vector<2000x128xf32>
    tpu.vector_store %arg8[%swap3A_37, %swap3A_38], %dot_general3A_36 {strides = array<i32>} : memref<2000x128xf32, #tpu.memory_space<vmem>>, vector<2000x128xf32>,
    return
  }
  func.func @transform_0(%arg0: i32) -> (i32, i32, i32) {
    %c0_i32 = arith.constant 0 : i32
    %c0_i32_0 = arith.constant 0 : i32
    %c0_i32_1 = arith.constant 0 : i32
    return %c0_i32, %arg0, %c0_i32_0 : i32, i32, i32
  }
  func.func @transform_1(%arg0: i32) -> (i32, i32) {
    %c0_i32 = arith.constant 0 : i32
    %c0_i32_0 = arith.constant 0 : i32
    return %arg0, %c0_i32 : i32, i32
  }
  func.func @transform_2(%arg0: i32) -> (i32, i32) {
    %c0_i32 = arith.constant 0 : i32
    %c0_i32_0 = arith.constant 0 : i32
    return %arg0, %c0_i32 : i32, i32
  }
  func.func @transform_3(%arg0: i32) -> (i32, i32) {
    %c0_i32 = arith.constant 0 : i32
    %c0_i32_0 = arith.constant 0 : i32
    %c0_i32_1 = arith.constant 0 : i32
    return %c0_i32, %c0_i32_0 : i32, i32
  }
  func.func @transform_4(%arg0: i32) -> (i32, i32) {
    %c0_i32 = arith.constant 0 : i32
    %c0_i32_0 = arith.constant 0 : i32
    %c0_i32_1 = arith.constant 0 : i32
    return %c0_i32, %c0_i32_0 : i32, i32
  }
  func.func @transform_5(%arg0: i32) -> (i32, i32) {
    %c0_i32 = arith.constant 0 : i32
    %c0_i32_0 = arith.constant 0 : i32
    %c0_i32_1 = arith.constant 0 : i32
    return %c0_i32, %c0_i32_0 : i32, i32
  }
  func.func @transform_6(%arg0: i32) -> (i32, i32) {
    %c0_i32 = arith.constant 0 : i32
    %c0_i32_0 = arith.constant 0 : i32
    return %arg0, %c0_i32 : i32, i32
  }
  func.func @transform_7(%arg0: i32) -> (i32, i32) {
    %c0_i32 = arith.constant 0 : i32
    %c0_i32_0 = arith.constant 0 : i32
    return %arg0, %c0_i32 : i32, i32
  }
}

module attributes {stable_mosaic.version = 14 : i64} {
  func.func @body(%arg0: i32, %arg1: memref<2x2000x128xf32, #tpu.memory_space<vmem>>, %arg2: memref<2000x8xf32, #tpu.memory_space<vmem>>, %arg3: memref<2000x128xf32, #tpu.memory_space<vmem>>, %arg4: memref<1x128xf32, #tpu.memory_space<vmem>>, %arg5: memref<2000x128xf32, #tpu.memory_space<vmem>>) attributes {dimension_semantics = [#tpu.dimension_semantics<arbitrary>], iteration_bounds = array<i64: 5>, scalar_prefetch = 0 : i64, scratch_operands = 0 : i64, tpu.core_type = #tpu.core_type<tc>, window_params = [{transform_indices = @transform_0, window_bounds = array<i64: 2, 2000, 128>}, {transform_indices = @transform_1, window_bounds = array<i64: 2000, 8>}, {transform_indices = @transform_2, window_bounds = array<i64: 2000, 128>}, {pipeline_mode = #tpu.pipeline_mode<synchronous>, transform_indices = @transform_3, window_bounds = array<i64: 1, 128>}, {transform_indices = @transform_4, window_bounds = array<i64: 2000, 128>}]} {
    %get3A = arith.constant 0 : index
    %get3A_0 = arith.constant 0 : index
    %get3A_1 = vector.load %arg2[%get3A, %get3A_0] : memref<2000x8xf32, #tpu.memory_space<vmem>>, vector<2000x1xf32>
    %get3A_2 = arith.constant 0 : index
    %get3A_3 = arith.constant 0 : index
    %get3A_4 = arith.constant 0 : index
    %get3A_5 = vector.load %arg1[%get3A_2, %get3A_3, %get3A_4] : memref<2x2000x128xf32, #tpu.memory_space<vmem>>, vector<1x2000x128xf32>
    %get3A_6 = vector.shape_cast %get3A_5 : vector<1x2000x128xf32> to vector<2000x128xf32>
    %get3A_7 = arith.constant 1 : index
    %get3A_8 = arith.constant 0 : index
    %get3A_9 = arith.constant 0 : index
    %get3A_10 = vector.load %arg1[%get3A_7, %get3A_8, %get3A_9] : memref<2x2000x128xf32, #tpu.memory_space<vmem>>, vector<1x2000x128xf32>
    %get3A_11 = vector.shape_cast %get3A_10 : vector<1x2000x128xf32> to vector<2000x128xf32>
    %add3A = arith.addf %get3A_6, %get3A_11 : vector<2000x128xf32>
    %mul3A = vector.broadcast %get3A_1 : vector<2000x1xf32> to vector<2000x128xf32>
    %mul3A_12 = arith.mulf %mul3A, %add3A : vector<2000x128xf32>
    %get3A_13 = arith.constant 0 : index
    %get3A_14 = arith.constant 0 : index
    %get3A_15 = vector.load %arg3[%get3A_13, %get3A_14] : memref<2000x128xf32, #tpu.memory_space<vmem>>, vector<2000x128xf32>
    %add3A_16 = arith.addf %mul3A_12, %get3A_15 : vector<2000x128xf32>
    %get3A_17 = arith.constant 0 : index
    %get3A_18 = arith.constant 0 : index
    %get3A_19 = vector.load %arg4[%get3A_17, %get3A_18] : memref<1x128xf32, #tpu.memory_space<vmem>>, vector<1x128xf32>
    %add3A_20 = vector.broadcast %get3A_19 : vector<1x128xf32> to vector<2000x128xf32>
    %add3A_21 = arith.addf %add3A_16, %add3A_20 : vector<2000x128xf32>
    %max3A = arith.constant 0.000000e+00 : f32
    %max3A_22 = vector.broadcast %max3A : f32 to vector<2000x128xf32>
    %max3A_23 = arith.maximumf %add3A_21, %max3A_22 : vector<2000x128xf32>
    %swap3A = arith.constant 0 : index
    %swap3A_24 = arith.constant 0 : index
    %swap3A_25 = vector.load %arg5[%swap3A, %swap3A_24] : memref<2000x128xf32, #tpu.memory_space<vmem>>, vector<2000x128xf32>
    tpu.vector_store %arg5[%swap3A, %swap3A_24], %max3A_23 {strides = array<i32>} : memref<2000x128xf32, #tpu.memory_space<vmem>>, vector<2000x128xf32>,
    return
  }
  func.func @transform_0(%arg0: i32) -> (i32, i32, i32) {
    %c0_i32 = arith.constant 0 : i32
    %c0_i32_0 = arith.constant 0 : i32
    %c0_i32_1 = arith.constant 0 : i32
    return %c0_i32, %arg0, %c0_i32_0 : i32, i32, i32
  }
  func.func @transform_1(%arg0: i32) -> (i32, i32) {
    %c0_i32 = arith.constant 0 : i32
    %c0_i32_0 = arith.constant 0 : i32
    return %arg0, %c0_i32 : i32, i32
  }
  func.func @transform_2(%arg0: i32) -> (i32, i32) {
    %c0_i32 = arith.constant 0 : i32
    %c0_i32_0 = arith.constant 0 : i32
    return %arg0, %c0_i32 : i32, i32
  }
  func.func @transform_3(%arg0: i32) -> (i32, i32) {
    %c0_i32 = arith.constant 0 : i32
    %c0_i32_0 = arith.constant 0 : i32
    %c0_i32_1 = arith.constant 0 : i32
    return %c0_i32, %c0_i32_0 : i32, i32
  }
  func.func @transform_4(%arg0: i32) -> (i32, i32) {
    %c0_i32 = arith.constant 0 : i32
    %c0_i32_0 = arith.constant 0 : i32
    return %arg0, %c0_i32 : i32, i32
  }
}

</mosaic_0001>

<sc_bundles>
// kernel: kernel.11.cloned.1.call-start
scs
__scs_entry_jumppad:
0x0: {  	(pc) =	sbr.rel $0x88, $3  }
0x1: {  	(tag) =	ssettag $0x0;
	lr =	simm.s32 $0x1  }
0x2: {  	[smem:$0x3F99] =	sst lr;
	_ =	strace $0xD0000000  }
0x3: {  	_ = 	snop  }
0x4: {  	_ = 	snop  }
0x5: {  	_ = 	snop  }
0x6: {  	_ = 	snop  }
0x7: {  	_ = 	snop  }
__scs_overlays_trampoline_lowered:
0x8: {  	[smem:$0x3FA8] =	sst s0  }
0x9: {  	[smem:$0x3FA9] =	sst s1  }
0xa: {  	[smem:$0x3FAA] =	sst s2  }
0xb: {  	[smem:$0x3FAB] =	sst s3  }
0xc: {  	[smem:$0x3FAC] =	sst s4  }
0xd: {  	[smem:$0x3FAD] =	sst s5  }
0xe: {  	[smem:$0x3FAE] =	sst s6  }
0xf: {  	[smem:$0x3FAF] =	sst s7  }
0x10: {  	[smem:$0x3FB0] =	sst s8  }
0x11: {  	[smem:$0x3FB1] =	sst s9;
	s0 =	simm.s32 @!p0 $0x0  }
0x12: {  	s1 =	sld [smem:$0x3F97];
	s0 =	simm.s32 @p0 $0x1  }
0x13: {  	[smem:$0x3FB2] =	sst s0;
	s0 =	simm.s32 @!p1 $0x0  }
0x14: {  	s2 =	sld [smem:$0x3F96];
	s0 =	simm.s32 @p1 $0x1  }
0x15: {  	[smem:$0x3FB3] =	sst s0;
	s0 =	simm.s32 @!p2 $0x0  }
0x16: {  	s3 =	sld [smem:$0x3FDB];
	s0 =	simm.s32 @p2 $0x1  }
0x17: {  	s4 =	simm.s32 $0x1BF5;
	[smem:$0x3FB5] =	sst s0  }
0x18: {  	s0 =	sld [smem:$0x3F98];
	_ =	swait.ge [sflag:s4], $0x0  }
0x19: {  	s7 =	sld [smem:$0x3F99]  }
0x1a: {  	s8 =	sadd.s32 $0xFFFFE003, lr  }
0x1b: {  	s9 =	sadd.s32 $0xFFFFFEF7, lr;
	s5 =	simm.s32 $0xFFFFFFFF;
	p2 =	slt.u32 s8, $0xFFFFF086  }
0x1c: {  	p1 =	slt.u32 s9, $0xF7A;
	s5 =	simm.s32 @!p2 $0x0  }
0x1d: {  	s5 =	simm.s32 @p1 $0x1;
	p0 =	seq.s32 s7, s2  }
0x1e: {  	s7 =	smul.u32 @!p0 $0xF7A, s2;
	p2 =	seq.s32 @!p0 s5, $0x0  }
0x1f: {  	s9 =	smul.u32 $0xF7A, s1;
	s8 =	simm.s32 @!p0 $0x1BF5;
	p2 =	por !p2, p0  }
0x20: {  	[sflag:s8] =	ssyncset.s32 @!p0 $0xFFFFF086;
	s6 =	sadd.s32 @!p0 s3, s7;
	s7 =	simm.s32 @!p0 $0x108  }
0x21: {  	s3 =	sadd.s32 s3, s9;
	s6 =	sadd.s32 @!p0 $0x88, s6;
	s7 =	simm.s32 @p2 $0x1082  }
0x22: {  	[simem:s7], [sflag:s8] =	dma.local @!p0 [hbm:s6], $0xF7A  }
0x23: {  	s9 =	sor.u32 $0xD0000000, s2;
	s6 =	simm.s32 $0x108;
	_ =	swait.ge @!p0 [sflag:s8], $0x0  }
0x24: {  	s3 =	sadd.s32 $0x88, s3;
	s6 =	simm.s32 @!p1 $0x1082;
	[sflag:s4] =	ssyncset.s32 $0xFFFFF086  }
0x25: {  	[simem:s6], [sflag:s4] =	dma.local [hbm:s3], $0xF7A  }
0x26: {  	[smem:$0x3F99] =	sst s1;
	(tag) =	ssettag s2;
	_ =	strace s9  }
0x27: {  	s1 =	sld [smem:$0x3FA9]  }
0x28: {  	s2 =	sld [smem:$0x3FAA]  }
0x29: {  	s4 =	sld [smem:$0x3FAC]  }
0x2a: {  	p0 =	seq.s32 s5, $0x0;
	s5 =	sld [smem:$0x3FAD]  }
0x2b: {  	s6 =	sld [smem:$0x3FAE]  }
0x2c: {  	s7 =	sld [smem:$0x3FAF]  }
0x2d: {  	s3 =	simm.s32 $0x108;
	s8 =	sld [smem:$0x3FB0]  }
0x2e: {  	s3 =	simm.s32 @!p0 $0x1082;
	s9 =	sld [smem:$0x3FB1]  }
0x2f: {  	lr =	sadd.s32 s0, s3;
	s0 =	sld [smem:$0x3FA8]  }
0x30: {  	s3 =	sld [smem:$0x3FAB]  }
0x31: {  	[smem:$0x3FB4] =	sst s10  }
0x32: {  	s10 =	sld [smem:$0x3FB2];
	_ =	sdelay $0x3  }
0x33: {  	p0 =	seq.s32 s10, $0x1;
	s10 =	sld [smem:$0x3FB4];
	_ =	sdelay $0x3  }
0x34: {  	[smem:$0x3FB4] =	sst s10  }
0x35: {  	s10 =	sld [smem:$0x3FB3];
	_ =	sdelay $0x3  }
0x36: {  	p1 =	seq.s32 s10, $0x1;
	s10 =	sld [smem:$0x3FB4];
	_ =	sdelay $0x3  }
0x37: {  	[smem:$0x3FB4] =	sst s10  }
0x38: {  	s10 =	sld [smem:$0x3FB5]  }
0x39: {  	_ = 	snop;
	(pc) =	sbr.ind lr, $3  }
0x3a: {  	_ = 	snop  }
0x3b: {  	_ = 	snop  }
0x3c: {  	p2 =	seq.s32 s10, $0x1;
	s10 =	sld [smem:$0x3FB4]  }
0x3d: {  	_ =	shalt  }
0x3e: {  	_ =	shalt  }
0x3f: {  	_ =	shalt  }
0x40: {  	_ =	shalt  }
0x41: {  	_ =	shalt  }
0x42: {  	_ =	shalt  }
0x43: {  	_ =	shalt  }
0x44: {  	_ =	shalt  }
0x45: {  	_ =	shalt  }
0x46: {  	_ =	shalt  }
0x47: {  	_ =	shalt  }
0x48: {  	_ =	shalt  }
0x49: {  	_ =	shalt  }
0x4a: {  	_ =	shalt  }
0x4b: {  	_ =	shalt  }
0x4c: {  	_ =	shalt  }
0x4d: {  	_ =	shalt  }
0x4e: {  	_ =	shalt  }
0x4f: {  	_ =	shalt  }
0x50: {  	_ =	shalt  }
0x51: {  	_ =	shalt  }
0x52: {  	_ =	shalt  }
0x53: {  	_ =	shalt  }
0x54: {  	_ =	shalt  }
0x55: {  	_ =	shalt  }
0x56: {  	_ =	shalt  }
0x57: {  	_ =	shalt  }
0x58: {  	_ =	shalt  }
0x59: {  	_ =	shalt  }
0x5a: {  	_ =	shalt  }
0x5b: {  	_ =	shalt  }
0x5c: {  	_ =	shalt  }
0x5d: {  	_ =	shalt  }
0x5e: {  	_ =	shalt  }
0x5f: {  	_ =	shalt  }
0x60: {  	_ =	shalt  }
0x61: {  	_ =	shalt  }
0x62: {  	_ =	shalt  }
0x63: {  	_ =	shalt  }
0x64: {  	_ =	shalt  }
0x65: {  	_ =	shalt  }
0x66: {  	_ =	shalt  }
0x67: {  	_ =	shalt  }
0x68: {  	_ =	shalt  }
0x69: {  	_ =	shalt  }
0x6a: {  	_ =	shalt  }
0x6b: {  	_ =	shalt  }
0x6c: {  	_ =	shalt  }
0x6d: {  	_ =	shalt  }
0x6e: {  	_ =	shalt  }
0x6f: {  	_ =	shalt  }
0x70: {  	_ =	shalt  }
0x71: {  	_ =	shalt  }
0x72: {  	_ =	shalt  }
0x73: {  	_ =	shalt  }
0x74: {  	_ =	shalt  }
0x75: {  	_ =	shalt  }
0x76: {  	_ =	shalt  }
0x77: {  	_ =	shalt  }
0x78: {  	_ =	shalt  }
0x79: {  	_ =	shalt  }
0x7a: {  	_ =	shalt  }
0x7b: {  	_ =	shalt  }
0x7c: {  	_ =	shalt  }
0x7d: {  	_ =	shalt  }
0x7e: {  	_ =	shalt  }
0x7f: {  	_ =	shalt  }
0x80: {  	_ =	shalt  }
0x81: {  	_ =	shalt  }
0x82: {  	_ =	shalt  }
0x83: {  	_ =	shalt  }
0x84: {  	_ =	shalt  }
0x85: {  	_ =	shalt  }
0x86: {  	_ =	shalt  }
0x87: {  	_ =	shalt  }
.Lfunc_end0:
.L_simem_size_0:
called_computation.1_lowered:
.L_overlay_start_0:
0x88: {  	s2 =	sld [smem:$0x3FD9]  }
0x89: {  	s3 =	sld [smem:$0x3FFE];
	_ =	sdelay $0x1  }
0x8a: {  	s1 =	srdreg.scid  }
0x8b: {  	s0 =	sand.u32 $0x1, s1  }
0x8c: {  	s17 =	sshll.u32 s0, $0xA;
	s2 =	sadd.s32 s3, s2  }
0x8d: {  	s2 =	sadd.s32 s2, s17  }
0x8e: {  	[smem:$0x3FC0] =	sst s2  }
0x8f: {  	_ = 	snop  }
0x90: {  	s2 =	sld [smem:$0x3FD0];
	(tm) =	ssettm $0x1  }
0x91: {  	s18 =	sld [smem:$0x3FFB];
	_ =	sdelay $0x3  }
0x92: {  	_ =	strace s18  }
0x93: {  	s3 =	sld [smem:$0x3FFC];
	_ =	sdelay $0x3  }
0x94: {  	_ =	strace s3  }
0x95: {  	s3 =	sld [smem:$0x3FFD];
	_ =	sdelay $0x3  }
0x96: {  	_ =	strace s3  }
0x97: {  	_ =	strace $0x8FFFFFFF  }
0x98: {  	s19 =	sld [smem:$0x3FDB];
	_ =	sdelay $0x1  }
0x99: {  	s4 =	simm.s32 $_scs_section_size  }
0x9a: {  	s5 =	simm.s32 $_size__tile_overlayer_lowered;
	s6 =	simm.s32 $_tile_overlayer_lowered  }
0x9b: {  	s22 =	simm.s32 $0x1BFF;
	s21 =	sshll.u32 s6, $0x1;
	s3 =	sadd.s32 s4, s19  }
0x9c: {  	s7 =	simm.s32 $0x0;
	s20 =	sshll.u32 s5, $0x1;
	s5 =	sadd.s32 s21, s3  }
0x9d: {  	[timem:s7], [sflag:s22] =	dma.local [hbm:s5], s20  }
0x9e: {  	_ =	swait.ge [sflag:s22], s20  }
0x9f: {  	s4 =	ssub.s32 $0x0, s20;
	[sflag:s22] =	ssyncset.done $0x0  }
0xa0: {  	[sflag:s22] =	ssyncadd.s32 s4;
	_ =	sdelay $0x1  }
0xa1: {  	s23 =	simm.s32 $0x1B8B  }
0xa2: {  	_ =	swait.ge [sflag:s23], $0x1  }
0xa3: {  	[sflag:s23] =	ssyncset.done $0x0  }
0xa4: {  	s25 =	simm.s32 $0x1B8E;
	s24 =	sld [smem:$0x3FFE];
	[sflag:s23] =	ssyncadd.s32 $0xFFFFFFFF  }
0xa5: {  	s26 =	simm.s32 $execute0_lowered;
	[smem:$0x3FD2] =	sst s25  }
0xa6: {  	s5 =	sshll.u32 s26, $0x1;
	_ =	strace $0x80000049;
	[dreg:$0x1] =	wrdreg $0xFFFFFFFF  }
0xa7: {  	s28 =	simm.s32 $_size_execute0_lowered;
	s3 =	sadd.s32 s3, s5;
	[dreg:$0x0] =	wrdreg $0x0  }
0xa8: {  	s5 =	sshll.u32 s28, $0x1;
	[dreg:$0x2] =	wrdreg s3  }
0xa9: {  	[dreg:$0x3] =	wrdreg s5  }
0xaa: {  	[dreg:$0x4] =	wrdreg $0xC0  }
0xab: {  	_ =	task [dreg:s7], $0x5FFFF  }
0xac: {  	[dreg:$0x1] =	wrdreg $0xFFFFFFFF  }
0xad: {  	[dreg:$0x0] =	wrdreg $0x60  }
0xae: {  	[dreg:$0x2] =	wrdreg s24  }
0xaf: {  	[dreg:$0x3] =	wrdreg s2  }
0xb0: {  	[dreg:$0x4] =	wrdreg $0x48000  }
0xb1: {  	[dreg:$0x5] =	wrdreg $0x9  }
0xb2: {  	_ =	task.clear_ibuf [dreg:s7], $0x6FFFF;
	_ =	strace $0x90000049  }
0xb3: {  	s29 =	simm.s32 $0x9;
	_ =	strace $0x8000004B  }
0xb4: {  	_ =	swait.ge [sflag:s29], $0x1  }
0xb5: {  	[sflag:s29] =	ssyncadd.s32 $0xFFFFFFFF  }
0xb6: {  	_ =	strace $0x9000004B  }
0xb7: {  	_ =	sfence  }
0xb8: {  	s30 =	sld [smem:$0x0];
	_ =	sdelay $0x2  }
0xb9: {  	s31 =	sshll.u32 s1, $0xD;
	s1 =	sshrl.u32 s1, $0x2  }
0xba: {  	s3 =	sand.u32 $0x4000, s31;
	s1 =	sadd.s32 s1, s30  }
0xbb: {  	s0 =	sor.u32 s3, s0;
	s1 =	sshll.u32 s1, $0x11  }
0xbc: {  	s0 =	sor.u32 s1, s0  }
0xbd: {  	s0 =	sadd.s32 $0x8F2B, s0  }
0xbe: {  	[sflag:s0] =	ssyncadd.remote.s32 $0x1  }
0xbf: {  	_ =	sfence.sel $0xFFFF  }
0xc0: {  	[dreg:$0x0] =	wrdreg $0xFFFFFFFF;
	(pc) =	sbr.abs _section_cstart, $3  }
0xc1: {  	[dreg:$0x1] =	wrdreg $0xFFFFFFFF  }
0xc2: {  	_ =	task.clear_ibuf [dreg:s7], $0x2FFFF;
	_ =	strace $0x9FFFFFFF  }
0xc3: {  	(tm) =	ssettm $0x7FFFFFFF  }
tec
execute0_lowered:
.L_overlay_start_1:
0x0: {  	(tag) =	ssettag $0x1  }
0x1: {  	s0 =	rddreg [dreg:$0x0]  }
0x2: {  	s1 =	rddreg [dreg:$0x1];
	s10 =	stileid.u32  }
0x3: {  	s2 =	srdreg.scid;
	s3 =	rddreg [dreg:$0x2];
	s13 =	simm.s32 $0x2  }
0x4: {  	s14 =	simm.s32 $0x400;
	s15 =	simm.s32 $0x80;
	s16 =	simm.s32 $0x800  }
0x5: {  	s17 =	simm.s32 $0x1;
	s18 =	simm.s32 $0x480;
	s19 =	simm.s32 $0x100  }
0x6: {  	s20 =	simm.s32 $0x500;
	s28 =	simm.s32 $0x300;
	s4 =	smul.u32 $0x7, s10  }
0x7: {  	s29 =	simm.s32 $0x700;
	s30 =	simm.s32 $0x380;
	s5 =	smul.u32 $0xD, s10  }
0x8: {  	s31 =	simm.s32 $0x780;
	s2 =	sand.u32 $0x1, s2;
	s21 =	smul.u32 $0x13C00, s10  }
0x9: {  	s9 =	smul.u32 $0x4F000, s10;
	s25 =	sshll.u32 s10, $0x6;
	p0 =	seq.s32 s2, $0x0  }
0xa: {  	s7 =	smul.u32 $0x13C000, s2;
	s2 =	ssub.s32 $0x2, s2;
	s6 =	sadd.s32 $0xD0, s4  }
0xb: {  	s4 =	simm.s32 $0x0;
	s22 =	sshrl.u32 s21, $0x3;
	s23 =	sshrl.u32 s2, $0x1  }
0xc: {  	s24 =	sshrl.u32 s9, $0x2;
	s6 =	smov.u32 @p0 s5;
	[smem:$0x7FF] =	sst s4  }
0xd: {  	s5 =	sadd.s32 s21, s7;
	s2 =	ssub.s32 s2, s23;
	s26 =	sadd.s32 s24, s3  }
0xe: {  	s7 =	sor.u32 $0x1C02, s25;
	s21 =	simm.s32 $0x180;
	s23 =	simm.s32 $0x200  }
0xf: {  	s24 =	simm.s32 $0x600;
	s25 =	simm.s32 $0x280;
	s6 =	sshll.u32 s6, $0x7  }
0x10: {  	_ =	strace $0x8000004A;
	s5 =	sshrl.u32 s5, $0x3;
	s9 =	smax.u32 s2, $0x1  }
0x11: {  	s12 =	sshrl.u32 s26, $0x3;
	s26 =	simm.s32 $0x680;
	s2 =	simm.s32 $0x0  }
0x12: {  	s8 =	sadd.s32 s6, s0;
	s6 =	sadd.s32 s22, s0;
	s0 =	sadd.s32 s5, s0  }
0x13: {  	s5 =	simm.s32 $0xD;
	s22 =	simm.s32 $0x580;
	s6 =	sadd.s32 $0x17200, s6  }
0x14: {  	s5 =	simm.s32 @!p0 $0x7;
	s0 =	sadd.s32 $0x3EA00, s0;
	[dreg:$0x4] =	wrdreg s6  }
0x15: {  	[dreg:$0x5] =	wrdreg s0;
	s6 =	sadd.s32 $0x2800, s8;
	s8 =	sadd.s32 $0xD200, s8  }
.LBB2_1:
0x16: {  	s0 =	rddreg [dreg:$0x4]  }
0x17: {  	[spmem:s12], [sflag:s7] =	dma.local [hbm:s0], $0x2780  }
0x18: {  	_ =	swait.ge [sflag:s13], $0x2780  }
0x19: {  	[sflag:s13] =	ssyncset.done $0x0  }
0x1a: {  	[sflag:s13] =	ssyncadd.s32 $0xFFFFD880  }
0x1b: {  	[bflag:$0x0] =	sbarrier.arrive $0xFFFF  }
0x1c: {  	[tilespmem:s4], [sflag:$0x2] =	stream.linear.gather [hbm4b:s8+s4], $0x400, $0x38;
	[tilespmem:$0x18400] =	vst v63  }
0x1d: {  	_ =	swait.ge [sflag:s13], $0x400  }
0x1e: {  	[sflag:s13] =	ssyncset.done $0x0  }
0x1f: {  	[sflag:s13] =	ssyncadd.s32 $0xFFFFFC00  }
0x20: {  	[tilespmem:s14], [sflag:$0x2] =	stream.linear.gather [hbm4b:s6+s4], $0x400, $0x38;
	[tilespmem:$0x18400] =	vst v63  }
0x21: {  	_ =	swait.ge [sflag:s13], $0x400  }
0x22: {  	[sflag:s13] =	ssyncset.done $0x0  }
0x23: {  	[sflag:s13] =	ssyncadd.s32 $0xFFFFFC00  }
0x24: {  	[tilespmem:s16], [sflag:$0x1] =	stream.indirect.gather [hbm4b:s1+s15], $0x80, s4, s15, $0xb8;
	[tilespmem:$0x18400] =	vst v63  }
0x25: {  	_ =	swait.ge [sflag:s17], $0x4000  }
0x26: {  	[sflag:s17] =	ssyncset.done $0x0  }
0x27: {  	[sflag:s17] =	ssyncadd.s32 $0xFFFFC000  }
0x28: {  	[spmem:s3] =	stream.indirect.scatter.add.f32 [tilespmem:s16], [sflag:$0x2], $0x80, s14, s15, $0xb8;
	[tilespmem:$0x18400] =	vst v63  }
0x29: {  	_ =	swait.ge [sflag:s13], $0x4000  }
0x2a: {  	[sflag:s13] =	ssyncset.done $0x0  }
0x2b: {  	[sflag:s13] =	ssyncadd.s32 $0xFFFFC000  }
0x2c: {  	[tilespmem:s16], [sflag:$0x1] =	stream.indirect.gather [hbm4b:s1+s15], $0x80, s15, s15, $0xb8;
	[tilespmem:$0x18400] =	vst v63  }
0x2d: {  	_ =	swait.ge [sflag:s17], $0x4000  }
0x2e: {  	[sflag:s17] =	ssyncset.done $0x0  }
0x2f: {  	[sflag:s17] =	ssyncadd.s32 $0xFFFFC000  }
0x30: {  	[spmem:s3] =	stream.indirect.scatter.add.f32 [tilespmem:s16], [sflag:$0x2], $0x80, s18, s15, $0xb8;
	[tilespmem:$0x18400] =	vst v63  }
0x31: {  	_ =	swait.ge [sflag:s13], $0x4000  }
0x32: {  	[sflag:s13] =	ssyncset.done $0x0  }
0x33: {  	[sflag:s13] =	ssyncadd.s32 $0xFFFFC000  }
0x34: {  	[tilespmem:s16], [sflag:$0x1] =	stream.indirect.gather [hbm4b:s1+s15], $0x80, s19, s15, $0xb8;
	[tilespmem:$0x18400] =	vst v63  }
0x35: {  	_ =	swait.ge [sflag:s17], $0x4000  }
0x36: {  	[sflag:s17] =	ssyncset.done $0x0  }
0x37: {  	[sflag:s17] =	ssyncadd.s32 $0xFFFFC000  }
0x38: {  	[spmem:s3] =	stream.indirect.scatter.add.f32 [tilespmem:s16], [sflag:$0x2], $0x80, s20, s15, $0xb8;
	[tilespmem:$0x18400] =	vst v63  }
0x39: {  	_ =	swait.ge [sflag:s13], $0x4000  }
0x3a: {  	[sflag:s13] =	ssyncset.done $0x0  }
0x3b: {  	[sflag:s13] =	ssyncadd.s32 $0xFFFFC000  }
0x3c: {  	[tilespmem:s16], [sflag:$0x1] =	stream.indirect.gather [hbm4b:s1+s15], $0x80, s21, s15, $0xb8;
	[tilespmem:$0x18400] =	vst v63  }
0x3d: {  	_ =	swait.ge [sflag:s17], $0x4000  }
0x3e: {  	[sflag:s17] =	ssyncset.done $0x0  }
0x3f: {  	[sflag:s17] =	ssyncadd.s32 $0xFFFFC000  }
0x40: {  	[spmem:s3] =	stream.indirect.scatter.add.f32 [tilespmem:s16], [sflag:$0x2], $0x80, s22, s15, $0xb8;
	[tilespmem:$0x18400] =	vst v63  }
0x41: {  	_ =	swait.ge [sflag:s13], $0x4000  }
0x42: {  	[sflag:s13] =	ssyncset.done $0x0  }
0x43: {  	[sflag:s13] =	ssyncadd.s32 $0xFFFFC000  }
0x44: {  	[tilespmem:s16], [sflag:$0x1] =	stream.indirect.gather [hbm4b:s1+s15], $0x80, s23, s15, $0xb8;
	[tilespmem:$0x18400] =	vst v63  }
0x45: {  	_ =	swait.ge [sflag:s17], $0x4000  }
0x46: {  	[sflag:s17] =	ssyncset.done $0x0  }
0x47: {  	[sflag:s17] =	ssyncadd.s32 $0xFFFFC000  }
0x48: {  	[spmem:s3] =	stream.indirect.scatter.add.f32 [tilespmem:s16], [sflag:$0x2], $0x80, s24, s15, $0xb8;
	[tilespmem:$0x18400] =	vst v63  }
0x49: {  	_ =	swait.ge [sflag:s13], $0x4000  }
0x4a: {  	[sflag:s13] =	ssyncset.done $0x0  }
0x4b: {  	[sflag:s13] =	ssyncadd.s32 $0xFFFFC000  }
0x4c: {  	[tilespmem:s16], [sflag:$0x1] =	stream.indirect.gather [hbm4b:s1+s15], $0x80, s25, s15, $0xb8;
	[tilespmem:$0x18400] =	vst v63  }
0x4d: {  	_ =	swait.ge [sflag:s17], $0x4000  }
0x4e: {  	[sflag:s17] =	ssyncset.done $0x0  }
0x4f: {  	[sflag:s17] =	ssyncadd.s32 $0xFFFFC000  }
0x50: {  	[spmem:s3] =	stream.indirect.scatter.add.f32 [tilespmem:s16], [sflag:$0x2], $0x80, s26, s15, $0xb8;
	[tilespmem:$0x18400] =	vst v63  }
0x51: {  	_ =	swait.ge [sflag:s13], $0x4000  }
0x52: {  	[sflag:s13] =	ssyncset.done $0x0  }
0x53: {  	[sflag:s13] =	ssyncadd.s32 $0xFFFFC000  }
0x54: {  	[tilespmem:s16], [sflag:$0x1] =	stream.indirect.gather [hbm4b:s1+s15], $0x80, s28, s15, $0xb8;
	[tilespmem:$0x18400] =	vst v63  }
0x55: {  	_ =	swait.ge [sflag:s17], $0x4000  }
0x56: {  	[sflag:s17] =	ssyncset.done $0x0  }
0x57: {  	[sflag:s17] =	ssyncadd.s32 $0xFFFFC000  }
0x58: {  	[spmem:s3] =	stream.indirect.scatter.add.f32 [tilespmem:s16], [sflag:$0x2], $0x80, s29, s15, $0xb8;
	[tilespmem:$0x18400] =	vst v63  }
0x59: {  	_ =	swait.ge [sflag:s13], $0x4000  }
0x5a: {  	[sflag:s13] =	ssyncset.done $0x0  }
0x5b: {  	[sflag:s13] =	ssyncadd.s32 $0xFFFFC000  }
0x5c: {  	[tilespmem:s16], [sflag:$0x1] =	stream.indirect.gather [hbm4b:s1+s15], $0x80, s30, s15, $0xb8;
	[tilespmem:$0x18400] =	vst v63  }
0x5d: {  	p0 =	sne.s32 s5, $0x1;
	_ =	swait.ge [sflag:s17], $0x4000  }
.Ltmp0:
0x5e: {  	[sflag:s17] =	ssyncset.done $0x0;
	(pc) =	sbr.rel @!p0 .LBB2_3-.Ltmp0, $4  }
0x5f: {  	[sflag:s17] =	ssyncadd.s32 $0xFFFFC000  }
0x60: {  	[spmem:s3] =	stream.indirect.scatter.add.f32 [tilespmem:s16], [sflag:$0x2], $0x80, s31, s15, $0xb8;
	[tilespmem:$0x18400] =	vst v63  }
0x61: {  	s10 =	smov.u32 s6;
	_ =	swait.ge [sflag:s13], $0x4000  }
0x62: {  	s11 =	smov.u32 s8;
	s0 =	sadd.s32 $0xFFFFFFFF, s5;
	[sflag:s13] =	ssyncset.done $0x0  }
.LBB2_2:
0x63: {  	[sflag:s13] =	ssyncadd.s32 $0xFFFFC000;
	s10 =	sadd.s32 $0x80, s10;
	s11 =	sadd.s32 $0x80, s11  }
0x64: {  	[tilespmem:s4], [sflag:$0x2] =	stream.linear.gather [hbm4b:s11+s4], $0x400, $0x38;
	[tilespmem:$0x18400] =	vst v63  }
0x65: {  	p0 =	sne.s32 s0, $0x1;
	s0 =	sadd.s32 $0xFFFFFFFF, s0;
	_ =	swait.ge [sflag:s13], $0x400  }
0x66: {  	[sflag:s13] =	ssyncset.done $0x0  }
0x67: {  	[sflag:s13] =	ssyncadd.s32 $0xFFFFFC00  }
0x68: {  	[tilespmem:s14], [sflag:$0x2] =	stream.linear.gather [hbm4b:s10+s4], $0x400, $0x38;
	[tilespmem:$0x18400] =	vst v63  }
0x69: {  	_ =	swait.ge [sflag:s13], $0x400  }
0x6a: {  	[sflag:s13] =	ssyncset.done $0x0  }
0x6b: {  	[sflag:s13] =	ssyncadd.s32 $0xFFFFFC00  }
0x6c: {  	[tilespmem:s16], [sflag:$0x1] =	stream.indirect.gather [hbm4b:s1+s15], $0x80, s4, s15, $0xb8;
	[tilespmem:$0x18400] =	vst v63  }
0x6d: {  	_ =	swait.ge [sflag:s17], $0x4000  }
0x6e: {  	[sflag:s17] =	ssyncset.done $0x0  }
0x6f: {  	[sflag:s17] =	ssyncadd.s32 $0xFFFFC000  }
0x70: {  	[spmem:s3] =	stream.indirect.scatter.add.f32 [tilespmem:s16], [sflag:$0x2], $0x80, s14, s15, $0xb8;
	[tilespmem:$0x18400] =	vst v63  }
0x71: {  	_ =	swait.ge [sflag:s13], $0x4000  }
0x72: {  	[sflag:s13] =	ssyncset.done $0x0  }
0x73: {  	[sflag:s13] =	ssyncadd.s32 $0xFFFFC000  }
0x74: {  	[tilespmem:s16], [sflag:$0x1] =	stream.indirect.gather [hbm4b:s1+s15], $0x80, s15, s15, $0xb8;
	[tilespmem:$0x18400] =	vst v63  }
0x75: {  	_ =	swait.ge [sflag:s17], $0x4000  }
0x76: {  	[sflag:s17] =	ssyncset.done $0x0  }
0x77: {  	[sflag:s17] =	ssyncadd.s32 $0xFFFFC000  }
0x78: {  	[spmem:s3] =	stream.indirect.scatter.add.f32 [tilespmem:s16], [sflag:$0x2], $0x80, s18, s15, $0xb8;
	[tilespmem:$0x18400] =	vst v63  }
0x79: {  	_ =	swait.ge [sflag:s13], $0x4000  }
0x7a: {  	[sflag:s13] =	ssyncset.done $0x0  }
0x7b: {  	[sflag:s13] =	ssyncadd.s32 $0xFFFFC000  }
0x7c: {  	[tilespmem:s16], [sflag:$0x1] =	stream.indirect.gather [hbm4b:s1+s15], $0x80, s19, s15, $0xb8;
	[tilespmem:$0x18400] =	vst v63  }
0x7d: {  	_ =	swait.ge [sflag:s17], $0x4000  }
0x7e: {  	[sflag:s17] =	ssyncset.done $0x0  }
0x7f: {  	[sflag:s17] =	ssyncadd.s32 $0xFFFFC000  }
0x80: {  	[spmem:s3] =	stream.indirect.scatter.add.f32 [tilespmem:s16], [sflag:$0x2], $0x80, s20, s15, $0xb8;
	[tilespmem:$0x18400] =	vst v63  }
0x81: {  	_ =	swait.ge [sflag:s13], $0x4000  }
0x82: {  	[sflag:s13] =	ssyncset.done $0x0  }
0x83: {  	[sflag:s13] =	ssyncadd.s32 $0xFFFFC000  }
0x84: {  	[tilespmem:s16], [sflag:$0x1] =	stream.indirect.gather [hbm4b:s1+s15], $0x80, s21, s15, $0xb8;
	[tilespmem:$0x18400] =	vst v63  }
0x85: {  	_ =	swait.ge [sflag:s17], $0x4000  }
0x86: {  	[sflag:s17] =	ssyncset.done $0x0  }
0x87: {  	[sflag:s17] =	ssyncadd.s32 $0xFFFFC000  }
0x88: {  	[spmem:s3] =	stream.indirect.scatter.add.f32 [tilespmem:s16], [sflag:$0x2], $0x80, s22, s15, $0xb8;
	[tilespmem:$0x18400] =	vst v63  }
0x89: {  	_ =	swait.ge [sflag:s13], $0x4000  }
0x8a: {  	[sflag:s13] =	ssyncset.done $0x0  }
0x8b: {  	[sflag:s13] =	ssyncadd.s32 $0xFFFFC000  }
0x8c: {  	[tilespmem:s16], [sflag:$0x1] =	stream.indirect.gather [hbm4b:s1+s15], $0x80, s23, s15, $0xb8;
	[tilespmem:$0x18400] =	vst v63  }
0x8d: {  	_ =	swait.ge [sflag:s17], $0x4000  }
0x8e: {  	[sflag:s17] =	ssyncset.done $0x0  }
0x8f: {  	[sflag:s17] =	ssyncadd.s32 $0xFFFFC000  }
0x90: {  	[spmem:s3] =	stream.indirect.scatter.add.f32 [tilespmem:s16], [sflag:$0x2], $0x80, s24, s15, $0xb8;
	[tilespmem:$0x18400] =	vst v63  }
0x91: {  	_ =	swait.ge [sflag:s13], $0x4000  }
0x92: {  	[sflag:s13] =	ssyncset.done $0x0  }
0x93: {  	[sflag:s13] =	ssyncadd.s32 $0xFFFFC000  }
0x94: {  	[tilespmem:s16], [sflag:$0x1] =	stream.indirect.gather [hbm4b:s1+s15], $0x80, s25, s15, $0xb8;
	[tilespmem:$0x18400] =	vst v63  }
0x95: {  	_ =	swait.ge [sflag:s17], $0x4000  }
0x96: {  	[sflag:s17] =	ssyncset.done $0x0  }
0x97: {  	[sflag:s17] =	ssyncadd.s32 $0xFFFFC000  }
0x98: {  	[spmem:s3] =	stream.indirect.scatter.add.f32 [tilespmem:s16], [sflag:$0x2], $0x80, s26, s15, $0xb8;
	[tilespmem:$0x18400] =	vst v63  }
0x99: {  	_ =	swait.ge [sflag:s13], $0x4000  }
0x9a: {  	[sflag:s13] =	ssyncset.done $0x0  }
0x9b: {  	[sflag:s13] =	ssyncadd.s32 $0xFFFFC000  }
0x9c: {  	[tilespmem:s16], [sflag:$0x1] =	stream.indirect.gather [hbm4b:s1+s15], $0x80, s28, s15, $0xb8;
	[tilespmem:$0x18400] =	vst v63  }
0x9d: {  	_ =	swait.ge [sflag:s17], $0x4000  }
0x9e: {  	[sflag:s17] =	ssyncset.done $0x0  }
0x9f: {  	[sflag:s17] =	ssyncadd.s32 $0xFFFFC000  }
0xa0: {  	[spmem:s3] =	stream.indirect.scatter.add.f32 [tilespmem:s16], [sflag:$0x2], $0x80, s29, s15, $0xb8;
	[tilespmem:$0x18400] =	vst v63  }
0xa1: {  	_ =	swait.ge [sflag:s13], $0x4000  }
0xa2: {  	[sflag:s13] =	ssyncset.done $0x0  }
0xa3: {  	[sflag:s13] =	ssyncadd.s32 $0xFFFFC000  }
0xa4: {  	[tilespmem:s16], [sflag:$0x1] =	stream.indirect.gather [hbm4b:s1+s15], $0x80, s30, s15, $0xb8;
	[tilespmem:$0x18400] =	vst v63  }
0xa5: {  	_ =	swait.ge [sflag:s17], $0x4000  }
.Ltmp1:
0xa6: {  	[sflag:s17] =	ssyncset.done $0x0;
	(pc) =	sbr.rel @p0 .LBB2_2-.Ltmp1, $4  }
0xa7: {  	[sflag:s17] =	ssyncadd.s32 $0xFFFFC000  }
0xa8: {  	[spmem:s3] =	stream.indirect.scatter.add.f32 [tilespmem:s16], [sflag:$0x2], $0x80, s31, s15, $0xb8;
	[tilespmem:$0x18400] =	vst v63  }
0xa9: {  	_ =	swait.ge [sflag:s13], $0x4000  }
0xaa: {  	[sflag:s13] =	ssyncset.done $0x0  }
.LBB2_3:
0xab: {  	[sflag:s13] =	ssyncadd.s32 $0xFFFFC000;
	s2 =	sadd.s32 $0x1, s2  }
0xac: {  	[bflag:$0x0] =	sbarrier.arrive $0xFFFF;
	p0 =	sne.s32 s2, s9  }
.Ltmp2:
0xad: {  	s0 =	rddreg [dreg:$0x5];
	(pc) =	sbr.rel @p0 .LBB2_1-.Ltmp2, $4  }
0xae: {  	[hbm:s0], [sflag:s7] =	dma.local [spmem:s12], $0x2780  }
0xaf: {  	_ =	swait.ge [sflag:s13], $0x2780  }
0xb0: {  	[sflag:s13] =	ssyncset.done $0x0  }
0xb1: {  	[sflag:s13] =	ssyncadd.s32 $0xFFFFD880  }
0xb2: {  	_ =	sfence.sel $0x180000  }
0xb3: {  	[bflag:$0x0] =	sbarrier.arrive $0xFFFF  }
0xb4: {  	_ =	strace $0x9000004A  }
0xb5: {  	s0 =	stileid.u32;
	[bflag:$0x2] =	sbarrier.arrive $0xFFFF  }
0xb6: {  	p0 =	sne.s32 s0, $0x0;
	s0 =	rddreg [dreg:$0x3]  }
0xb7: {  	s0 =	sadd.s32 @!p0 $0x100000, s0  }
0xb8: {  	[sflag:s0] =	ssyncadd.tile.s32 @!p0 $0x1;
	_ =	shalt  }
.Lfunc_end2:
_tile_overlayer_lowered:
.L_overlay_start_2:
0xb9: {  	(tag) =	ssettag $0x2  }
0xba: {  	s0 =	rddreg [dreg:$0x0];
	s2 =	stileid.u32  }
0xbb: {  	s1 =	rddreg [dreg:$0x1];
	p0 =	sne.s32 s2, $0x0  }
0xbc: {  	s3 =	rddreg [dreg:$0x2];
	[bflag:$0x3] =	sbarrier.arrive $0xFFFF;
	s2 =	simm.s32 @!p0 $0x1C02  }
0xbd: {  	[timem:s3], [sflag:s2] =	dma.local @!p0 [hbm:s0], s1  }
0xbe: {  	s0 =	simm.s32 @!p0 $0x2  }
0xbf: {  	_ =	swait.ge @!p0 [sflag:s0], s1  }
0xc0: {  	s1 =	ssub.s32 @!p0 $0x0, s1;
	[sflag:s0] =	ssyncset.done @!p0 $0x0  }
0xc1: {  	[sflag:s0] =	ssyncadd.s32 @!p0 s1  }
0xc2: {  	[bflag:$0x3] =	sbarrier.arrive $0xFFFF  }
0xc3: {  	_ =	shalt  }

// kernel: kernel.14.cloned.1.call-start
scs
__scs_entry_jumppad:
0x0: {  	(pc) =	sbr.rel $0x88, $3  }
0x1: {  	(tag) =	ssettag $0x0;
	lr =	simm.s32 $0x1  }
0x2: {  	[smem:$0x3F99] =	sst lr;
	_ =	strace $0xD0000000  }
0x3: {  	_ = 	snop  }
0x4: {  	_ = 	snop  }
0x5: {  	_ = 	snop  }
0x6: {  	_ = 	snop  }
0x7: {  	_ = 	snop  }
__scs_overlays_trampoline_lowered:
0x8: {  	[smem:$0x3FA8] =	sst s0  }
0x9: {  	[smem:$0x3FA9] =	sst s1  }
0xa: {  	[smem:$0x3FAA] =	sst s2  }
0xb: {  	[smem:$0x3FAB] =	sst s3  }
0xc: {  	[smem:$0x3FAC] =	sst s4  }
0xd: {  	[smem:$0x3FAD] =	sst s5  }
0xe: {  	[smem:$0x3FAE] =	sst s6  }
0xf: {  	[smem:$0x3FAF] =	sst s7  }
0x10: {  	[smem:$0x3FB0] =	sst s8  }
0x11: {  	[smem:$0x3FB1] =	sst s9;
	s0 =	simm.s32 @!p0 $0x0  }
0x12: {  	s1 =	sld [smem:$0x3F97];
	s0 =	simm.s32 @p0 $0x1  }
0x13: {  	[smem:$0x3FB2] =	sst s0;
	s0 =	simm.s32 @!p1 $0x0  }
0x14: {  	s2 =	sld [smem:$0x3F96];
	s0 =	simm.s32 @p1 $0x1  }
0x15: {  	[smem:$0x3FB3] =	sst s0;
	s0 =	simm.s32 @!p2 $0x0  }
0x16: {  	s3 =	sld [smem:$0x3FDB];
	s0 =	simm.s32 @p2 $0x1  }
0x17: {  	s4 =	simm.s32 $0x1BF5;
	[smem:$0x3FB5] =	sst s0  }
0x18: {  	s0 =	sld [smem:$0x3F98];
	_ =	swait.ge [sflag:s4], $0x0  }
0x19: {  	s7 =	sld [smem:$0x3F99]  }
0x1a: {  	s8 =	sadd.s32 $0xFFFFE003, lr  }
0x1b: {  	s9 =	sadd.s32 $0xFFFFFEF7, lr;
	s5 =	simm.s32 $0xFFFFFFFF;
	p2 =	slt.u32 s8, $0xFFFFF086  }
0x1c: {  	p1 =	slt.u32 s9, $0xF7A;
	s5 =	simm.s32 @!p2 $0x0  }
0x1d: {  	s5 =	simm.s32 @p1 $0x1;
	p0 =	seq.s32 s7, s2  }
0x1e: {  	s7 =	smul.u32 @!p0 $0xF7A, s2;
	p2 =	seq.s32 @!p0 s5, $0x0  }
0x1f: {  	s9 =	smul.u32 $0xF7A, s1;
	s8 =	simm.s32 @!p0 $0x1BF5;
	p2 =	por !p2, p0  }
0x20: {  	[sflag:s8] =	ssyncset.s32 @!p0 $0xFFFFF086;
	s6 =	sadd.s32 @!p0 s3, s7;
	s7 =	simm.s32 @!p0 $0x108  }
0x21: {  	s3 =	sadd.s32 s3, s9;
	s6 =	sadd.s32 @!p0 $0x88, s6;
	s7 =	simm.s32 @p2 $0x1082  }
0x22: {  	[simem:s7], [sflag:s8] =	dma.local @!p0 [hbm:s6], $0xF7A  }
0x23: {  	s9 =	sor.u32 $0xD0000000, s2;
	s6 =	simm.s32 $0x108;
	_ =	swait.ge @!p0 [sflag:s8], $0x0  }
0x24: {  	s3 =	sadd.s32 $0x88, s3;
	s6 =	simm.s32 @!p1 $0x1082;
	[sflag:s4] =	ssyncset.s32 $0xFFFFF086  }
0x25: {  	[simem:s6], [sflag:s4] =	dma.local [hbm:s3], $0xF7A  }
0x26: {  	[smem:$0x3F99] =	sst s1;
	(tag) =	ssettag s2;
	_ =	strace s9  }
0x27: {  	s1 =	sld [smem:$0x3FA9]  }
0x28: {  	s2 =	sld [smem:$0x3FAA]  }
0x29: {  	s4 =	sld [smem:$0x3FAC]  }
0x2a: {  	p0 =	seq.s32 s5, $0x0;
	s5 =	sld [smem:$0x3FAD]  }
0x2b: {  	s6 =	sld [smem:$0x3FAE]  }
0x2c: {  	s7 =	sld [smem:$0x3FAF]  }
0x2d: {  	s3 =	simm.s32 $0x108;
	s8 =	sld [smem:$0x3FB0]  }
0x2e: {  	s3 =	simm.s32 @!p0 $0x1082;
	s9 =	sld [smem:$0x3FB1]  }
0x2f: {  	lr =	sadd.s32 s0, s3;
	s0 =	sld [smem:$0x3FA8]  }
0x30: {  	s3 =	sld [smem:$0x3FAB]  }
0x31: {  	[smem:$0x3FB4] =	sst s10  }
0x32: {  	s10 =	sld [smem:$0x3FB2];
	_ =	sdelay $0x3  }
0x33: {  	p0 =	seq.s32 s10, $0x1;
	s10 =	sld [smem:$0x3FB4];
	_ =	sdelay $0x3  }
0x34: {  	[smem:$0x3FB4] =	sst s10  }
0x35: {  	s10 =	sld [smem:$0x3FB3];
	_ =	sdelay $0x3  }
0x36: {  	p1 =	seq.s32 s10, $0x1;
	s10 =	sld [smem:$0x3FB4];
	_ =	sdelay $0x3  }
0x37: {  	[smem:$0x3FB4] =	sst s10  }
0x38: {  	s10 =	sld [smem:$0x3FB5]  }
0x39: {  	_ = 	snop;
	(pc) =	sbr.ind lr, $3  }
0x3a: {  	_ = 	snop  }
0x3b: {  	_ = 	snop  }
0x3c: {  	p2 =	seq.s32 s10, $0x1;
	s10 =	sld [smem:$0x3FB4]  }
0x3d: {  	_ =	shalt  }
0x3e: {  	_ =	shalt  }
0x3f: {  	_ =	shalt  }
0x40: {  	_ =	shalt  }
0x41: {  	_ =	shalt  }
0x42: {  	_ =	shalt  }
0x43: {  	_ =	shalt  }
0x44: {  	_ =	shalt  }
0x45: {  	_ =	shalt  }
0x46: {  	_ =	shalt  }
0x47: {  	_ =	shalt  }
0x48: {  	_ =	shalt  }
0x49: {  	_ =	shalt  }
0x4a: {  	_ =	shalt  }
0x4b: {  	_ =	shalt  }
0x4c: {  	_ =	shalt  }
0x4d: {  	_ =	shalt  }
0x4e: {  	_ =	shalt  }
0x4f: {  	_ =	shalt  }
0x50: {  	_ =	shalt  }
0x51: {  	_ =	shalt  }
0x52: {  	_ =	shalt  }
0x53: {  	_ =	shalt  }
0x54: {  	_ =	shalt  }
0x55: {  	_ =	shalt  }
0x56: {  	_ =	shalt  }
0x57: {  	_ =	shalt  }
0x58: {  	_ =	shalt  }
0x59: {  	_ =	shalt  }
0x5a: {  	_ =	shalt  }
0x5b: {  	_ =	shalt  }
0x5c: {  	_ =	shalt  }
0x5d: {  	_ =	shalt  }
0x5e: {  	_ =	shalt  }
0x5f: {  	_ =	shalt  }
0x60: {  	_ =	shalt  }
0x61: {  	_ =	shalt  }
0x62: {  	_ =	shalt  }
0x63: {  	_ =	shalt  }
0x64: {  	_ =	shalt  }
0x65: {  	_ =	shalt  }
0x66: {  	_ =	shalt  }
0x67: {  	_ =	shalt  }
0x68: {  	_ =	shalt  }
0x69: {  	_ =	shalt  }
0x6a: {  	_ =	shalt  }
0x6b: {  	_ =	shalt  }
0x6c: {  	_ =	shalt  }
0x6d: {  	_ =	shalt  }
0x6e: {  	_ =	shalt  }
0x6f: {  	_ =	shalt  }
0x70: {  	_ =	shalt  }
0x71: {  	_ =	shalt  }
0x72: {  	_ =	shalt  }
0x73: {  	_ =	shalt  }
0x74: {  	_ =	shalt  }
0x75: {  	_ =	shalt  }
0x76: {  	_ =	shalt  }
0x77: {  	_ =	shalt  }
0x78: {  	_ =	shalt  }
0x79: {  	_ =	shalt  }
0x7a: {  	_ =	shalt  }
0x7b: {  	_ =	shalt  }
0x7c: {  	_ =	shalt  }
0x7d: {  	_ =	shalt  }
0x7e: {  	_ =	shalt  }
0x7f: {  	_ =	shalt  }
0x80: {  	_ =	shalt  }
0x81: {  	_ =	shalt  }
0x82: {  	_ =	shalt  }
0x83: {  	_ =	shalt  }
0x84: {  	_ =	shalt  }
0x85: {  	_ =	shalt  }
0x86: {  	_ =	shalt  }
0x87: {  	_ =	shalt  }
.Lfunc_end0:
.L_simem_size_0:
called_computation.2_lowered:
.L_overlay_start_0:
0x88: {  	s2 =	sld [smem:$0x3FD9]  }
0x89: {  	s3 =	sld [smem:$0x3FFE];
	_ =	sdelay $0x1  }
0x8a: {  	s1 =	srdreg.scid  }
0x8b: {  	s0 =	sand.u32 $0x1, s1  }
0x8c: {  	s17 =	sshll.u32 s0, $0xA;
	s2 =	sadd.s32 s3, s2  }
0x8d: {  	s2 =	sadd.s32 s2, s17  }
0x8e: {  	[smem:$0x3FC0] =	sst s2  }
0x8f: {  	_ = 	snop  }
0x90: {  	s2 =	sld [smem:$0x3FD0];
	(tm) =	ssettm $0x1  }
0x91: {  	s18 =	sld [smem:$0x3FFB];
	_ =	sdelay $0x3  }
0x92: {  	_ =	strace s18  }
0x93: {  	s3 =	sld [smem:$0x3FFC];
	_ =	sdelay $0x3  }
0x94: {  	_ =	strace s3  }
0x95: {  	s3 =	sld [smem:$0x3FFD];
	_ =	sdelay $0x3  }
0x96: {  	_ =	strace s3  }
0x97: {  	_ =	strace $0x8FFFFFFF  }
0x98: {  	s19 =	sld [smem:$0x3FDB];
	_ =	sdelay $0x1  }
0x99: {  	s4 =	simm.s32 $_scs_section_size  }
0x9a: {  	s5 =	simm.s32 $_size__tile_overlayer_lowered;
	s6 =	simm.s32 $_tile_overlayer_lowered  }
0x9b: {  	s22 =	simm.s32 $0x1BFF;
	s21 =	sshll.u32 s6, $0x1;
	s3 =	sadd.s32 s4, s19  }
0x9c: {  	s7 =	simm.s32 $0x0;
	s20 =	sshll.u32 s5, $0x1;
	s5 =	sadd.s32 s21, s3  }
0x9d: {  	[timem:s7], [sflag:s22] =	dma.local [hbm:s5], s20  }
0x9e: {  	_ =	swait.ge [sflag:s22], s20  }
0x9f: {  	s4 =	ssub.s32 $0x0, s20;
	[sflag:s22] =	ssyncset.done $0x0  }
0xa0: {  	[sflag:s22] =	ssyncadd.s32 s4;
	_ =	sdelay $0x1  }
0xa1: {  	s23 =	simm.s32 $0x1B8B  }
0xa2: {  	_ =	swait.ge [sflag:s23], $0x1  }
0xa3: {  	[sflag:s23] =	ssyncset.done $0x0  }
0xa4: {  	s25 =	simm.s32 $0x1B8E;
	s24 =	sld [smem:$0x3FFE];
	[sflag:s23] =	ssyncadd.s32 $0xFFFFFFFF  }
0xa5: {  	s26 =	simm.s32 $execute0_lowered;
	[smem:$0x3FD2] =	sst s25  }
0xa6: {  	s5 =	sshll.u32 s26, $0x1;
	_ =	strace $0x8000004C;
	[dreg:$0x1] =	wrdreg $0xFFFFFFFF  }
0xa7: {  	s28 =	simm.s32 $_size_execute0_lowered;
	s3 =	sadd.s32 s3, s5;
	[dreg:$0x0] =	wrdreg $0x0  }
0xa8: {  	s5 =	sshll.u32 s28, $0x1;
	[dreg:$0x2] =	wrdreg s3  }
0xa9: {  	[dreg:$0x3] =	wrdreg s5  }
0xaa: {  	[dreg:$0x4] =	wrdreg $0xC0  }
0xab: {  	_ =	task [dreg:s7], $0x5FFFF  }
0xac: {  	[dreg:$0x1] =	wrdreg $0xFFFFFFFF  }
0xad: {  	[dreg:$0x0] =	wrdreg $0x60  }
0xae: {  	[dreg:$0x2] =	wrdreg s24  }
0xaf: {  	[dreg:$0x3] =	wrdreg s2  }
0xb0: {  	[dreg:$0x4] =	wrdreg $0x48000  }
0xb1: {  	[dreg:$0x5] =	wrdreg $0x9  }
0xb2: {  	_ =	task.clear_ibuf [dreg:s7], $0x6FFFF;
	_ =	strace $0x9000004C  }
0xb3: {  	s29 =	simm.s32 $0x9;
	_ =	strace $0x8000004E  }
0xb4: {  	_ =	swait.ge [sflag:s29], $0x1  }
0xb5: {  	[sflag:s29] =	ssyncadd.s32 $0xFFFFFFFF  }
0xb6: {  	_ =	strace $0x9000004E  }
0xb7: {  	_ =	sfence  }
0xb8: {  	s30 =	sld [smem:$0x0];
	_ =	sdelay $0x2  }
0xb9: {  	s31 =	sshll.u32 s1, $0xD;
	s1 =	sshrl.u32 s1, $0x2  }
0xba: {  	s3 =	sand.u32 $0x4000, s31;
	s1 =	sadd.s32 s1, s30  }
0xbb: {  	s0 =	sor.u32 s3, s0;
	s1 =	sshll.u32 s1, $0x11  }
0xbc: {  	s0 =	sor.u32 s1, s0  }
0xbd: {  	s0 =	sadd.s32 $0x8F2B, s0  }
0xbe: {  	[sflag:s0] =	ssyncadd.remote.s32 $0x1  }
0xbf: {  	_ =	sfence.sel $0xFFFF  }
0xc0: {  	[dreg:$0x0] =	wrdreg $0xFFFFFFFF;
	(pc) =	sbr.abs _section_cstart, $3  }
0xc1: {  	[dreg:$0x1] =	wrdreg $0xFFFFFFFF  }
0xc2: {  	_ =	task.clear_ibuf [dreg:s7], $0x2FFFF;
	_ =	strace $0x9FFFFFFF  }
0xc3: {  	(tm) =	ssettm $0x7FFFFFFF  }
tec
execute0_lowered:
.L_overlay_start_1:
0x0: {  	(tag) =	ssettag $0x1  }
0x1: {  	s0 =	rddreg [dreg:$0x0]  }
0x2: {  	s1 =	rddreg [dreg:$0x1];
	s10 =	stileid.u32  }
0x3: {  	s2 =	srdreg.scid;
	s3 =	rddreg [dreg:$0x2];
	s13 =	simm.s32 $0x2  }
0x4: {  	s14 =	simm.s32 $0x400;
	s15 =	simm.s32 $0x80;
	s16 =	simm.s32 $0x800  }
0x5: {  	s17 =	simm.s32 $0x1;
	s18 =	simm.s32 $0x480;
	s19 =	simm.s32 $0x100  }
0x6: {  	s20 =	simm.s32 $0x500;
	s28 =	simm.s32 $0x300;
	s4 =	smul.u32 $0x7, s10  }
0x7: {  	s29 =	simm.s32 $0x700;
	s30 =	simm.s32 $0x380;
	s5 =	smul.u32 $0xD, s10  }
0x8: {  	s31 =	simm.s32 $0x780;
	s2 =	sand.u32 $0x1, s2;
	s21 =	smul.u32 $0x13C00, s10  }
0x9: {  	s9 =	smul.u32 $0x4F000, s10;
	s25 =	sshll.u32 s10, $0x6;
	p0 =	seq.s32 s2, $0x0  }
0xa: {  	s7 =	smul.u32 $0x13C000, s2;
	s2 =	ssub.s32 $0x2, s2;
	s6 =	sadd.s32 $0xD0, s4  }
0xb: {  	s4 =	simm.s32 $0x0;
	s22 =	sshrl.u32 s21, $0x3;
	s23 =	sshrl.u32 s2, $0x1  }
0xc: {  	s24 =	sshrl.u32 s9, $0x2;
	s6 =	smov.u32 @p0 s5;
	[smem:$0x7FF] =	sst s4  }
0xd: {  	s5 =	sadd.s32 s21, s7;
	s2 =	ssub.s32 s2, s23;
	s26 =	sadd.s32 s24, s3  }
0xe: {  	s7 =	sor.u32 $0x1C02, s25;
	s21 =	simm.s32 $0x180;
	s23 =	simm.s32 $0x200  }
0xf: {  	s24 =	simm.s32 $0x600;
	s25 =	simm.s32 $0x280;
	s6 =	sshll.u32 s6, $0x7  }
0x10: {  	_ =	strace $0x8000004D;
	s5 =	sshrl.u32 s5, $0x3;
	s9 =	smax.u32 s2, $0x1  }
0x11: {  	s12 =	sshrl.u32 s26, $0x3;
	s26 =	simm.s32 $0x680;
	s2 =	simm.s32 $0x0  }
0x12: {  	s8 =	sadd.s32 s6, s0;
	s6 =	sadd.s32 s22, s0;
	s0 =	sadd.s32 s5, s0  }
0x13: {  	s5 =	simm.s32 $0xD;
	s22 =	simm.s32 $0x580;
	s6 =	sadd.s32 $0x17200, s6  }
0x14: {  	s5 =	simm.s32 @!p0 $0x7;
	s0 =	sadd.s32 $0x65C00, s0;
	[dreg:$0x4] =	wrdreg s6  }
0x15: {  	[dreg:$0x5] =	wrdreg s0;
	s6 =	sadd.s32 $0x2800, s8;
	s8 =	sadd.s32 $0xD200, s8  }
.LBB2_1:
0x16: {  	s0 =	rddreg [dreg:$0x4]  }
0x17: {  	[spmem:s12], [sflag:s7] =	dma.local [hbm:s0], $0x2780  }
0x18: {  	_ =	swait.ge [sflag:s13], $0x2780  }
0x19: {  	[sflag:s13] =	ssyncset.done $0x0  }
0x1a: {  	[sflag:s13] =	ssyncadd.s32 $0xFFFFD880  }
0x1b: {  	[bflag:$0x0] =	sbarrier.arrive $0xFFFF  }
0x1c: {  	[tilespmem:s4], [sflag:$0x2] =	stream.linear.gather [hbm4b:s8+s4], $0x400, $0x38;
	[tilespmem:$0x18400] =	vst v63  }
0x1d: {  	_ =	swait.ge [sflag:s13], $0x400  }
0x1e: {  	[sflag:s13] =	ssyncset.done $0x0  }
0x1f: {  	[sflag:s13] =	ssyncadd.s32 $0xFFFFFC00  }
0x20: {  	[tilespmem:s14], [sflag:$0x2] =	stream.linear.gather [hbm4b:s6+s4], $0x400, $0x38;
	[tilespmem:$0x18400] =	vst v63  }
0x21: {  	_ =	swait.ge [sflag:s13], $0x400  }
0x22: {  	[sflag:s13] =	ssyncset.done $0x0  }
0x23: {  	[sflag:s13] =	ssyncadd.s32 $0xFFFFFC00  }
0x24: {  	[tilespmem:s16], [sflag:$0x1] =	stream.indirect.gather [hbm4b:s1+s15], $0x80, s4, s15, $0xb8;
	[tilespmem:$0x18400] =	vst v63  }
0x25: {  	_ =	swait.ge [sflag:s17], $0x4000  }
0x26: {  	[sflag:s17] =	ssyncset.done $0x0  }
0x27: {  	[sflag:s17] =	ssyncadd.s32 $0xFFFFC000  }
0x28: {  	[spmem:s3] =	stream.indirect.scatter.add.f32 [tilespmem:s16], [sflag:$0x2], $0x80, s14, s15, $0xb8;
	[tilespmem:$0x18400] =	vst v63  }
0x29: {  	_ =	swait.ge [sflag:s13], $0x4000  }
0x2a: {  	[sflag:s13] =	ssyncset.done $0x0  }
0x2b: {  	[sflag:s13] =	ssyncadd.s32 $0xFFFFC000  }
0x2c: {  	[tilespmem:s16], [sflag:$0x1] =	stream.indirect.gather [hbm4b:s1+s15], $0x80, s15, s15, $0xb8;
	[tilespmem:$0x18400] =	vst v63  }
0x2d: {  	_ =	swait.ge [sflag:s17], $0x4000  }
0x2e: {  	[sflag:s17] =	ssyncset.done $0x0  }
0x2f: {  	[sflag:s17] =	ssyncadd.s32 $0xFFFFC000  }
0x30: {  	[spmem:s3] =	stream.indirect.scatter.add.f32 [tilespmem:s16], [sflag:$0x2], $0x80, s18, s15, $0xb8;
	[tilespmem:$0x18400] =	vst v63  }
0x31: {  	_ =	swait.ge [sflag:s13], $0x4000  }
0x32: {  	[sflag:s13] =	ssyncset.done $0x0  }
0x33: {  	[sflag:s13] =	ssyncadd.s32 $0xFFFFC000  }
0x34: {  	[tilespmem:s16], [sflag:$0x1] =	stream.indirect.gather [hbm4b:s1+s15], $0x80, s19, s15, $0xb8;
	[tilespmem:$0x18400] =	vst v63  }
0x35: {  	_ =	swait.ge [sflag:s17], $0x4000  }
0x36: {  	[sflag:s17] =	ssyncset.done $0x0  }
0x37: {  	[sflag:s17] =	ssyncadd.s32 $0xFFFFC000  }
0x38: {  	[spmem:s3] =	stream.indirect.scatter.add.f32 [tilespmem:s16], [sflag:$0x2], $0x80, s20, s15, $0xb8;
	[tilespmem:$0x18400] =	vst v63  }
0x39: {  	_ =	swait.ge [sflag:s13], $0x4000  }
0x3a: {  	[sflag:s13] =	ssyncset.done $0x0  }
0x3b: {  	[sflag:s13] =	ssyncadd.s32 $0xFFFFC000  }
0x3c: {  	[tilespmem:s16], [sflag:$0x1] =	stream.indirect.gather [hbm4b:s1+s15], $0x80, s21, s15, $0xb8;
	[tilespmem:$0x18400] =	vst v63  }
0x3d: {  	_ =	swait.ge [sflag:s17], $0x4000  }
0x3e: {  	[sflag:s17] =	ssyncset.done $0x0  }
0x3f: {  	[sflag:s17] =	ssyncadd.s32 $0xFFFFC000  }
0x40: {  	[spmem:s3] =	stream.indirect.scatter.add.f32 [tilespmem:s16], [sflag:$0x2], $0x80, s22, s15, $0xb8;
	[tilespmem:$0x18400] =	vst v63  }
0x41: {  	_ =	swait.ge [sflag:s13], $0x4000  }
0x42: {  	[sflag:s13] =	ssyncset.done $0x0  }
0x43: {  	[sflag:s13] =	ssyncadd.s32 $0xFFFFC000  }
0x44: {  	[tilespmem:s16], [sflag:$0x1] =	stream.indirect.gather [hbm4b:s1+s15], $0x80, s23, s15, $0xb8;
	[tilespmem:$0x18400] =	vst v63  }
0x45: {  	_ =	swait.ge [sflag:s17], $0x4000  }
0x46: {  	[sflag:s17] =	ssyncset.done $0x0  }
0x47: {  	[sflag:s17] =	ssyncadd.s32 $0xFFFFC000  }
0x48: {  	[spmem:s3] =	stream.indirect.scatter.add.f32 [tilespmem:s16], [sflag:$0x2], $0x80, s24, s15, $0xb8;
	[tilespmem:$0x18400] =	vst v63  }
0x49: {  	_ =	swait.ge [sflag:s13], $0x4000  }
0x4a: {  	[sflag:s13] =	ssyncset.done $0x0  }
0x4b: {  	[sflag:s13] =	ssyncadd.s32 $0xFFFFC000  }
0x4c: {  	[tilespmem:s16], [sflag:$0x1] =	stream.indirect.gather [hbm4b:s1+s15], $0x80, s25, s15, $0xb8;
	[tilespmem:$0x18400] =	vst v63  }
0x4d: {  	_ =	swait.ge [sflag:s17], $0x4000  }
0x4e: {  	[sflag:s17] =	ssyncset.done $0x0  }
0x4f: {  	[sflag:s17] =	ssyncadd.s32 $0xFFFFC000  }
0x50: {  	[spmem:s3] =	stream.indirect.scatter.add.f32 [tilespmem:s16], [sflag:$0x2], $0x80, s26, s15, $0xb8;
	[tilespmem:$0x18400] =	vst v63  }
0x51: {  	_ =	swait.ge [sflag:s13], $0x4000  }
0x52: {  	[sflag:s13] =	ssyncset.done $0x0  }
0x53: {  	[sflag:s13] =	ssyncadd.s32 $0xFFFFC000  }
0x54: {  	[tilespmem:s16], [sflag:$0x1] =	stream.indirect.gather [hbm4b:s1+s15], $0x80, s28, s15, $0xb8;
	[tilespmem:$0x18400] =	vst v63  }
0x55: {  	_ =	swait.ge [sflag:s17], $0x4000  }
0x56: {  	[sflag:s17] =	ssyncset.done $0x0  }
0x57: {  	[sflag:s17] =	ssyncadd.s32 $0xFFFFC000  }
0x58: {  	[spmem:s3] =	stream.indirect.scatter.add.f32 [tilespmem:s16], [sflag:$0x2], $0x80, s29, s15, $0xb8;
	[tilespmem:$0x18400] =	vst v63  }
0x59: {  	_ =	swait.ge [sflag:s13], $0x4000  }
0x5a: {  	[sflag:s13] =	ssyncset.done $0x0  }
0x5b: {  	[sflag:s13] =	ssyncadd.s32 $0xFFFFC000  }
0x5c: {  	[tilespmem:s16], [sflag:$0x1] =	stream.indirect.gather [hbm4b:s1+s15], $0x80, s30, s15, $0xb8;
	[tilespmem:$0x18400] =	vst v63  }
0x5d: {  	p0 =	sne.s32 s5, $0x1;
	_ =	swait.ge [sflag:s17], $0x4000  }
.Ltmp0:
0x5e: {  	[sflag:s17] =	ssyncset.done $0x0;
	(pc) =	sbr.rel @!p0 .LBB2_3-.Ltmp0, $4  }
0x5f: {  	[sflag:s17] =	ssyncadd.s32 $0xFFFFC000  }
0x60: {  	[spmem:s3] =	stream.indirect.scatter.add.f32 [tilespmem:s16], [sflag:$0x2], $0x80, s31, s15, $0xb8;
	[tilespmem:$0x18400] =	vst v63  }
0x61: {  	s10 =	smov.u32 s6;
	_ =	swait.ge [sflag:s13], $0x4000  }
0x62: {  	s11 =	smov.u32 s8;
	s0 =	sadd.s32 $0xFFFFFFFF, s5;
	[sflag:s13] =	ssyncset.done $0x0  }
.LBB2_2:
0x63: {  	[sflag:s13] =	ssyncadd.s32 $0xFFFFC000;
	s10 =	sadd.s32 $0x80, s10;
	s11 =	sadd.s32 $0x80, s11  }
0x64: {  	[tilespmem:s4], [sflag:$0x2] =	stream.linear.gather [hbm4b:s11+s4], $0x400, $0x38;
	[tilespmem:$0x18400] =	vst v63  }
0x65: {  	p0 =	sne.s32 s0, $0x1;
	s0 =	sadd.s32 $0xFFFFFFFF, s0;
	_ =	swait.ge [sflag:s13], $0x400  }
0x66: {  	[sflag:s13] =	ssyncset.done $0x0  }
0x67: {  	[sflag:s13] =	ssyncadd.s32 $0xFFFFFC00  }
0x68: {  	[tilespmem:s14], [sflag:$0x2] =	stream.linear.gather [hbm4b:s10+s4], $0x400, $0x38;
	[tilespmem:$0x18400] =	vst v63  }
0x69: {  	_ =	swait.ge [sflag:s13], $0x400  }
0x6a: {  	[sflag:s13] =	ssyncset.done $0x0  }
0x6b: {  	[sflag:s13] =	ssyncadd.s32 $0xFFFFFC00  }
0x6c: {  	[tilespmem:s16], [sflag:$0x1] =	stream.indirect.gather [hbm4b:s1+s15], $0x80, s4, s15, $0xb8;
	[tilespmem:$0x18400] =	vst v63  }
0x6d: {  	_ =	swait.ge [sflag:s17], $0x4000  }
0x6e: {  	[sflag:s17] =	ssyncset.done $0x0  }
0x6f: {  	[sflag:s17] =	ssyncadd.s32 $0xFFFFC000  }
0x70: {  	[spmem:s3] =	stream.indirect.scatter.add.f32 [tilespmem:s16], [sflag:$0x2], $0x80, s14, s15, $0xb8;
	[tilespmem:$0x18400] =	vst v63  }
0x71: {  	_ =	swait.ge [sflag:s13], $0x4000  }
0x72: {  	[sflag:s13] =	ssyncset.done $0x0  }
0x73: {  	[sflag:s13] =	ssyncadd.s32 $0xFFFFC000  }
0x74: {  	[tilespmem:s16], [sflag:$0x1] =	stream.indirect.gather [hbm4b:s1+s15], $0x80, s15, s15, $0xb8;
	[tilespmem:$0x18400] =	vst v63  }
0x75: {  	_ =	swait.ge [sflag:s17], $0x4000  }
0x76: {  	[sflag:s17] =	ssyncset.done $0x0  }
0x77: {  	[sflag:s17] =	ssyncadd.s32 $0xFFFFC000  }
0x78: {  	[spmem:s3] =	stream.indirect.scatter.add.f32 [tilespmem:s16], [sflag:$0x2], $0x80, s18, s15, $0xb8;
	[tilespmem:$0x18400] =	vst v63  }
0x79: {  	_ =	swait.ge [sflag:s13], $0x4000  }
0x7a: {  	[sflag:s13] =	ssyncset.done $0x0  }
0x7b: {  	[sflag:s13] =	ssyncadd.s32 $0xFFFFC000  }
0x7c: {  	[tilespmem:s16], [sflag:$0x1] =	stream.indirect.gather [hbm4b:s1+s15], $0x80, s19, s15, $0xb8;
	[tilespmem:$0x18400] =	vst v63  }
0x7d: {  	_ =	swait.ge [sflag:s17], $0x4000  }
0x7e: {  	[sflag:s17] =	ssyncset.done $0x0  }
0x7f: {  	[sflag:s17] =	ssyncadd.s32 $0xFFFFC000  }
0x80: {  	[spmem:s3] =	stream.indirect.scatter.add.f32 [tilespmem:s16], [sflag:$0x2], $0x80, s20, s15, $0xb8;
	[tilespmem:$0x18400] =	vst v63  }
0x81: {  	_ =	swait.ge [sflag:s13], $0x4000  }
0x82: {  	[sflag:s13] =	ssyncset.done $0x0  }
0x83: {  	[sflag:s13] =	ssyncadd.s32 $0xFFFFC000  }
0x84: {  	[tilespmem:s16], [sflag:$0x1] =	stream.indirect.gather [hbm4b:s1+s15], $0x80, s21, s15, $0xb8;
	[tilespmem:$0x18400] =	vst v63  }
0x85: {  	_ =	swait.ge [sflag:s17], $0x4000  }
0x86: {  	[sflag:s17] =	ssyncset.done $0x0  }
0x87: {  	[sflag:s17] =	ssyncadd.s32 $0xFFFFC000  }
0x88: {  	[spmem:s3] =	stream.indirect.scatter.add.f32 [tilespmem:s16], [sflag:$0x2], $0x80, s22, s15, $0xb8;
	[tilespmem:$0x18400] =	vst v63  }
0x89: {  	_ =	swait.ge [sflag:s13], $0x4000  }
0x8a: {  	[sflag:s13] =	ssyncset.done $0x0  }
0x8b: {  	[sflag:s13] =	ssyncadd.s32 $0xFFFFC000  }
0x8c: {  	[tilespmem:s16], [sflag:$0x1] =	stream.indirect.gather [hbm4b:s1+s15], $0x80, s23, s15, $0xb8;
	[tilespmem:$0x18400] =	vst v63  }
0x8d: {  	_ =	swait.ge [sflag:s17], $0x4000  }
0x8e: {  	[sflag:s17] =	ssyncset.done $0x0  }
0x8f: {  	[sflag:s17] =	ssyncadd.s32 $0xFFFFC000  }
0x90: {  	[spmem:s3] =	stream.indirect.scatter.add.f32 [tilespmem:s16], [sflag:$0x2], $0x80, s24, s15, $0xb8;
	[tilespmem:$0x18400] =	vst v63  }
0x91: {  	_ =	swait.ge [sflag:s13], $0x4000  }
0x92: {  	[sflag:s13] =	ssyncset.done $0x0  }
0x93: {  	[sflag:s13] =	ssyncadd.s32 $0xFFFFC000  }
0x94: {  	[tilespmem:s16], [sflag:$0x1] =	stream.indirect.gather [hbm4b:s1+s15], $0x80, s25, s15, $0xb8;
	[tilespmem:$0x18400] =	vst v63  }
0x95: {  	_ =	swait.ge [sflag:s17], $0x4000  }
0x96: {  	[sflag:s17] =	ssyncset.done $0x0  }
0x97: {  	[sflag:s17] =	ssyncadd.s32 $0xFFFFC000  }
0x98: {  	[spmem:s3] =	stream.indirect.scatter.add.f32 [tilespmem:s16], [sflag:$0x2], $0x80, s26, s15, $0xb8;
	[tilespmem:$0x18400] =	vst v63  }
0x99: {  	_ =	swait.ge [sflag:s13], $0x4000  }
0x9a: {  	[sflag:s13] =	ssyncset.done $0x0  }
0x9b: {  	[sflag:s13] =	ssyncadd.s32 $0xFFFFC000  }
0x9c: {  	[tilespmem:s16], [sflag:$0x1] =	stream.indirect.gather [hbm4b:s1+s15], $0x80, s28, s15, $0xb8;
	[tilespmem:$0x18400] =	vst v63  }
0x9d: {  	_ =	swait.ge [sflag:s17], $0x4000  }
0x9e: {  	[sflag:s17] =	ssyncset.done $0x0  }
0x9f: {  	[sflag:s17] =	ssyncadd.s32 $0xFFFFC000  }
0xa0: {  	[spmem:s3] =	stream.indirect.scatter.add.f32 [tilespmem:s16], [sflag:$0x2], $0x80, s29, s15, $0xb8;
	[tilespmem:$0x18400] =	vst v63  }
0xa1: {  	_ =	swait.ge [sflag:s13], $0x4000  }
0xa2: {  	[sflag:s13] =	ssyncset.done $0x0  }
0xa3: {  	[sflag:s13] =	ssyncadd.s32 $0xFFFFC000  }
0xa4: {  	[tilespmem:s16], [sflag:$0x1] =	stream.indirect.gather [hbm4b:s1+s15], $0x80, s30, s15, $0xb8;
	[tilespmem:$0x18400] =	vst v63  }
0xa5: {  	_ =	swait.ge [sflag:s17], $0x4000  }
.Ltmp1:
0xa6: {  	[sflag:s17] =	ssyncset.done $0x0;
	(pc) =	sbr.rel @p0 .LBB2_2-.Ltmp1, $4  }
0xa7: {  	[sflag:s17] =	ssyncadd.s32 $0xFFFFC000  }
0xa8: {  	[spmem:s3] =	stream.indirect.scatter.add.f32 [tilespmem:s16], [sflag:$0x2], $0x80, s31, s15, $0xb8;
	[tilespmem:$0x18400] =	vst v63  }
0xa9: {  	_ =	swait.ge [sflag:s13], $0x4000  }
0xaa: {  	[sflag:s13] =	ssyncset.done $0x0  }
.LBB2_3:
0xab: {  	[sflag:s13] =	ssyncadd.s32 $0xFFFFC000;
	s2 =	sadd.s32 $0x1, s2  }
0xac: {  	[bflag:$0x0] =	sbarrier.arrive $0xFFFF;
	p0 =	sne.s32 s2, s9  }
.Ltmp2:
0xad: {  	s0 =	rddreg [dreg:$0x5];
	(pc) =	sbr.rel @p0 .LBB2_1-.Ltmp2, $4  }
0xae: {  	[hbm:s0], [sflag:s7] =	dma.local [spmem:s12], $0x2780  }
0xaf: {  	_ =	swait.ge [sflag:s13], $0x2780  }
0xb0: {  	[sflag:s13] =	ssyncset.done $0x0  }
0xb1: {  	[sflag:s13] =	ssyncadd.s32 $0xFFFFD880  }
0xb2: {  	_ =	sfence.sel $0x180000  }
0xb3: {  	[bflag:$0x0] =	sbarrier.arrive $0xFFFF  }
0xb4: {  	_ =	strace $0x9000004D  }
0xb5: {  	s0 =	stileid.u32;
	[bflag:$0x2] =	sbarrier.arrive $0xFFFF  }
0xb6: {  	p0 =	sne.s32 s0, $0x0;
	s0 =	rddreg [dreg:$0x3]  }
0xb7: {  	s0 =	sadd.s32 @!p0 $0x100000, s0  }
0xb8: {  	[sflag:s0] =	ssyncadd.tile.s32 @!p0 $0x1;
	_ =	shalt  }
.Lfunc_end2:
_tile_overlayer_lowered:
.L_overlay_start_2:
0xb9: {  	(tag) =	ssettag $0x2  }
0xba: {  	s0 =	rddreg [dreg:$0x0];
	s2 =	stileid.u32  }
0xbb: {  	s1 =	rddreg [dreg:$0x1];
	p0 =	sne.s32 s2, $0x0  }
0xbc: {  	s3 =	rddreg [dreg:$0x2];
	[bflag:$0x3] =	sbarrier.arrive $0xFFFF;
	s2 =	simm.s32 @!p0 $0x1C02  }
0xbd: {  	[timem:s3], [sflag:s2] =	dma.local @!p0 [hbm:s0], s1  }
0xbe: {  	s0 =	simm.s32 @!p0 $0x2  }
0xbf: {  	_ =	swait.ge @!p0 [sflag:s0], s1  }
0xc0: {  	s1 =	ssub.s32 @!p0 $0x0, s1;
	[sflag:s0] =	ssyncset.done @!p0 $0x0  }
0xc1: {  	[sflag:s0] =	ssyncadd.s32 @!p0 s1  }
0xc2: {  	[bflag:$0x3] =	sbarrier.arrive $0xFFFF  }
0xc3: {  	_ =	shalt  }

// kernel: kernel.8.cloned.1.call-start
scs
__scs_entry_jumppad:
0x0: {  	(pc) =	sbr.rel $0x88, $3  }
0x1: {  	(tag) =	ssettag $0x0;
	lr =	simm.s32 $0x1  }
0x2: {  	[smem:$0x3F99] =	sst lr;
	_ =	strace $0xD0000000  }
0x3: {  	_ = 	snop  }
0x4: {  	_ = 	snop  }
0x5: {  	_ = 	snop  }
0x6: {  	_ = 	snop  }
0x7: {  	_ = 	snop  }
__scs_overlays_trampoline_lowered:
0x8: {  	[smem:$0x3FA8] =	sst s0  }
0x9: {  	[smem:$0x3FA9] =	sst s1  }
0xa: {  	[smem:$0x3FAA] =	sst s2  }
0xb: {  	[smem:$0x3FAB] =	sst s3  }
0xc: {  	[smem:$0x3FAC] =	sst s4  }
0xd: {  	[smem:$0x3FAD] =	sst s5  }
0xe: {  	[smem:$0x3FAE] =	sst s6  }
0xf: {  	[smem:$0x3FAF] =	sst s7  }
0x10: {  	[smem:$0x3FB0] =	sst s8  }
0x11: {  	[smem:$0x3FB1] =	sst s9;
	s0 =	simm.s32 @!p0 $0x0  }
0x12: {  	s1 =	sld [smem:$0x3F97];
	s0 =	simm.s32 @p0 $0x1  }
0x13: {  	[smem:$0x3FB2] =	sst s0;
	s0 =	simm.s32 @!p1 $0x0  }
0x14: {  	s2 =	sld [smem:$0x3F96];
	s0 =	simm.s32 @p1 $0x1  }
0x15: {  	[smem:$0x3FB3] =	sst s0;
	s0 =	simm.s32 @!p2 $0x0  }
0x16: {  	s3 =	sld [smem:$0x3FDB];
	s0 =	simm.s32 @p2 $0x1  }
0x17: {  	s4 =	simm.s32 $0x1BF5;
	[smem:$0x3FB5] =	sst s0  }
0x18: {  	s0 =	sld [smem:$0x3F98];
	_ =	swait.ge [sflag:s4], $0x0  }
0x19: {  	s7 =	sld [smem:$0x3F99]  }
0x1a: {  	s8 =	sadd.s32 $0xFFFFE003, lr  }
0x1b: {  	s9 =	sadd.s32 $0xFFFFFEF7, lr;
	s5 =	simm.s32 $0xFFFFFFFF;
	p2 =	slt.u32 s8, $0xFFFFF086  }
0x1c: {  	p1 =	slt.u32 s9, $0xF7A;
	s5 =	simm.s32 @!p2 $0x0  }
0x1d: {  	s5 =	simm.s32 @p1 $0x1;
	p0 =	seq.s32 s7, s2  }
0x1e: {  	s7 =	smul.u32 @!p0 $0xF7A, s2;
	p2 =	seq.s32 @!p0 s5, $0x0  }
0x1f: {  	s9 =	smul.u32 $0xF7A, s1;
	s8 =	simm.s32 @!p0 $0x1BF5;
	p2 =	por !p2, p0  }
0x20: {  	[sflag:s8] =	ssyncset.s32 @!p0 $0xFFFFF086;
	s6 =	sadd.s32 @!p0 s3, s7;
	s7 =	simm.s32 @!p0 $0x108  }
0x21: {  	s3 =	sadd.s32 s3, s9;
	s6 =	sadd.s32 @!p0 $0x88, s6;
	s7 =	simm.s32 @p2 $0x1082  }
0x22: {  	[simem:s7], [sflag:s8] =	dma.local @!p0 [hbm:s6], $0xF7A  }
0x23: {  	s9 =	sor.u32 $0xD0000000, s2;
	s6 =	simm.s32 $0x108;
	_ =	swait.ge @!p0 [sflag:s8], $0x0  }
0x24: {  	s3 =	sadd.s32 $0x88, s3;
	s6 =	simm.s32 @!p1 $0x1082;
	[sflag:s4] =	ssyncset.s32 $0xFFFFF086  }
0x25: {  	[simem:s6], [sflag:s4] =	dma.local [hbm:s3], $0xF7A  }
0x26: {  	[smem:$0x3F99] =	sst s1;
	(tag) =	ssettag s2;
	_ =	strace s9  }
0x27: {  	s1 =	sld [smem:$0x3FA9]  }
0x28: {  	s2 =	sld [smem:$0x3FAA]  }
0x29: {  	s4 =	sld [smem:$0x3FAC]  }
0x2a: {  	p0 =	seq.s32 s5, $0x0;
	s5 =	sld [smem:$0x3FAD]  }
0x2b: {  	s6 =	sld [smem:$0x3FAE]  }
0x2c: {  	s7 =	sld [smem:$0x3FAF]  }
0x2d: {  	s3 =	simm.s32 $0x108;
	s8 =	sld [smem:$0x3FB0]  }
0x2e: {  	s3 =	simm.s32 @!p0 $0x1082;
	s9 =	sld [smem:$0x3FB1]  }
0x2f: {  	lr =	sadd.s32 s0, s3;
	s0 =	sld [smem:$0x3FA8]  }
0x30: {  	s3 =	sld [smem:$0x3FAB]  }
0x31: {  	[smem:$0x3FB4] =	sst s10  }
0x32: {  	s10 =	sld [smem:$0x3FB2];
	_ =	sdelay $0x3  }
0x33: {  	p0 =	seq.s32 s10, $0x1;
	s10 =	sld [smem:$0x3FB4];
	_ =	sdelay $0x3  }
0x34: {  	[smem:$0x3FB4] =	sst s10  }
0x35: {  	s10 =	sld [smem:$0x3FB3];
	_ =	sdelay $0x3  }
0x36: {  	p1 =	seq.s32 s10, $0x1;
	s10 =	sld [smem:$0x3FB4];
	_ =	sdelay $0x3  }
0x37: {  	[smem:$0x3FB4] =	sst s10  }
0x38: {  	s10 =	sld [smem:$0x3FB5]  }
0x39: {  	_ = 	snop;
	(pc) =	sbr.ind lr, $3  }
0x3a: {  	_ = 	snop  }
0x3b: {  	_ = 	snop  }
0x3c: {  	p2 =	seq.s32 s10, $0x1;
	s10 =	sld [smem:$0x3FB4]  }
0x3d: {  	_ =	shalt  }
0x3e: {  	_ =	shalt  }
0x3f: {  	_ =	shalt  }
0x40: {  	_ =	shalt  }
0x41: {  	_ =	shalt  }
0x42: {  	_ =	shalt  }
0x43: {  	_ =	shalt  }
0x44: {  	_ =	shalt  }
0x45: {  	_ =	shalt  }
0x46: {  	_ =	shalt  }
0x47: {  	_ =	shalt  }
0x48: {  	_ =	shalt  }
0x49: {  	_ =	shalt  }
0x4a: {  	_ =	shalt  }
0x4b: {  	_ =	shalt  }
0x4c: {  	_ =	shalt  }
0x4d: {  	_ =	shalt  }
0x4e: {  	_ =	shalt  }
0x4f: {  	_ =	shalt  }
0x50: {  	_ =	shalt  }
0x51: {  	_ =	shalt  }
0x52: {  	_ =	shalt  }
0x53: {  	_ =	shalt  }
0x54: {  	_ =	shalt  }
0x55: {  	_ =	shalt  }
0x56: {  	_ =	shalt  }
0x57: {  	_ =	shalt  }
0x58: {  	_ =	shalt  }
0x59: {  	_ =	shalt  }
0x5a: {  	_ =	shalt  }
0x5b: {  	_ =	shalt  }
0x5c: {  	_ =	shalt  }
0x5d: {  	_ =	shalt  }
0x5e: {  	_ =	shalt  }
0x5f: {  	_ =	shalt  }
0x60: {  	_ =	shalt  }
0x61: {  	_ =	shalt  }
0x62: {  	_ =	shalt  }
0x63: {  	_ =	shalt  }
0x64: {  	_ =	shalt  }
0x65: {  	_ =	shalt  }
0x66: {  	_ =	shalt  }
0x67: {  	_ =	shalt  }
0x68: {  	_ =	shalt  }
0x69: {  	_ =	shalt  }
0x6a: {  	_ =	shalt  }
0x6b: {  	_ =	shalt  }
0x6c: {  	_ =	shalt  }
0x6d: {  	_ =	shalt  }
0x6e: {  	_ =	shalt  }
0x6f: {  	_ =	shalt  }
0x70: {  	_ =	shalt  }
0x71: {  	_ =	shalt  }
0x72: {  	_ =	shalt  }
0x73: {  	_ =	shalt  }
0x74: {  	_ =	shalt  }
0x75: {  	_ =	shalt  }
0x76: {  	_ =	shalt  }
0x77: {  	_ =	shalt  }
0x78: {  	_ =	shalt  }
0x79: {  	_ =	shalt  }
0x7a: {  	_ =	shalt  }
0x7b: {  	_ =	shalt  }
0x7c: {  	_ =	shalt  }
0x7d: {  	_ =	shalt  }
0x7e: {  	_ =	shalt  }
0x7f: {  	_ =	shalt  }
0x80: {  	_ =	shalt  }
0x81: {  	_ =	shalt  }
0x82: {  	_ =	shalt  }
0x83: {  	_ =	shalt  }
0x84: {  	_ =	shalt  }
0x85: {  	_ =	shalt  }
0x86: {  	_ =	shalt  }
0x87: {  	_ =	shalt  }
.Lfunc_end0:
.L_simem_size_0:
called_computation_lowered:
.L_overlay_start_0:
0x88: {  	s2 =	sld [smem:$0x3FD9]  }
0x89: {  	s3 =	sld [smem:$0x3FFE];
	_ =	sdelay $0x1  }
0x8a: {  	s1 =	srdreg.scid  }
0x8b: {  	s0 =	sand.u32 $0x1, s1  }
0x8c: {  	s17 =	sshll.u32 s0, $0xA;
	s2 =	sadd.s32 s3, s2  }
0x8d: {  	s2 =	sadd.s32 s2, s17  }
0x8e: {  	[smem:$0x3FC0] =	sst s2  }
0x8f: {  	_ = 	snop  }
0x90: {  	s2 =	sld [smem:$0x3FD0];
	(tm) =	ssettm $0x1  }
0x91: {  	s18 =	sld [smem:$0x3FFB];
	_ =	sdelay $0x3  }
0x92: {  	_ =	strace s18  }
0x93: {  	s3 =	sld [smem:$0x3FFC];
	_ =	sdelay $0x3  }
0x94: {  	_ =	strace s3  }
0x95: {  	s3 =	sld [smem:$0x3FFD];
	_ =	sdelay $0x3  }
0x96: {  	_ =	strace s3  }
0x97: {  	_ =	strace $0x8FFFFFFF  }
0x98: {  	s19 =	sld [smem:$0x3FDB];
	_ =	sdelay $0x1  }
0x99: {  	s4 =	simm.s32 $_scs_section_size  }
0x9a: {  	s5 =	simm.s32 $_size__tile_overlayer_lowered;
	s6 =	simm.s32 $_tile_overlayer_lowered  }
0x9b: {  	s22 =	simm.s32 $0x1BFF;
	s21 =	sshll.u32 s6, $0x1;
	s3 =	sadd.s32 s4, s19  }
0x9c: {  	s7 =	simm.s32 $0x0;
	s20 =	sshll.u32 s5, $0x1;
	s5 =	sadd.s32 s21, s3  }
0x9d: {  	[timem:s7], [sflag:s22] =	dma.local [hbm:s5], s20  }
0x9e: {  	_ =	swait.ge [sflag:s22], s20  }
0x9f: {  	s4 =	ssub.s32 $0x0, s20;
	[sflag:s22] =	ssyncset.done $0x0  }
0xa0: {  	[sflag:s22] =	ssyncadd.s32 s4;
	_ =	sdelay $0x1  }
0xa1: {  	s23 =	simm.s32 $0x1B8B  }
0xa2: {  	_ =	swait.ge [sflag:s23], $0x1  }
0xa3: {  	[sflag:s23] =	ssyncset.done $0x0  }
0xa4: {  	s25 =	simm.s32 $0x1B8E;
	s24 =	sld [smem:$0x3FFE];
	[sflag:s23] =	ssyncadd.s32 $0xFFFFFFFF  }
0xa5: {  	s26 =	simm.s32 $execute0_lowered;
	[smem:$0x3FD2] =	sst s25  }
0xa6: {  	s5 =	sshll.u32 s26, $0x1;
	_ =	strace $0x80000046;
	[dreg:$0x1] =	wrdreg $0xFFFFFFFF  }
0xa7: {  	s28 =	simm.s32 $_size_execute0_lowered;
	s3 =	sadd.s32 s3, s5;
	[dreg:$0x0] =	wrdreg $0x0  }
0xa8: {  	s5 =	sshll.u32 s28, $0x1;
	[dreg:$0x2] =	wrdreg s3  }
0xa9: {  	[dreg:$0x3] =	wrdreg s5  }
0xaa: {  	[dreg:$0x4] =	wrdreg $0xC0  }
0xab: {  	_ =	task [dreg:s7], $0x5FFFF  }
0xac: {  	[dreg:$0x1] =	wrdreg $0xFFFFFFFF  }
0xad: {  	[dreg:$0x0] =	wrdreg $0x60  }
0xae: {  	[dreg:$0x2] =	wrdreg s2  }
0xaf: {  	[dreg:$0x3] =	wrdreg s24  }
0xb0: {  	[dreg:$0x4] =	wrdreg $0x50000  }
0xb1: {  	[dreg:$0x5] =	wrdreg $0x9  }
0xb2: {  	_ =	task.clear_ibuf [dreg:s7], $0x6FFFF;
	_ =	strace $0x90000046  }
0xb3: {  	s29 =	simm.s32 $0x9;
	_ =	strace $0x80000048  }
0xb4: {  	_ =	swait.ge [sflag:s29], $0x1  }
0xb5: {  	[sflag:s29] =	ssyncadd.s32 $0xFFFFFFFF  }
0xb6: {  	_ =	strace $0x90000048  }
0xb7: {  	_ =	sfence  }
0xb8: {  	s30 =	sld [smem:$0x0];
	_ =	sdelay $0x2  }
0xb9: {  	s31 =	sshll.u32 s1, $0xD;
	s1 =	sshrl.u32 s1, $0x2  }
0xba: {  	s3 =	sand.u32 $0x4000, s31;
	s1 =	sadd.s32 s1, s30  }
0xbb: {  	s0 =	sor.u32 s3, s0;
	s1 =	sshll.u32 s1, $0x11  }
0xbc: {  	s0 =	sor.u32 s1, s0  }
0xbd: {  	s0 =	sadd.s32 $0x8F2B, s0  }
0xbe: {  	[sflag:s0] =	ssyncadd.remote.s32 $0x1  }
0xbf: {  	_ =	sfence.sel $0xFFFF  }
0xc0: {  	[dreg:$0x0] =	wrdreg $0xFFFFFFFF;
	(pc) =	sbr.abs _section_cstart, $3  }
0xc1: {  	[dreg:$0x1] =	wrdreg $0xFFFFFFFF  }
0xc2: {  	_ =	task.clear_ibuf [dreg:s7], $0x2FFFF;
	_ =	strace $0x9FFFFFFF  }
0xc3: {  	(tm) =	ssettm $0x7FFFFFFF  }
tec
execute0_lowered:
.L_overlay_start_1:
0x0: {  	(tag) =	ssettag $0x1  }
0x1: {  	s0 =	rddreg [dreg:$0x0]  }
0x2: {  	s1 =	rddreg [dreg:$0x1]  }
0x3: {  	s2 =	rddreg [dreg:$0x2]  }
0x4: {  	s3 =	srdreg.scid;
	s9 =	stileid.u32  }
0x5: {  	s6 =	simm.s32 $0x0;
	s28 =	simm.s32 $0x4D80;
	s29 =	simm.s32 $0x100  }
0x6: {  	s30 =	simm.s32 $0x0;
	s3 =	sand.u32 $0x1, s3;
	s4 =	smul.u32 $0x500, s9  }
0x7: {  	[smem:$0x7FF] =	sst s6;
	s23 =	sshrl.u32 s9, $0x3;
	s7 =	sshll.u32 s9, $0x7  }
0x8: {  	s5 =	sshll.u32 s3, $0x4;
	s22 =	sshll.u32 s3, $0x7;
	_ =	strace $0x80000047  }
0x9: {  	s3 =	ssub.s32 $0x2, s3;
	s6 =	smul.u32 $0x50000, s23;
	s7 =	sand.u32 $0x380, s7  }
0xa: {  	s23 =	simm.s32 $0x80;
	s5 =	sor.u32 s9, s5;
	s4 =	sor.u32 s22, s4  }
0xb: {  	s8 =	sshrl.u32 s3, $0x1;
	s9 =	smul.u32 $0x5000, s9;
	s5 =	sshrl.u32 s5, $0x3  }
0xc: {  	s4 =	sshrl.u32 s4, $0x3;
	s22 =	ssub.s32 s3, s8;
	s25 =	sshrl.u32 s6, $0x2  }
0xd: {  	s5 =	smul.u32 $0x14000, s5;
	s1 =	sadd.s32 s4, s1;
	s26 =	sshrl.u32 s9, $0x2  }
0xe: {  	s31 =	sadd.s32 s25, s2;
	s22 =	smax.u32 s22, $0x1;
	s25 =	simm.s32 $0x1  }
0xf: {  	s4 =	sadd.s32 s26, s2;
	s21 =	sadd.s32 $0xC800, s1;
	s26 =	simm.s32 $0x2800  }
0x10: {  	s2 =	simm.s32 $0x4B00;
	s24 =	sor.u32 s7, s5;
	s5 =	sadd.s32 s7, s31  }
0x11: {  	v0 =	vimm.f32 $0.0e+00;
	s6 =	sadd.s32 $0x80, s4;
	s7 =	sadd.s32 $0x100, s4;
	s8 =	sadd.s32 $0x180, s4  }
0x12: {  	vm0 =	vcmask $0x704;
	vm1 =	vcmask $0xB08;
	vm14 =	vcmask $0x3F3C;
	s9 =	sadd.s32 $0x200, s4;
	s10 =	sadd.s32 $0x280, s4;
	s11 =	sadd.s32 $0x300, s4  }
0x13: {  	vm2 =	vcmask $0xF0C;
	vm3 =	vcmask $0x1310;
	vm4 =	vcmask $0x1714;
	s12 =	sadd.s32 $0x380, s4;
	s13 =	sadd.s32 $0x14000, s4;
	s14 =	sadd.s32 $0x14080, s4  }
0x14: {  	vm5 =	vcmask $0x1B18;
	vm6 =	vcmask $0x1F1C;
	vm7 =	vcmask $0x2320;
	s15 =	sadd.s32 $0x14100, s4;
	s16 =	sadd.s32 $0x14180, s4;
	s17 =	sadd.s32 $0x14200, s4  }
0x15: {  	vm8 =	vcmask $0x2724;
	vm9 =	vcmask $0x2B28;
	vm10 =	vcmask $0x2F2C;
	s18 =	sadd.s32 $0x14280, s4;
	s19 =	sadd.s32 $0x14300, s4;
	s3 =	sshrl.u32 s24, $0x3  }
0x16: {  	vm11 =	vcmask $0x3330;
	vm12 =	vcmask $0x3734;
	vm13 =	vcmask $0x3B38;
	s20 =	sadd.s32 $0x14380, s4;
	s24 =	simm.s32 $0x400;
	s3 =	sadd.s32 s0, s3  }
.LBB2_1:
0x17: {  	s0 =	simm.s32 $0x0  }
0x18: {  	[tilespmem:s0], [sflag:$0x1] =	stream.strided.gather [hbm4b:s3+s23], $0x2800, s24, s23, $0x38;
	[tilespmem:$0x7800] =	vst v63  }
0x19: {  	_ =	swait.ge [sflag:s25], $0x2800  }
0x1a: {  	[sflag:s25] =	ssyncset.done $0x0  }
0x1b: {  	s0 =	simm.s32 $0x0;
	[sflag:s25] =	ssyncadd.s32 $0xFFFFD800  }
.LBB2_2:
0x1c: {  	p0 =	sne.s32 s0, $0x9FC0  }
.Ltmp0:
0x1d: {  	_ = 	snop;
	(pc) =	sbr.rel @p0 .LBB2_2-.Ltmp0, $3  }
0x1e: {  	_ =	sdelay $0x1  }
0x1f: {  	s1 =	sshra.s32 s0, $0x2  }
0x20: {  	s0 =	sadd.s32 $0x40, s0;
	[tilespmem:s1+$0x2800] =	vst v0  }
0x21: {  	s0 =	simm.s32 $0x0  }
0x22: {  	v1 =	vld [tilespmem:s0+$0x0];
	_ =	sdelay $0x7  }
0x23: {  	v2 =	vld.idx.msk [tilespmem:v1+s26+$0x0], $0x1;
	_ =	sdelay $0x4  }
0x24: {  	v2 =	vadd.f32 $1.000000000e+00, v2;
	_ =	sdelay $0x1  }
0x25: {  	[tilespmem:v1+s26+$0x0] =	vst.idx.msk $0x1, v2  }
0x26: {  	v2 =	vld.idx.msk [tilespmem:v1+s26+$0x0], vm0;
	_ =	sdelay $0x4  }
0x27: {  	v2 =	vadd.f32 $1.000000000e+00, v2;
	_ =	sdelay $0x1  }
0x28: {  	[tilespmem:v1+s26+$0x0] =	vst.idx.msk vm0, v2  }
0x29: {  	v2 =	vld.idx.msk [tilespmem:v1+s26+$0x0], vm1;
	_ =	sdelay $0x4  }
0x2a: {  	v2 =	vadd.f32 $1.000000000e+00, v2;
	_ =	sdelay $0x1  }
0x2b: {  	[tilespmem:v1+s26+$0x0] =	vst.idx.msk vm1, v2  }
0x2c: {  	v2 =	vld.idx.msk [tilespmem:v1+s26+$0x0], vm2;
	_ =	sdelay $0x4  }
0x2d: {  	v2 =	vadd.f32 $1.000000000e+00, v2;
	_ =	sdelay $0x1  }
0x2e: {  	[tilespmem:v1+s26+$0x0] =	vst.idx.msk vm2, v2  }
0x2f: {  	v2 =	vld.idx.msk [tilespmem:v1+s26+$0x0], vm3;
	_ =	sdelay $0x4  }
0x30: {  	v2 =	vadd.f32 $1.000000000e+00, v2;
	_ =	sdelay $0x1  }
0x31: {  	[tilespmem:v1+s26+$0x0] =	vst.idx.msk vm3, v2  }
0x32: {  	v2 =	vld.idx.msk [tilespmem:v1+s26+$0x0], vm4;
	_ =	sdelay $0x4  }
0x33: {  	v2 =	vadd.f32 $1.000000000e+00, v2;
	_ =	sdelay $0x1  }
0x34: {  	[tilespmem:v1+s26+$0x0] =	vst.idx.msk vm4, v2  }
0x35: {  	v2 =	vld.idx.msk [tilespmem:v1+s26+$0x0], vm5;
	_ =	sdelay $0x4  }
0x36: {  	v2 =	vadd.f32 $1.000000000e+00, v2;
	_ =	sdelay $0x1  }
0x37: {  	[tilespmem:v1+s26+$0x0] =	vst.idx.msk vm5, v2  }
0x38: {  	v2 =	vld.idx.msk [tilespmem:v1+s26+$0x0], vm6;
	_ =	sdelay $0x4  }
0x39: {  	v2 =	vadd.f32 $1.000000000e+00, v2;
	_ =	sdelay $0x1  }
0x3a: {  	[tilespmem:v1+s26+$0x0] =	vst.idx.msk vm6, v2  }
0x3b: {  	v2 =	vld.idx.msk [tilespmem:v1+s26+$0x0], vm7;
	_ =	sdelay $0x4  }
0x3c: {  	v2 =	vadd.f32 $1.000000000e+00, v2;
	_ =	sdelay $0x1  }
0x3d: {  	[tilespmem:v1+s26+$0x0] =	vst.idx.msk vm7, v2  }
0x3e: {  	v2 =	vld.idx.msk [tilespmem:v1+s26+$0x0], vm8;
	_ =	sdelay $0x4  }
0x3f: {  	v2 =	vadd.f32 $1.000000000e+00, v2;
	_ =	sdelay $0x1  }
0x40: {  	[tilespmem:v1+s26+$0x0] =	vst.idx.msk vm8, v2  }
0x41: {  	v2 =	vld.idx.msk [tilespmem:v1+s26+$0x0], vm9;
	_ =	sdelay $0x4  }
0x42: {  	v2 =	vadd.f32 $1.000000000e+00, v2;
	_ =	sdelay $0x1  }
0x43: {  	[tilespmem:v1+s26+$0x0] =	vst.idx.msk vm9, v2  }
0x44: {  	v2 =	vld.idx.msk [tilespmem:v1+s26+$0x0], vm10;
	_ =	sdelay $0x4  }
0x45: {  	v2 =	vadd.f32 $1.000000000e+00, v2;
	_ =	sdelay $0x1  }
0x46: {  	[tilespmem:v1+s26+$0x0] =	vst.idx.msk vm10, v2  }
0x47: {  	v2 =	vld.idx.msk [tilespmem:v1+s26+$0x0], vm11;
	_ =	sdelay $0x4  }
0x48: {  	v2 =	vadd.f32 $1.000000000e+00, v2;
	_ =	sdelay $0x1  }
0x49: {  	[tilespmem:v1+s26+$0x0] =	vst.idx.msk vm11, v2  }
0x4a: {  	v2 =	vld.idx.msk [tilespmem:v1+s26+$0x0], vm12;
	_ =	sdelay $0x4  }
0x4b: {  	v2 =	vadd.f32 $1.000000000e+00, v2;
	_ =	sdelay $0x1  }
0x4c: {  	[tilespmem:v1+s26+$0x0] =	vst.idx.msk vm12, v2  }
0x4d: {  	v2 =	vld.idx.msk [tilespmem:v1+s26+$0x0], vm13;
	_ =	sdelay $0x4  }
0x4e: {  	v2 =	vadd.f32 $1.000000000e+00, v2;
	_ =	sdelay $0x1  }
0x4f: {  	[tilespmem:v1+s26+$0x0] =	vst.idx.msk vm13, v2  }
0x50: {  	v2 =	vld.idx.msk [tilespmem:v1+s26+$0x0], vm14;
	_ =	sdelay $0x4  }
0x51: {  	s31 =	simm.s32 $0x40;
	s0 =	simm.s32 $0x80;
	v2 =	vadd.f32 $1.000000000e+00, v2  }
.LBB2_4:
0x52: {  	p0 =	sne.s32 s0, $0x9FC0  }
0x53: {  	s1 =	sshra.s32 s31, $0x2;
	s31 =	smov.u32 s0;
	s0 =	sadd.s32 $0x40, s0;
	[tilespmem:v1+s26+$0x0] =	vst.idx.msk vm14, v2  }
0x54: {  	v1 =	vld [tilespmem:s1+$0x0];
	_ =	sdelay $0x7  }
0x55: {  	v2 =	vld.idx.msk [tilespmem:v1+s26+$0x0], $0x1;
	_ =	sdelay $0x5  }
0x56: {  	v2 =	vadd.f32 $1.000000000e+00, v2;
	_ =	sdelay $0x1  }
0x57: {  	[tilespmem:v1+s26+$0x0] =	vst.idx.msk $0x1, v2  }
0x58: {  	v2 =	vld.idx.msk [tilespmem:v1+s26+$0x0], vm0;
	_ =	sdelay $0x5  }
0x59: {  	v2 =	vadd.f32 $1.000000000e+00, v2;
	_ =	sdelay $0x1  }
0x5a: {  	[tilespmem:v1+s26+$0x0] =	vst.idx.msk vm0, v2  }
0x5b: {  	v2 =	vld.idx.msk [tilespmem:v1+s26+$0x0], vm1;
	_ =	sdelay $0x5  }
0x5c: {  	v2 =	vadd.f32 $1.000000000e+00, v2;
	_ =	sdelay $0x1  }
0x5d: {  	[tilespmem:v1+s26+$0x0] =	vst.idx.msk vm1, v2  }
0x5e: {  	v2 =	vld.idx.msk [tilespmem:v1+s26+$0x0], vm2;
	_ =	sdelay $0x5  }
0x5f: {  	v2 =	vadd.f32 $1.000000000e+00, v2;
	_ =	sdelay $0x1  }
0x60: {  	[tilespmem:v1+s26+$0x0] =	vst.idx.msk vm2, v2  }
0x61: {  	v2 =	vld.idx.msk [tilespmem:v1+s26+$0x0], vm3;
	_ =	sdelay $0x5  }
0x62: {  	v2 =	vadd.f32 $1.000000000e+00, v2;
	_ =	sdelay $0x1  }
0x63: {  	[tilespmem:v1+s26+$0x0] =	vst.idx.msk vm3, v2  }
0x64: {  	v2 =	vld.idx.msk [tilespmem:v1+s26+$0x0], vm4;
	_ =	sdelay $0x5  }
0x65: {  	v2 =	vadd.f32 $1.000000000e+00, v2;
	_ =	sdelay $0x1  }
0x66: {  	[tilespmem:v1+s26+$0x0] =	vst.idx.msk vm4, v2  }
0x67: {  	v2 =	vld.idx.msk [tilespmem:v1+s26+$0x0], vm5;
	_ =	sdelay $0x5  }
0x68: {  	v2 =	vadd.f32 $1.000000000e+00, v2;
	_ =	sdelay $0x1  }
0x69: {  	[tilespmem:v1+s26+$0x0] =	vst.idx.msk vm5, v2  }
0x6a: {  	v2 =	vld.idx.msk [tilespmem:v1+s26+$0x0], vm6;
	_ =	sdelay $0x5  }
0x6b: {  	v2 =	vadd.f32 $1.000000000e+00, v2;
	_ =	sdelay $0x1  }
0x6c: {  	[tilespmem:v1+s26+$0x0] =	vst.idx.msk vm6, v2  }
0x6d: {  	v2 =	vld.idx.msk [tilespmem:v1+s26+$0x0], vm7;
	_ =	sdelay $0x5  }
0x6e: {  	v2 =	vadd.f32 $1.000000000e+00, v2;
	_ =	sdelay $0x1  }
0x6f: {  	[tilespmem:v1+s26+$0x0] =	vst.idx.msk vm7, v2  }
0x70: {  	v2 =	vld.idx.msk [tilespmem:v1+s26+$0x0], vm8;
	_ =	sdelay $0x5  }
0x71: {  	v2 =	vadd.f32 $1.000000000e+00, v2;
	_ =	sdelay $0x1  }
0x72: {  	[tilespmem:v1+s26+$0x0] =	vst.idx.msk vm8, v2  }
0x73: {  	v2 =	vld.idx.msk [tilespmem:v1+s26+$0x0], vm9;
	_ =	sdelay $0x5  }
0x74: {  	v2 =	vadd.f32 $1.000000000e+00, v2;
	_ =	sdelay $0x1  }
0x75: {  	[tilespmem:v1+s26+$0x0] =	vst.idx.msk vm9, v2  }
0x76: {  	v2 =	vld.idx.msk [tilespmem:v1+s26+$0x0], vm10;
	_ =	sdelay $0x5  }
0x77: {  	v2 =	vadd.f32 $1.000000000e+00, v2;
	_ =	sdelay $0x1  }
0x78: {  	[tilespmem:v1+s26+$0x0] =	vst.idx.msk vm10, v2  }
0x79: {  	v2 =	vld.idx.msk [tilespmem:v1+s26+$0x0], vm11;
	_ =	sdelay $0x5  }
0x7a: {  	v2 =	vadd.f32 $1.000000000e+00, v2;
	_ =	sdelay $0x1  }
0x7b: {  	[tilespmem:v1+s26+$0x0] =	vst.idx.msk vm11, v2  }
0x7c: {  	v2 =	vld.idx.msk [tilespmem:v1+s26+$0x0], vm12;
	_ =	sdelay $0x5  }
0x7d: {  	v2 =	vadd.f32 $1.000000000e+00, v2;
	_ =	sdelay $0x1  }
0x7e: {  	[tilespmem:v1+s26+$0x0] =	vst.idx.msk vm12, v2  }
0x7f: {  	v2 =	vld.idx.msk [tilespmem:v1+s26+$0x0], vm13;
	_ =	sdelay $0x5  }
0x80: {  	v2 =	vadd.f32 $1.000000000e+00, v2;
	_ =	sdelay $0x1  }
0x81: {  	[tilespmem:v1+s26+$0x0] =	vst.idx.msk vm13, v2  }
0x82: {  	v2 =	vld.idx.msk [tilespmem:v1+s26+$0x0], vm14;
	_ =	sdelay $0x1  }
.Ltmp1:
0x83: {  	(pc) =	sbr.rel @p0 .LBB2_4-.Ltmp1, $2  }
0x84: {  	_ =	sdelay $0x2  }
0x85: {  	v2 =	vadd.f32 $1.000000000e+00, v2  }
0x86: {  	_ =	sdelay $0x4  }
0x87: {  	s0 =	sshra.s32 s31, $0x2;
	[tilespmem:v1+s26+$0x0] =	vst.idx.msk vm14, v2  }
0x88: {  	v1 =	vld [tilespmem:s0+$0x0];
	_ =	sdelay $0x7  }
0x89: {  	v2 =	vld.idx.msk [tilespmem:v1+s26+$0x0], $0x1;
	_ =	sdelay $0x4  }
0x8a: {  	v2 =	vadd.f32 $1.000000000e+00, v2;
	_ =	sdelay $0x1  }
0x8b: {  	[tilespmem:v1+s26+$0x0] =	vst.idx.msk $0x1, v2  }
0x8c: {  	v2 =	vld.idx.msk [tilespmem:v1+s26+$0x0], vm0;
	_ =	sdelay $0x4  }
0x8d: {  	v2 =	vadd.f32 $1.000000000e+00, v2;
	_ =	sdelay $0x1  }
0x8e: {  	[tilespmem:v1+s26+$0x0] =	vst.idx.msk vm0, v2  }
0x8f: {  	v2 =	vld.idx.msk [tilespmem:v1+s26+$0x0], vm1;
	_ =	sdelay $0x4  }
0x90: {  	v2 =	vadd.f32 $1.000000000e+00, v2;
	_ =	sdelay $0x1  }
0x91: {  	[tilespmem:v1+s26+$0x0] =	vst.idx.msk vm1, v2  }
0x92: {  	v2 =	vld.idx.msk [tilespmem:v1+s26+$0x0], vm2;
	_ =	sdelay $0x4  }
0x93: {  	v2 =	vadd.f32 $1.000000000e+00, v2;
	_ =	sdelay $0x1  }
0x94: {  	[tilespmem:v1+s26+$0x0] =	vst.idx.msk vm2, v2  }
0x95: {  	v2 =	vld.idx.msk [tilespmem:v1+s26+$0x0], vm3;
	_ =	sdelay $0x4  }
0x96: {  	v2 =	vadd.f32 $1.000000000e+00, v2;
	_ =	sdelay $0x1  }
0x97: {  	[tilespmem:v1+s26+$0x0] =	vst.idx.msk vm3, v2  }
0x98: {  	v2 =	vld.idx.msk [tilespmem:v1+s26+$0x0], vm4;
	_ =	sdelay $0x4  }
0x99: {  	v2 =	vadd.f32 $1.000000000e+00, v2;
	_ =	sdelay $0x1  }
0x9a: {  	[tilespmem:v1+s26+$0x0] =	vst.idx.msk vm4, v2  }
0x9b: {  	v2 =	vld.idx.msk [tilespmem:v1+s26+$0x0], vm5;
	_ =	sdelay $0x4  }
0x9c: {  	v2 =	vadd.f32 $1.000000000e+00, v2;
	_ =	sdelay $0x1  }
0x9d: {  	[tilespmem:v1+s26+$0x0] =	vst.idx.msk vm5, v2  }
0x9e: {  	v2 =	vld.idx.msk [tilespmem:v1+s26+$0x0], vm6;
	_ =	sdelay $0x4  }
0x9f: {  	v2 =	vadd.f32 $1.000000000e+00, v2;
	_ =	sdelay $0x1  }
0xa0: {  	[tilespmem:v1+s26+$0x0] =	vst.idx.msk vm6, v2  }
0xa1: {  	v2 =	vld.idx.msk [tilespmem:v1+s26+$0x0], vm7;
	_ =	sdelay $0x4  }
0xa2: {  	v2 =	vadd.f32 $1.000000000e+00, v2;
	_ =	sdelay $0x1  }
0xa3: {  	[tilespmem:v1+s26+$0x0] =	vst.idx.msk vm7, v2  }
0xa4: {  	v2 =	vld.idx.msk [tilespmem:v1+s26+$0x0], vm8;
	_ =	sdelay $0x4  }
0xa5: {  	v2 =	vadd.f32 $1.000000000e+00, v2;
	_ =	sdelay $0x1  }
0xa6: {  	[tilespmem:v1+s26+$0x0] =	vst.idx.msk vm8, v2  }
0xa7: {  	v2 =	vld.idx.msk [tilespmem:v1+s26+$0x0], vm9;
	_ =	sdelay $0x4  }
0xa8: {  	v2 =	vadd.f32 $1.000000000e+00, v2;
	_ =	sdelay $0x1  }
0xa9: {  	[tilespmem:v1+s26+$0x0] =	vst.idx.msk vm9, v2  }
0xaa: {  	v2 =	vld.idx.msk [tilespmem:v1+s26+$0x0], vm10;
	_ =	sdelay $0x4  }
0xab: {  	v2 =	vadd.f32 $1.000000000e+00, v2;
	_ =	sdelay $0x1  }
0xac: {  	[tilespmem:v1+s26+$0x0] =	vst.idx.msk vm10, v2  }
0xad: {  	v2 =	vld.idx.msk [tilespmem:v1+s26+$0x0], vm11;
	_ =	sdelay $0x4  }
0xae: {  	v2 =	vadd.f32 $1.000000000e+00, v2;
	_ =	sdelay $0x1  }
0xaf: {  	[tilespmem:v1+s26+$0x0] =	vst.idx.msk vm11, v2  }
0xb0: {  	v2 =	vld.idx.msk [tilespmem:v1+s26+$0x0], vm12;
	_ =	sdelay $0x4  }
0xb1: {  	v2 =	vadd.f32 $1.000000000e+00, v2;
	_ =	sdelay $0x1  }
0xb2: {  	[tilespmem:v1+s26+$0x0] =	vst.idx.msk vm12, v2  }
0xb3: {  	v2 =	vld.idx.msk [tilespmem:v1+s26+$0x0], vm13;
	_ =	sdelay $0x4  }
0xb4: {  	v2 =	vadd.f32 $1.000000000e+00, v2;
	_ =	sdelay $0x1  }
0xb5: {  	[tilespmem:v1+s26+$0x0] =	vst.idx.msk vm13, v2  }
0xb6: {  	v2 =	vld.idx.msk [tilespmem:v1+s26+$0x0], vm14;
	_ =	sdelay $0x4  }
0xb7: {  	v2 =	vadd.f32 $1.000000000e+00, v2;
	_ =	sdelay $0x1  }
0xb8: {  	s0 =	simm.s32 $0x2800;
	[tilespmem:v1+s26+$0x0] =	vst.idx.msk vm14, v2  }
0xb9: {  	[spmem:s5] =	stream.strided.scatter [tilespmem:s0], [sflag:$0x1], $0x2800, s24, s23, $0x38;
	[tilespmem:$0x7800] =	vst v63  }
0xba: {  	_ =	swait.ge [sflag:s25], $0x2800  }
0xbb: {  	[sflag:s25] =	ssyncset.done $0x0  }
0xbc: {  	[sflag:s25] =	ssyncadd.s32 $0xFFFFD800  }
0xbd: {  	[bflag:$0x0] =	sbarrier.arrive $0xFFFF  }
0xbe: {  	[tilespmem:s0], [sflag:$0x1] =	stream.strided.gather [spmem:s4], $0x280, s24, s23, $0x38;
	[tilespmem:$0x7800] =	vst v63  }
0xbf: {  	_ =	swait.ge [sflag:s25], $0x280  }
0xc0: {  	[sflag:s25] =	ssyncset.done $0x0  }
0xc1: {  	s1 =	simm.s32 $0x2A80;
	[sflag:s25] =	ssyncadd.s32 $0xFFFFFD80  }
0xc2: {  	[tilespmem:s1], [sflag:$0x1] =	stream.strided.gather [spmem:s6], $0x280, s24, s23, $0x38;
	[tilespmem:$0x7800] =	vst v63  }
0xc3: {  	_ =	swait.ge [sflag:s25], $0x280  }
0xc4: {  	[sflag:s25] =	ssyncset.done $0x0  }
0xc5: {  	s1 =	simm.s32 $0x2D00;
	[sflag:s25] =	ssyncadd.s32 $0xFFFFFD80  }
0xc6: {  	[tilespmem:s1], [sflag:$0x1] =	stream.strided.gather [spmem:s7], $0x280, s24, s23, $0x38;
	[tilespmem:$0x7800] =	vst v63  }
0xc7: {  	_ =	swait.ge [sflag:s25], $0x280  }
0xc8: {  	[sflag:s25] =	ssyncset.done $0x0  }
0xc9: {  	s1 =	simm.s32 $0x2F80;
	[sflag:s25] =	ssyncadd.s32 $0xFFFFFD80  }
0xca: {  	[tilespmem:s1], [sflag:$0x1] =	stream.strided.gather [spmem:s8], $0x280, s24, s23, $0x38;
	[tilespmem:$0x7800] =	vst v63  }
0xcb: {  	_ =	swait.ge [sflag:s25], $0x280  }
0xcc: {  	[sflag:s25] =	ssyncset.done $0x0  }
0xcd: {  	s1 =	simm.s32 $0x3200;
	[sflag:s25] =	ssyncadd.s32 $0xFFFFFD80  }
0xce: {  	[tilespmem:s1], [sflag:$0x1] =	stream.strided.gather [spmem:s9], $0x280, s24, s23, $0x38;
	[tilespmem:$0x7800] =	vst v63  }
0xcf: {  	_ =	swait.ge [sflag:s25], $0x280  }
0xd0: {  	[sflag:s25] =	ssyncset.done $0x0  }
0xd1: {  	s1 =	simm.s32 $0x3480;
	[sflag:s25] =	ssyncadd.s32 $0xFFFFFD80  }
0xd2: {  	[tilespmem:s1], [sflag:$0x1] =	stream.strided.gather [spmem:s10], $0x280, s24, s23, $0x38;
	[tilespmem:$0x7800] =	vst v63  }
0xd3: {  	_ =	swait.ge [sflag:s25], $0x280  }
0xd4: {  	[sflag:s25] =	ssyncset.done $0x0  }
0xd5: {  	s1 =	simm.s32 $0x3700;
	[sflag:s25] =	ssyncadd.s32 $0xFFFFFD80  }
0xd6: {  	[tilespmem:s1], [sflag:$0x1] =	stream.strided.gather [spmem:s11], $0x280, s24, s23, $0x38;
	[tilespmem:$0x7800] =	vst v63  }
0xd7: {  	_ =	swait.ge [sflag:s25], $0x280  }
0xd8: {  	[sflag:s25] =	ssyncset.done $0x0  }
0xd9: {  	s1 =	simm.s32 $0x3980;
	[sflag:s25] =	ssyncadd.s32 $0xFFFFFD80  }
0xda: {  	[tilespmem:s1], [sflag:$0x1] =	stream.strided.gather [spmem:s12], $0x280, s24, s23, $0x38;
	[tilespmem:$0x7800] =	vst v63  }
0xdb: {  	_ =	swait.ge [sflag:s25], $0x280  }
0xdc: {  	[sflag:s25] =	ssyncset.done $0x0  }
0xdd: {  	s1 =	simm.s32 $0x3C00;
	[sflag:s25] =	ssyncadd.s32 $0xFFFFFD80  }
0xde: {  	[tilespmem:s1], [sflag:$0x1] =	stream.strided.gather [spmem:s13], $0x280, s24, s23, $0x38;
	[tilespmem:$0x7800] =	vst v63  }
0xdf: {  	_ =	swait.ge [sflag:s25], $0x280  }
0xe0: {  	[sflag:s25] =	ssyncset.done $0x0  }
0xe1: {  	s1 =	simm.s32 $0x3E80;
	[sflag:s25] =	ssyncadd.s32 $0xFFFFFD80  }
0xe2: {  	[tilespmem:s1], [sflag:$0x1] =	stream.strided.gather [spmem:s14], $0x280, s24, s23, $0x38;
	[tilespmem:$0x7800] =	vst v63  }
0xe3: {  	_ =	swait.ge [sflag:s25], $0x280  }
0xe4: {  	[sflag:s25] =	ssyncset.done $0x0  }
0xe5: {  	s1 =	simm.s32 $0x4100;
	[sflag:s25] =	ssyncadd.s32 $0xFFFFFD80  }
0xe6: {  	[tilespmem:s1], [sflag:$0x1] =	stream.strided.gather [spmem:s15], $0x280, s24, s23, $0x38;
	[tilespmem:$0x7800] =	vst v63  }
0xe7: {  	_ =	swait.ge [sflag:s25], $0x280  }
0xe8: {  	[sflag:s25] =	ssyncset.done $0x0  }
0xe9: {  	s1 =	simm.s32 $0x4380;
	[sflag:s25] =	ssyncadd.s32 $0xFFFFFD80  }
0xea: {  	[tilespmem:s1], [sflag:$0x1] =	stream.strided.gather [spmem:s16], $0x280, s24, s23, $0x38;
	[tilespmem:$0x7800] =	vst v63  }
0xeb: {  	_ =	swait.ge [sflag:s25], $0x280  }
0xec: {  	[sflag:s25] =	ssyncset.done $0x0  }
0xed: {  	s1 =	simm.s32 $0x4600;
	[sflag:s25] =	ssyncadd.s32 $0xFFFFFD80  }
0xee: {  	[tilespmem:s1], [sflag:$0x1] =	stream.strided.gather [spmem:s17], $0x280, s24, s23, $0x38;
	[tilespmem:$0x7800] =	vst v63  }
0xef: {  	_ =	swait.ge [sflag:s25], $0x280  }
0xf0: {  	[sflag:s25] =	ssyncset.done $0x0  }
0xf1: {  	s1 =	simm.s32 $0x4880;
	[sflag:s25] =	ssyncadd.s32 $0xFFFFFD80  }
0xf2: {  	[tilespmem:s1], [sflag:$0x1] =	stream.strided.gather [spmem:s18], $0x280, s24, s23, $0x38;
	[tilespmem:$0x7800] =	vst v63  }
0xf3: {  	_ =	swait.ge [sflag:s25], $0x280  }
0xf4: {  	[sflag:s25] =	ssyncset.done $0x0  }
0xf5: {  	[sflag:s25] =	ssyncadd.s32 $0xFFFFFD80  }
0xf6: {  	[tilespmem:s2], [sflag:$0x1] =	stream.strided.gather [spmem:s19], $0x280, s24, s23, $0x38;
	[tilespmem:$0x7800] =	vst v63  }
0xf7: {  	_ =	swait.ge [sflag:s25], $0x280  }
0xf8: {  	[sflag:s25] =	ssyncset.done $0x0  }
0xf9: {  	[sflag:s25] =	ssyncadd.s32 $0xFFFFFD80  }
0xfa: {  	[tilespmem:s28], [sflag:$0x1] =	stream.strided.gather [spmem:s20], $0x280, s24, s23, $0x38;
	[tilespmem:$0x7800] =	vst v63  }
0xfb: {  	_ =	swait.ge [sflag:s25], $0x280  }
0xfc: {  	s1 =	simm.s32 $0x0;
	[sflag:s25] =	ssyncset.done $0x0  }
0xfd: {  	s31 =	sand.u32 $0x3F0, s1;
	[sflag:s25] =	ssyncadd.s32 $0xFFFFFD80  }
0xfe: {  	s1 =	simm.s32 $0x10;
	v1 =	vld [tilespmem:s31+$0x2A80]  }
.LBB2_6:
0xff: {  	p0 =	sne.s32 s1, $0x270;
	v2 =	vld [tilespmem:s0+$0x0];
	_ =	sdelay $0x1  }
0x100: {  	v3 =	vld [tilespmem:s31+$0x2D00];
	_ =	sdelay $0x1  }
0x101: {  	v4 =	vld [tilespmem:s31+$0x2F80]  }
0x102: {  	v1 =	vadd.f32 v1, v2  }
0x103: {  	v2 =	vld [tilespmem:s31+$0x3200]  }
0x104: {  	v1 =	vadd.f32 v3, v1  }
0x105: {  	v3 =	vld [tilespmem:s31+$0x3480]  }
0x106: {  	v1 =	vadd.f32 v4, v1  }
0x107: {  	v4 =	vld [tilespmem:s31+$0x3700]  }
0x108: {  	v1 =	vadd.f32 v2, v1  }
0x109: {  	v2 =	vld [tilespmem:s31+$0x3980]  }
0x10a: {  	v1 =	vadd.f32 v3, v1  }
0x10b: {  	v3 =	vld [tilespmem:s31+$0x3C00]  }
0x10c: {  	v1 =	vadd.f32 v4, v1  }
0x10d: {  	v4 =	vld [tilespmem:s31+$0x3E80]  }
0x10e: {  	v1 =	vadd.f32 v2, v1  }
0x10f: {  	v2 =	vld [tilespmem:s31+$0x4100]  }
0x110: {  	v1 =	vadd.f32 v3, v1  }
0x111: {  	v3 =	vld [tilespmem:s31+$0x4380]  }
0x112: {  	v1 =	vadd.f32 v4, v1  }
0x113: {  	v4 =	vld [tilespmem:s31+$0x4600]  }
0x114: {  	v1 =	vadd.f32 v2, v1  }
0x115: {  	v2 =	vld [tilespmem:s31+$0x4880]  }
0x116: {  	v1 =	vadd.f32 v3, v1  }
0x117: {  	v3 =	vld [tilespmem:s31+$0x4B00]  }
0x118: {  	v1 =	vadd.f32 v4, v1  }
0x119: {  	v4 =	vld [tilespmem:s31+$0x4D80]  }
0x11a: {  	v1 =	vadd.f32 v2, v1;
	_ =	sdelay $0x1  }
0x11b: {  	v1 =	vadd.f32 v3, v1  }
.Ltmp2:
0x11c: {  	(pc) =	sbr.rel @p0 .LBB2_6-.Ltmp2, $3  }
0x11d: {  	v1 =	vadd.f32 v4, v1;
	_ =	sdelay $0x1  }
0x11e: {  	s31 =	sand.u32 $0x3F0, s1;
	[tilespmem:s0+$0x0] =	vst v1  }
0x11f: {  	s1 =	sadd.s32 $0x10, s1;
	s0 =	sadd.s32 $0x10, s0;
	v1 =	vld [tilespmem:s31+$0x2A80]  }
0x120: {  	v2 =	vld [tilespmem:s0+$0x0];
	_ =	sdelay $0x1  }
0x121: {  	v3 =	vld [tilespmem:s31+$0x2D00];
	_ =	sdelay $0x1  }
0x122: {  	v4 =	vld [tilespmem:s31+$0x2F80]  }
0x123: {  	v1 =	vadd.f32 v1, v2  }
0x124: {  	v2 =	vld [tilespmem:s31+$0x3200]  }
0x125: {  	v1 =	vadd.f32 v3, v1  }
0x126: {  	v3 =	vld [tilespmem:s31+$0x3480]  }
0x127: {  	v1 =	vadd.f32 v4, v1  }
0x128: {  	v60 =	vld [tilespmem:s31+$0x3700]  }
0x129: {  	v1 =	vadd.f32 v2, v1  }
0x12a: {  	v2 =	vld [tilespmem:s31+$0x3980]  }
0x12b: {  	v1 =	vadd.f32 v3, v1  }
0x12c: {  	v3 =	vld [tilespmem:s31+$0x3C00]  }
0x12d: {  	v1 =	vadd.f32 v60, v1  }
0x12e: {  	v61 =	vld [tilespmem:s31+$0x3E80]  }
0x12f: {  	v1 =	vadd.f32 v2, v1  }
0x130: {  	v2 =	vld [tilespmem:s31+$0x4100]  }
0x131: {  	v1 =	vadd.f32 v3, v1  }
0x132: {  	v3 =	vld [tilespmem:s31+$0x4380]  }
0x133: {  	v1 =	vadd.f32 v61, v1  }
0x134: {  	v62 =	vld [tilespmem:s31+$0x4600]  }
0x135: {  	v1 =	vadd.f32 v2, v1  }
0x136: {  	v2 =	vld [tilespmem:s31+$0x4880]  }
0x137: {  	v1 =	vadd.f32 v3, v1  }
0x138: {  	v3 =	vld [tilespmem:s31+$0x4B00]  }
0x139: {  	v1 =	vadd.f32 v62, v1  }
0x13a: {  	v63 =	vld [tilespmem:s31+$0x4D80]  }
0x13b: {  	v1 =	vadd.f32 v2, v1;
	_ =	sdelay $0x1  }
0x13c: {  	v1 =	vadd.f32 v3, v1;
	_ =	sdelay $0x1  }
0x13d: {  	s30 =	sadd.s32 $0x1, s30;
	v1 =	vadd.f32 v63, v1  }
0x13e: {  	p0 =	sne.s32 s30, s22  }
.Ltmp3:
0x13f: {  	[tilespmem:s0+$0x0] =	vst v1;
	(pc) =	sbr.rel @p0 .LBB2_1-.Ltmp3, $4  }
0x140: {  	[hbm4b:s21+s23] =	stream.strided.scatter [tilespmem:s26], [sflag:$0x1], $0x280, s29, s23, $0x38;
	[tilespmem:$0x7800] =	vst v63  }
0x141: {  	_ =	swait.ge [sflag:s25], $0x280  }
0x142: {  	[sflag:s25] =	ssyncset.done $0x0  }
0x143: {  	[sflag:s25] =	ssyncadd.s32 $0xFFFFFD80  }
0x144: {  	_ =	sfence.sel $0x180000  }
0x145: {  	[bflag:$0x0] =	sbarrier.arrive $0xFFFF  }
0x146: {  	_ =	strace $0x90000047  }
0x147: {  	s0 =	stileid.u32;
	[bflag:$0x2] =	sbarrier.arrive $0xFFFF  }
0x148: {  	p0 =	sne.s32 s0, $0x0;
	s0 =	rddreg [dreg:$0x3]  }
0x149: {  	s0 =	sadd.s32 @!p0 $0x100000, s0  }
0x14a: {  	[sflag:s0] =	ssyncadd.tile.s32 @!p0 $0x1;
	_ =	shalt  }
.Lfunc_end2:
_tile_overlayer_lowered:
.L_overlay_start_2:
0x14b: {  	(tag) =	ssettag $0x2  }
0x14c: {  	s0 =	rddreg [dreg:$0x0];
	s2 =	stileid.u32  }
0x14d: {  	s1 =	rddreg [dreg:$0x1];
	p0 =	sne.s32 s2, $0x0  }
0x14e: {  	s3 =	rddreg [dreg:$0x2];
	[bflag:$0x3] =	sbarrier.arrive $0xFFFF;
	s2 =	simm.s32 @!p0 $0x1C01  }
0x14f: {  	[timem:s3], [sflag:s2] =	dma.local @!p0 [hbm:s0], s1  }
0x150: {  	s0 =	simm.s32 @!p0 $0x1  }
0x151: {  	_ =	swait.ge @!p0 [sflag:s0], s1  }
0x152: {  	s1 =	ssub.s32 @!p0 $0x0, s1;
	[sflag:s0] =	ssyncset.done @!p0 $0x0  }
0x153: {  	[sflag:s0] =	ssyncadd.s32 @!p0 s1  }
0x154: {  	[bflag:$0x3] =	sbarrier.arrive $0xFFFF  }
0x155: {  	_ =	shalt  }

</sc_bundles>
